<compile_context>
chip_gen: v7x
topology: tpu7x:2x2x1
jax: 0.10.2.dev20260603
libtpu: 0.0.44.dev20260713+nightly
codegen_flags: <defaults>
</compile_context>

<pallas_src>
import functools

import jax
import jax.numpy as jnp
from jax import lax
from jax.experimental import pallas as pl
from jax.experimental.pallas import tpu as pltpu
from jax.experimental.pallas import tpu_sc as plsc

EXPAND = 4
MEL_LEN = 8000
NUM_CORES = 2
NUM_SUBCORES = 16
NUM_WORKERS = NUM_CORES * NUM_SUBCORES
IN_CH = 40
NBUF = 5
LAG = 3
LANES = 16


def _make_expand(B, T, D):
    t_used = MEL_LEN // EXPAND
    wpb = NUM_WORKERS // B
    rows_w = MEL_LEN // wpb
    in_rows_w = t_used // wpb
    nchunk = in_rows_w // IN_CH
    out_ch = IN_CH * EXPAND
    seg_offs = [o * LANES for o in range(IN_CH // LANES)]
    if IN_CH % LANES:
        seg_offs.append(IN_CH - LANES)

    mesh = plsc.VectorSubcoreMesh(
        core_axis_name="c", subcore_axis_name="s",
        num_cores=NUM_CORES, num_subcores=NUM_SUBCORES)

    @functools.partial(
        pl.kernel,
        out_type=jax.ShapeDtypeStruct((B * MEL_LEN, D), jnp.float32),
        mesh=mesh,
        scratch_types=(
            [pltpu.VMEM((IN_CH,), jnp.int32) for _ in range(EXPAND * NBUF)]
            + [pltpu.VMEM((IN_CH, D), jnp.float32) for _ in range(NBUF)]
            + [pltpu.SemaphoreType.DMA for _ in range(2 * NBUF)]
        ),
    )
    def expand(in_hbm, out_hbm, *scratch):
        idxs = scratch[:EXPAND * NBUF]
        bufs = scratch[EXPAND * NBUF:EXPAND * NBUF + NBUF]
        gsems = scratch[EXPAND * NBUF + NBUF:EXPAND * NBUF + 2 * NBUF]
        ssems = scratch[EXPAND * NBUF + 2 * NBUF:]
        cid = lax.axis_index("c")
        sid = lax.axis_index("s")
        wid = sid * NUM_CORES + cid
        b = wid // wpb
        h = wid % wpb
        out_base = b * MEL_LEN + h * rows_w
        in_base = b * T + h * in_rows_w
        pattern4 = lax.mul(lax.iota(jnp.int32, LANES),
                           lax.full((LANES,), EXPAND, jnp.int32))

        def in_at(c):
            return in_hbm.at[pl.ds(in_base + c * IN_CH, IN_CH)]

        def start_gather(c, k):
            pltpu.async_copy(in_at(c), bufs[k], gsems[k])

        def finish_chunk(c, k):
            pltpu.make_async_copy(in_at(c), bufs[k], gsems[k]).wait()
            obase = out_base + c * out_ch
            for j in range(EXPAND):
                idx = idxs[k * EXPAND + j]
                for o in seg_offs:
                    idx[pl.ds(o, LANES)] = pattern4 + lax.broadcast(
                        obase + EXPAND * o + j, (LANES,))
                pltpu.async_copy(bufs[k], out_hbm.at[idx], ssems[k])

        def wait_scatters(k):
            for _ in range(EXPAND):
                pltpu.make_async_copy(bufs[k], out_hbm.at[idxs[k * EXPAND]],
                                      ssems[k]).wait()

        for c in range(NBUF):
            start_gather(c, c)
            if c >= LAG:
                finish_chunk(c - LAG, c - LAG)

        def step(g, carry):
            for k in range(NBUF):
                c = NBUF * g + k
                wait_scatters(k)
                start_gather(c, k)
                kj = (k + NBUF - LAG) % NBUF
                finish_chunk(c - LAG, kj)
            return carry

        lax.fori_loop(1, nchunk // NBUF, step, 0)

        for c in range(nchunk - LAG, nchunk):
            finish_chunk(c, c % NBUF)
        for k in range(NBUF):
            wait_scatters(k)

    return expand


def kernel(text_memory, mel_len):
    B, T, D = text_memory.shape
    out = _make_expand(B, T, D)(text_memory.reshape(B * T, D))
    return out.reshape(B, MEL_LEN, D)

# --- scband reference (transcript-rebuilt; emitter-appended) ---
"""Pipeline reference for scband-length-regulator-6957847019835 (READ-ONLY COPY).

The authoritative reference and input builder live on the scoring server;
editing this copy changes nothing except your own understanding.
"""

import jax, jax.numpy as jnp
import numpy as np

EXPAND_FACTOR = 4
MEL_LEN = 8000

def setup_inputs(seed: int = 0) -> dict:
    key = jax.random.key(seed)
    text_memory = jax.random.normal(key, (16, 2048, 256), dtype=jnp.float32)
    return {"text_memory": text_memory, "mel_len": 8000}

def reference(text_memory, mel_len):
    # Faithful translation of Length_Regulator.forward:
    # each text frame t is repeated expand_factor times contiguously along time,
    # which is exactly repeat (interleave) along axis=1.
    mel_chunks = jnp.repeat(text_memory, EXPAND_FACTOR, axis=1)
    B, cat_mel_len, D = mel_chunks.shape
    if cat_mel_len < MEL_LEN:
        pad_t = jnp.zeros((B, MEL_LEN - cat_mel_len, D), dtype=mel_chunks.dtype)
        mel_chunks = jnp.concatenate([mel_chunks, pad_t], axis=1)
    start = mel_len - MEL_LEN
    mel_chunks = jax.lax.dynamic_slice_in_dim(mel_chunks, start, MEL_LEN, axis=1)
    return mel_chunks

if __name__ == "__main__":
    import jax
    _d = setup_inputs()
    print(jax.jit(kernel)(*tuple(_d.values())))

</pallas_src>

<mosaic_0001>
#map = affine_map<(d0, d1) -> (0, 0)>
module attributes {stable_mosaic.version = 14 : i64} {
  func.func @expand(%arg0: i32, %arg1: i32, %arg2: memref<32768x256xf32, #tpu.memory_space<hbm>>, %arg3: memref<128000x256xf32, #tpu.memory_space<hbm>>, %arg4: memref<40xi32, #tpu.memory_space<vmem>>, %arg5: memref<40xi32, #tpu.memory_space<vmem>>, %arg6: memref<40xi32, #tpu.memory_space<vmem>>, %arg7: memref<40xi32, #tpu.memory_space<vmem>>, %arg8: memref<40xi32, #tpu.memory_space<vmem>>, %arg9: memref<40xi32, #tpu.memory_space<vmem>>, %arg10: memref<40xi32, #tpu.memory_space<vmem>>, %arg11: memref<40xi32, #tpu.memory_space<vmem>>, %arg12: memref<40xi32, #tpu.memory_space<vmem>>, %arg13: memref<40xi32, #tpu.memory_space<vmem>>, %arg14: memref<40xi32, #tpu.memory_space<vmem>>, %arg15: memref<40xi32, #tpu.memory_space<vmem>>, %arg16: memref<40xi32, #tpu.memory_space<vmem>>, %arg17: memref<40xi32, #tpu.memory_space<vmem>>, %arg18: memref<40xi32, #tpu.memory_space<vmem>>, %arg19: memref<40xi32, #tpu.memory_space<vmem>>, %arg20: memref<40xi32, #tpu.memory_space<vmem>>, %arg21: memref<40xi32, #tpu.memory_space<vmem>>, %arg22: memref<40xi32, #tpu.memory_space<vmem>>, %arg23: memref<40xi32, #tpu.memory_space<vmem>>, %arg24: memref<40x256xf32, #tpu.memory_space<vmem>>, %arg25: memref<40x256xf32, #tpu.memory_space<vmem>>, %arg26: memref<40x256xf32, #tpu.memory_space<vmem>>, %arg27: memref<40x256xf32, #tpu.memory_space<vmem>>, %arg28: memref<40x256xf32, #tpu.memory_space<vmem>>, %arg29: memref<!tpu.dma_semaphore, #tpu.memory_space<semaphore_mem>>, %arg30: memref<!tpu.dma_semaphore, #tpu.memory_space<semaphore_mem>>, %arg31: memref<!tpu.dma_semaphore, #tpu.memory_space<semaphore_mem>>, %arg32: memref<!tpu.dma_semaphore, #tpu.memory_space<semaphore_mem>>, %arg33: memref<!tpu.dma_semaphore, #tpu.memory_space<semaphore_mem>>, %arg34: memref<!tpu.dma_semaphore, #tpu.memory_space<semaphore_mem>>, %arg35: memref<!tpu.dma_semaphore, #tpu.memory_space<semaphore_mem>>, %arg36: memref<!tpu.dma_semaphore, #tpu.memory_space<semaphore_mem>>, %arg37: memref<!tpu.dma_semaphore, #tpu.memory_space<semaphore_mem>>, %arg38: memref<!tpu.dma_semaphore, #tpu.memory_space<semaphore_mem>>) attributes {dimension_semantics = [#tpu.dimension_semantics<core_parallel>, #tpu.dimension_semantics<subcore_parallel>], iteration_bounds = array<i64: 2, 16>, scalar_prefetch = 0 : i64, scratch_operands = 35 : i64, tpu.core_type = #tpu.core_type<sc_vector_subcore>, window_params = [{transform_indices = #map}, {transform_indices = #map}]} {
    %mul3A = arith.constant 2 : i32
    %mul3A_0 = arith.muli %arg1, %mul3A : i32
    %add3A = arith.addi %mul3A_0, %arg0 : i32
    %jit3A = arith.constant 2 : i32
    %div3A = arith.divsi %add3A, %jit3A : i32
    %sign3A = arith.constant 0 : i32
    %sign3A_1 = arith.cmpi sgt, %add3A, %sign3A : i32
    %sign3A_2 = arith.extui %sign3A_1 : i1 to i32
    %sign3A_3 = arith.constant 0 : i32
    %sign3A_4 = arith.cmpi slt, %add3A, %sign3A_3 : i32
    %sign3A_5 = arith.extui %sign3A_4 : i1 to i32
    %sign3A_6 = arith.subi %sign3A_2, %sign3A_5 : i32
    %sign3A_7 = arith.constant 0 : i32
    %sign3A_8 = arith.cmpi sgt, %jit3A, %sign3A_7 : i32
    %sign3A_9 = arith.extui %sign3A_8 : i1 to i32
    %sign3A_10 = arith.constant 0 : i32
    %sign3A_11 = arith.cmpi slt, %jit3A, %sign3A_10 : i32
    %sign3A_12 = arith.extui %sign3A_11 : i1 to i32
    %sign3A_13 = arith.subi %sign3A_9, %sign3A_12 : i32
    %ne3A = arith.cmpi ne, %sign3A_6, %sign3A_13 : i32
    %rem3A = arith.remsi %add3A, %jit3A : i32
    %ne3A_14 = arith.constant 0 : i32
    %ne3A_15 = arith.cmpi ne, %rem3A, %ne3A_14 : i32
    %and3A = arith.andi %ne3A, %ne3A_15 : i1
    %sub3A = arith.constant 1 : i32
    %sub3A_16 = arith.subi %div3A, %sub3A : i32
    %select_n3A = arith.select %and3A, %sub3A_16, %div3A : i32
    %jit3A_17 = arith.constant 2 : i32
    %eq3A = arith.constant 0 : i32
    %eq3A_18 = arith.cmpi eq, %jit3A_17, %eq3A : i32
    %jit3A_19 = arith.constant 1 : i32
    %select_n3A_20 = arith.select %eq3A_18, %jit3A_19, %jit3A_17 : i32
    %rem3A_21 = arith.remsi %add3A, %select_n3A_20 : i32
    %ne3A_22 = arith.constant 0 : i32
    %ne3A_23 = arith.cmpi ne, %rem3A_21, %ne3A_22 : i32
    %lt3A = arith.constant 0 : i32
    %lt3A_24 = arith.cmpi slt, %rem3A_21, %lt3A : i32
    %lt3A_25 = arith.constant 0 : i32
    %lt3A_26 = arith.cmpi slt, %select_n3A_20, %lt3A_25 : i32
    %ne3A_27 = arith.xori %lt3A_24, %lt3A_26 : i1
    %and3A_28 = arith.andi %ne3A_27, %ne3A_23 : i1
    %add3A_29 = arith.addi %rem3A_21, %select_n3A_20 : i32
    %select_n3A_30 = arith.select %and3A_28, %add3A_29, %rem3A_21 : i32
    %mul3A_31 = arith.constant 8000 : i32
    %mul3A_32 = arith.muli %select_n3A, %mul3A_31 : i32
    %mul3A_33 = arith.constant 4000 : i32
    %mul3A_34 = arith.muli %select_n3A_30, %mul3A_33 : i32
    %add3A_35 = arith.addi %mul3A_32, %mul3A_34 : i32
    %mul3A_36 = arith.constant 2048 : i32
    %mul3A_37 = arith.muli %select_n3A, %mul3A_36 : i32
    %mul3A_38 = arith.constant 1000 : i32
    %mul3A_39 = arith.muli %select_n3A_30, %mul3A_38 : i32
    %add3A_40 = arith.addi %mul3A_37, %mul3A_39 : i32
    %iota3A = tpu.iota {dimensions = array<i32: 0>} : vector<16xi32>
    %broadcast_in_dim3A = arith.constant 4 : i32
    %broadcast_in_dim3A_41 = vector.broadcast %broadcast_in_dim3A : i32 to vector<16xi32>
    %mul3A_42 = arith.muli %iota3A, %broadcast_in_dim3A_41 : vector<16xi32>
    %add3A_43 = arith.constant 0 : i32
    %add3A_44 = arith.addi %add3A_40, %add3A_43 : i32
    %dma_start3A = arith.constant 0 : i32
    %dma_start3A_45 = tpu.memref_slice %arg2[%add3A_44, %dma_start3A] : memref<32768x256xf32, #tpu.memory_space<hbm>> -> memref<40x256xf32, #tpu.memory_space<hbm>>
    %dma_start3A_46 = arith.constant 0 : i32
    %dma_start3A_47 = tpu.memref_slice %arg2[%add3A_44, %dma_start3A_46] : memref<32768x256xf32, #tpu.memory_space<hbm>> -> memref<40x256xf32, #tpu.memory_space<hbm>>
    tpu.enqueue_dma source(%dma_start3A_47 : memref<40x256xf32, #tpu.memory_space<hbm>>) target(%arg24 : memref<40x256xf32, #tpu.memory_space<vmem>>) target_semaphore(%arg29 : memref<!tpu.dma_semaphore, #tpu.memory_space<semaphore_mem>>)
    %add3A_48 = arith.constant 40 : i32
    %add3A_49 = arith.addi %add3A_40, %add3A_48 : i32
    %dma_start3A_50 = arith.constant 0 : i32
    %dma_start3A_51 = tpu.memref_slice %arg2[%add3A_49, %dma_start3A_50] : memref<32768x256xf32, #tpu.memory_space<hbm>> -> memref<40x256xf32, #tpu.memory_space<hbm>>
    %dma_start3A_52 = arith.constant 0 : i32
    %dma_start3A_53 = tpu.memref_slice %arg2[%add3A_49, %dma_start3A_52] : memref<32768x256xf32, #tpu.memory_space<hbm>> -> memref<40x256xf32, #tpu.memory_space<hbm>>
    tpu.enqueue_dma source(%dma_start3A_53 : memref<40x256xf32, #tpu.memory_space<hbm>>) target(%arg25 : memref<40x256xf32, #tpu.memory_space<vmem>>) target_semaphore(%arg30 : memref<!tpu.dma_semaphore, #tpu.memory_space<semaphore_mem>>)
    %add3A_54 = arith.constant 80 : i32
    %add3A_55 = arith.addi %add3A_40, %add3A_54 : i32
    %dma_start3A_56 = arith.constant 0 : i32
    %dma_start3A_57 = tpu.memref_slice %arg2[%add3A_55, %dma_start3A_56] : memref<32768x256xf32, #tpu.memory_space<hbm>> -> memref<40x256xf32, #tpu.memory_space<hbm>>
    %dma_start3A_58 = arith.constant 0 : i32
    %dma_start3A_59 = tpu.memref_slice %arg2[%add3A_55, %dma_start3A_58] : memref<32768x256xf32, #tpu.memory_space<hbm>> -> memref<40x256xf32, #tpu.memory_space<hbm>>
    tpu.enqueue_dma source(%dma_start3A_59 : memref<40x256xf32, #tpu.memory_space<hbm>>) target(%arg26 : memref<40x256xf32, #tpu.memory_space<vmem>>) target_semaphore(%arg31 : memref<!tpu.dma_semaphore, #tpu.memory_space<semaphore_mem>>)
    %add3A_60 = arith.constant 120 : i32
    %add3A_61 = arith.addi %add3A_40, %add3A_60 : i32
    %dma_start3A_62 = arith.constant 0 : i32
    %dma_start3A_63 = tpu.memref_slice %arg2[%add3A_61, %dma_start3A_62] : memref<32768x256xf32, #tpu.memory_space<hbm>> -> memref<40x256xf32, #tpu.memory_space<hbm>>
    %dma_start3A_64 = arith.constant 0 : i32
    %dma_start3A_65 = tpu.memref_slice %arg2[%add3A_61, %dma_start3A_64] : memref<32768x256xf32, #tpu.memory_space<hbm>> -> memref<40x256xf32, #tpu.memory_space<hbm>>
    tpu.enqueue_dma source(%dma_start3A_65 : memref<40x256xf32, #tpu.memory_space<hbm>>) target(%arg27 : memref<40x256xf32, #tpu.memory_space<vmem>>) target_semaphore(%arg32 : memref<!tpu.dma_semaphore, #tpu.memory_space<semaphore_mem>>)
    %add3A_66 = arith.constant 0 : i32
    %add3A_67 = arith.addi %add3A_40, %add3A_66 : i32
    %dma_wait3A = arith.constant 0 : i32
    %dma_wait3A_68 = tpu.memref_slice %arg2[%add3A_67, %dma_wait3A] : memref<32768x256xf32, #tpu.memory_space<hbm>> -> memref<40x256xf32, #tpu.memory_space<hbm>>
    %dma_wait3A_69 = arith.constant 0 : i32
    %dma_wait3A_70 = tpu.memref_slice %arg2[%add3A_67, %dma_wait3A_69] : memref<32768x256xf32, #tpu.memory_space<hbm>> -> memref<40x256xf32, #tpu.memory_space<hbm>>
    tpu.wait_dma2 semaphore(%arg29 : memref<!tpu.dma_semaphore, #tpu.memory_space<semaphore_mem>>) src(%dma_wait3A_70 : memref<40x256xf32, #tpu.memory_space<hbm>>) dst(%arg24 : memref<40x256xf32, #tpu.memory_space<vmem>>)
    %add3A_71 = arith.constant 0 : i32
    %add3A_72 = arith.addi %add3A_35, %add3A_71 : i32
    %add3A_73 = arith.constant 0 : i32
    %add3A_74 = arith.addi %add3A_72, %add3A_73 : i32
    %add3A_75 = arith.constant 0 : i32
    %add3A_76 = arith.addi %add3A_74, %add3A_75 : i32
    %broadcast_in_dim3A_77 = vector.broadcast %add3A_76 : i32 to vector<16xi32>
    %add3A_78 = arith.addi %mul3A_42, %broadcast_in_dim3A_77 : vector<16xi32>
    %swap3A = arith.constant 0 : index
    %swap3A_79 = tpu.vector_load %arg4[%swap3A] {strides = array<i32>} : memref<40xi32, #tpu.memory_space<vmem>>, vector<16xi32>,
    %swap3A_80 = vector.shape_cast %swap3A_79 : vector<16xi32> to vector<16xi32>
    %swap3A_81 = vector.shape_cast %add3A_78 : vector<16xi32> to vector<16xi32>
    tpu.vector_store %arg4[%swap3A], %swap3A_81 {strides = array<i32>} : memref<40xi32, #tpu.memory_space<vmem>>, vector<16xi32>,
    %add3A_82 = arith.constant 64 : i32
    %add3A_83 = arith.addi %add3A_72, %add3A_82 : i32
    %add3A_84 = arith.constant 0 : i32
    %add3A_85 = arith.addi %add3A_83, %add3A_84 : i32
    %broadcast_in_dim3A_86 = vector.broadcast %add3A_85 : i32 to vector<16xi32>
    %add3A_87 = arith.addi %mul3A_42, %broadcast_in_dim3A_86 : vector<16xi32>
    %swap3A_88 = arith.constant 16 : index
    %swap3A_89 = tpu.vector_load %arg4[%swap3A_88] {strides = array<i32>} : memref<40xi32, #tpu.memory_space<vmem>>, vector<16xi32>,
    %swap3A_90 = vector.shape_cast %swap3A_89 : vector<16xi32> to vector<16xi32>
    %swap3A_91 = vector.shape_cast %add3A_87 : vector<16xi32> to vector<16xi32>
    tpu.vector_store %arg4[%swap3A_88], %swap3A_91 {strides = array<i32>} : memref<40xi32, #tpu.memory_space<vmem>>, vector<16xi32>,
    %add3A_92 = arith.constant 96 : i32
    %add3A_93 = arith.addi %add3A_72, %add3A_92 : i32
    %add3A_94 = arith.constant 0 : i32
    %add3A_95 = arith.addi %add3A_93, %add3A_94 : i32
    %broadcast_in_dim3A_96 = vector.broadcast %add3A_95 : i32 to vector<16xi32>
    %add3A_97 = arith.addi %mul3A_42, %broadcast_in_dim3A_96 : vector<16xi32>
    %swap3A_98 = arith.constant 24 : index
    %swap3A_99 = tpu.vector_load %arg4[%swap3A_98] {strides = array<i32>} : memref<40xi32, #tpu.memory_space<vmem>>, vector<16xi32>,
    %swap3A_100 = vector.shape_cast %swap3A_99 : vector<16xi32> to vector<16xi32>
    %swap3A_101 = vector.shape_cast %add3A_97 : vector<16xi32> to vector<16xi32>
    tpu.vector_store %arg4[%swap3A_98], %swap3A_101 {strides = array<i32>} : memref<40xi32, #tpu.memory_space<vmem>>, vector<16xi32>,
    %dma_start3A_102 = arith.constant 0 : i32
    %dma_start3A_103 = arith.constant 0 : i32
    %dma_start3A_104 = tpu.memref_slice %arg3[%dma_start3A_102, %dma_start3A_103] : memref<128000x256xf32, #tpu.memory_space<hbm>> -> memref<128000x256xf32, #tpu.memory_space<hbm>>
    tpu.enqueue_indirect_dma source(%arg24 : memref<40x256xf32, #tpu.memory_space<vmem>>) target(%dma_start3A_104 : memref<128000x256xf32, #tpu.memory_space<hbm>>) offsets(%arg4 : memref<40xi32, #tpu.memory_space<vmem>>) semaphore(%arg34 : memref<!tpu.dma_semaphore, #tpu.memory_space<semaphore_mem>>)
    %add3A_105 = arith.constant 0 : i32
    %add3A_106 = arith.addi %add3A_72, %add3A_105 : i32
    %add3A_107 = arith.constant 1 : i32
    %add3A_108 = arith.addi %add3A_106, %add3A_107 : i32
    %broadcast_in_dim3A_109 = vector.broadcast %add3A_108 : i32 to vector<16xi32>
    %add3A_110 = arith.addi %mul3A_42, %broadcast_in_dim3A_109 : vector<16xi32>
    %swap3A_111 = arith.constant 0 : index
    %swap3A_112 = tpu.vector_load %arg5[%swap3A_111] {strides = array<i32>} : memref<40xi32, #tpu.memory_space<vmem>>, vector<16xi32>,
    %swap3A_113 = vector.shape_cast %swap3A_112 : vector<16xi32> to vector<16xi32>
    %swap3A_114 = vector.shape_cast %add3A_110 : vector<16xi32> to vector<16xi32>
    tpu.vector_store %arg5[%swap3A_111], %swap3A_114 {strides = array<i32>} : memref<40xi32, #tpu.memory_space<vmem>>, vector<16xi32>,
    %add3A_115 = arith.constant 64 : i32
    %add3A_116 = arith.addi %add3A_72, %add3A_115 : i32
    %add3A_117 = arith.constant 1 : i32
    %add3A_118 = arith.addi %add3A_116, %add3A_117 : i32
    %broadcast_in_dim3A_119 = vector.broadcast %add3A_118 : i32 to vector<16xi32>
    %add3A_120 = arith.addi %mul3A_42, %broadcast_in_dim3A_119 : vector<16xi32>
    %swap3A_121 = arith.constant 16 : index
    %swap3A_122 = tpu.vector_load %arg5[%swap3A_121] {strides = array<i32>} : memref<40xi32, #tpu.memory_space<vmem>>, vector<16xi32>,
    %swap3A_123 = vector.shape_cast %swap3A_122 : vector<16xi32> to vector<16xi32>
    %swap3A_124 = vector.shape_cast %add3A_120 : vector<16xi32> to vector<16xi32>
    tpu.vector_store %arg5[%swap3A_121], %swap3A_124 {strides = array<i32>} : memref<40xi32, #tpu.memory_space<vmem>>, vector<16xi32>,
    %add3A_125 = arith.constant 96 : i32
    %add3A_126 = arith.addi %add3A_72, %add3A_125 : i32
    %add3A_127 = arith.constant 1 : i32
    %add3A_128 = arith.addi %add3A_126, %add3A_127 : i32
    %broadcast_in_dim3A_129 = vector.broadcast %add3A_128 : i32 to vector<16xi32>
    %add3A_130 = arith.addi %mul3A_42, %broadcast_in_dim3A_129 : vector<16xi32>
    %swap3A_131 = arith.constant 24 : index
    %swap3A_132 = tpu.vector_load %arg5[%swap3A_131] {strides = array<i32>} : memref<40xi32, #tpu.memory_space<vmem>>, vector<16xi32>,
    %swap3A_133 = vector.shape_cast %swap3A_132 : vector<16xi32> to vector<16xi32>
    %swap3A_134 = vector.shape_cast %add3A_130 : vector<16xi32> to vector<16xi32>
    tpu.vector_store %arg5[%swap3A_131], %swap3A_134 {strides = array<i32>} : memref<40xi32, #tpu.memory_space<vmem>>, vector<16xi32>,
    %dma_start3A_135 = arith.constant 0 : i32
    %dma_start3A_136 = arith.constant 0 : i32
    %dma_start3A_137 = tpu.memref_slice %arg3[%dma_start3A_135, %dma_start3A_136] : memref<128000x256xf32, #tpu.memory_space<hbm>> -> memref<128000x256xf32, #tpu.memory_space<hbm>>
    tpu.enqueue_indirect_dma source(%arg24 : memref<40x256xf32, #tpu.memory_space<vmem>>) target(%dma_start3A_137 : memref<128000x256xf32, #tpu.memory_space<hbm>>) offsets(%arg5 : memref<40xi32, #tpu.memory_space<vmem>>) semaphore(%arg34 : memref<!tpu.dma_semaphore, #tpu.memory_space<semaphore_mem>>)
    %add3A_138 = arith.constant 0 : i32
    %add3A_139 = arith.addi %add3A_72, %add3A_138 : i32
    %add3A_140 = arith.constant 2 : i32
    %add3A_141 = arith.addi %add3A_139, %add3A_140 : i32
    %broadcast_in_dim3A_142 = vector.broadcast %add3A_141 : i32 to vector<16xi32>
    %add3A_143 = arith.addi %mul3A_42, %broadcast_in_dim3A_142 : vector<16xi32>
    %swap3A_144 = arith.constant 0 : index
    %swap3A_145 = tpu.vector_load %arg6[%swap3A_144] {strides = array<i32>} : memref<40xi32, #tpu.memory_space<vmem>>, vector<16xi32>,
    %swap3A_146 = vector.shape_cast %swap3A_145 : vector<16xi32> to vector<16xi32>
    %swap3A_147 = vector.shape_cast %add3A_143 : vector<16xi32> to vector<16xi32>
    tpu.vector_store %arg6[%swap3A_144], %swap3A_147 {strides = array<i32>} : memref<40xi32, #tpu.memory_space<vmem>>, vector<16xi32>,
    %add3A_148 = arith.constant 64 : i32
    %add3A_149 = arith.addi %add3A_72, %add3A_148 : i32
    %add3A_150 = arith.constant 2 : i32
    %add3A_151 = arith.addi %add3A_149, %add3A_150 : i32
    %broadcast_in_dim3A_152 = vector.broadcast %add3A_151 : i32 to vector<16xi32>
    %add3A_153 = arith.addi %mul3A_42, %broadcast_in_dim3A_152 : vector<16xi32>
    %swap3A_154 = arith.constant 16 : index
    %swap3A_155 = tpu.vector_load %arg6[%swap3A_154] {strides = array<i32>} : memref<40xi32, #tpu.memory_space<vmem>>, vector<16xi32>,
    %swap3A_156 = vector.shape_cast %swap3A_155 : vector<16xi32> to vector<16xi32>
    %swap3A_157 = vector.shape_cast %add3A_153 : vector<16xi32> to vector<16xi32>
    tpu.vector_store %arg6[%swap3A_154], %swap3A_157 {strides = array<i32>} : memref<40xi32, #tpu.memory_space<vmem>>, vector<16xi32>,
    %add3A_158 = arith.constant 96 : i32
    %add3A_159 = arith.addi %add3A_72, %add3A_158 : i32
    %add3A_160 = arith.constant 2 : i32
    %add3A_161 = arith.addi %add3A_159, %add3A_160 : i32
    %broadcast_in_dim3A_162 = vector.broadcast %add3A_161 : i32 to vector<16xi32>
    %add3A_163 = arith.addi %mul3A_42, %broadcast_in_dim3A_162 : vector<16xi32>
    %swap3A_164 = arith.constant 24 : index
    %swap3A_165 = tpu.vector_load %arg6[%swap3A_164] {strides = array<i32>} : memref<40xi32, #tpu.memory_space<vmem>>, vector<16xi32>,
    %swap3A_166 = vector.shape_cast %swap3A_165 : vector<16xi32> to vector<16xi32>
    %swap3A_167 = vector.shape_cast %add3A_163 : vector<16xi32> to vector<16xi32>
    tpu.vector_store %arg6[%swap3A_164], %swap3A_167 {strides = array<i32>} : memref<40xi32, #tpu.memory_space<vmem>>, vector<16xi32>,
    %dma_start3A_168 = arith.constant 0 : i32
    %dma_start3A_169 = arith.constant 0 : i32
    %dma_start3A_170 = tpu.memref_slice %arg3[%dma_start3A_168, %dma_start3A_169] : memref<128000x256xf32, #tpu.memory_space<hbm>> -> memref<128000x256xf32, #tpu.memory_space<hbm>>
    tpu.enqueue_indirect_dma source(%arg24 : memref<40x256xf32, #tpu.memory_space<vmem>>) target(%dma_start3A_170 : memref<128000x256xf32, #tpu.memory_space<hbm>>) offsets(%arg6 : memref<40xi32, #tpu.memory_space<vmem>>) semaphore(%arg34 : memref<!tpu.dma_semaphore, #tpu.memory_space<semaphore_mem>>)
    %add3A_171 = arith.constant 0 : i32
    %add3A_172 = arith.addi %add3A_72, %add3A_171 : i32
    %add3A_173 = arith.constant 3 : i32
    %add3A_174 = arith.addi %add3A_172, %add3A_173 : i32
    %broadcast_in_dim3A_175 = vector.broadcast %add3A_174 : i32 to vector<16xi32>
    %add3A_176 = arith.addi %mul3A_42, %broadcast_in_dim3A_175 : vector<16xi32>
    %swap3A_177 = arith.constant 0 : index
    %swap3A_178 = tpu.vector_load %arg7[%swap3A_177] {strides = array<i32>} : memref<40xi32, #tpu.memory_space<vmem>>, vector<16xi32>,
    %swap3A_179 = vector.shape_cast %swap3A_178 : vector<16xi32> to vector<16xi32>
    %swap3A_180 = vector.shape_cast %add3A_176 : vector<16xi32> to vector<16xi32>
    tpu.vector_store %arg7[%swap3A_177], %swap3A_180 {strides = array<i32>} : memref<40xi32, #tpu.memory_space<vmem>>, vector<16xi32>,
    %add3A_181 = arith.constant 64 : i32
    %add3A_182 = arith.addi %add3A_72, %add3A_181 : i32
    %add3A_183 = arith.constant 3 : i32
    %add3A_184 = arith.addi %add3A_182, %add3A_183 : i32
    %broadcast_in_dim3A_185 = vector.broadcast %add3A_184 : i32 to vector<16xi32>
    %add3A_186 = arith.addi %mul3A_42, %broadcast_in_dim3A_185 : vector<16xi32>
    %swap3A_187 = arith.constant 16 : index
    %swap3A_188 = tpu.vector_load %arg7[%swap3A_187] {strides = array<i32>} : memref<40xi32, #tpu.memory_space<vmem>>, vector<16xi32>,
    %swap3A_189 = vector.shape_cast %swap3A_188 : vector<16xi32> to vector<16xi32>
    %swap3A_190 = vector.shape_cast %add3A_186 : vector<16xi32> to vector<16xi32>
    tpu.vector_store %arg7[%swap3A_187], %swap3A_190 {strides = array<i32>} : memref<40xi32, #tpu.memory_space<vmem>>, vector<16xi32>,
    %add3A_191 = arith.constant 96 : i32
    %add3A_192 = arith.addi %add3A_72, %add3A_191 : i32
    %add3A_193 = arith.constant 3 : i32
    %add3A_194 = arith.addi %add3A_192, %add3A_193 : i32
    %broadcast_in_dim3A_195 = vector.broadcast %add3A_194 : i32 to vector<16xi32>
    %add3A_196 = arith.addi %mul3A_42, %broadcast_in_dim3A_195 : vector<16xi32>
    %swap3A_197 = arith.constant 24 : index
    %swap3A_198 = tpu.vector_load %arg7[%swap3A_197] {strides = array<i32>} : memref<40xi32, #tpu.memory_space<vmem>>, vector<16xi32>,
    %swap3A_199 = vector.shape_cast %swap3A_198 : vector<16xi32> to vector<16xi32>
    %swap3A_200 = vector.shape_cast %add3A_196 : vector<16xi32> to vector<16xi32>
    tpu.vector_store %arg7[%swap3A_197], %swap3A_200 {strides = array<i32>} : memref<40xi32, #tpu.memory_space<vmem>>, vector<16xi32>,
    %dma_start3A_201 = arith.constant 0 : i32
    %dma_start3A_202 = arith.constant 0 : i32
    %dma_start3A_203 = tpu.memref_slice %arg3[%dma_start3A_201, %dma_start3A_202] : memref<128000x256xf32, #tpu.memory_space<hbm>> -> memref<128000x256xf32, #tpu.memory_space<hbm>>
    tpu.enqueue_indirect_dma source(%arg24 : memref<40x256xf32, #tpu.memory_space<vmem>>) target(%dma_start3A_203 : memref<128000x256xf32, #tpu.memory_space<hbm>>) offsets(%arg7 : memref<40xi32, #tpu.memory_space<vmem>>) semaphore(%arg34 : memref<!tpu.dma_semaphore, #tpu.memory_space<semaphore_mem>>)
    %add3A_204 = arith.constant 160 : i32
    %add3A_205 = arith.addi %add3A_40, %add3A_204 : i32
    %dma_start3A_206 = arith.constant 0 : i32
    %dma_start3A_207 = tpu.memref_slice %arg2[%add3A_205, %dma_start3A_206] : memref<32768x256xf32, #tpu.memory_space<hbm>> -> memref<40x256xf32, #tpu.memory_space<hbm>>
    %dma_start3A_208 = arith.constant 0 : i32
    %dma_start3A_209 = tpu.memref_slice %arg2[%add3A_205, %dma_start3A_208] : memref<32768x256xf32, #tpu.memory_space<hbm>> -> memref<40x256xf32, #tpu.memory_space<hbm>>
    tpu.enqueue_dma source(%dma_start3A_209 : memref<40x256xf32, #tpu.memory_space<hbm>>) target(%arg28 : memref<40x256xf32, #tpu.memory_space<vmem>>) target_semaphore(%arg33 : memref<!tpu.dma_semaphore, #tpu.memory_space<semaphore_mem>>)
    %add3A_210 = arith.constant 40 : i32
    %add3A_211 = arith.addi %add3A_40, %add3A_210 : i32
    %dma_wait3A_212 = arith.constant 0 : i32
    %dma_wait3A_213 = tpu.memref_slice %arg2[%add3A_211, %dma_wait3A_212] : memref<32768x256xf32, #tpu.memory_space<hbm>> -> memref<40x256xf32, #tpu.memory_space<hbm>>
    %dma_wait3A_214 = arith.constant 0 : i32
    %dma_wait3A_215 = tpu.memref_slice %arg2[%add3A_211, %dma_wait3A_214] : memref<32768x256xf32, #tpu.memory_space<hbm>> -> memref<40x256xf32, #tpu.memory_space<hbm>>
    tpu.wait_dma2 semaphore(%arg30 : memref<!tpu.dma_semaphore, #tpu.memory_space<semaphore_mem>>) src(%dma_wait3A_215 : memref<40x256xf32, #tpu.memory_space<hbm>>) dst(%arg25 : memref<40x256xf32, #tpu.memory_space<vmem>>)
    %add3A_216 = arith.constant 160 : i32
    %add3A_217 = arith.addi %add3A_35, %add3A_216 : i32
    %add3A_218 = arith.constant 0 : i32
    %add3A_219 = arith.addi %add3A_217, %add3A_218 : i32
    %add3A_220 = arith.constant 0 : i32
    %add3A_221 = arith.addi %add3A_219, %add3A_220 : i32
    %broadcast_in_dim3A_222 = vector.broadcast %add3A_221 : i32 to vector<16xi32>
    %add3A_223 = arith.addi %mul3A_42, %broadcast_in_dim3A_222 : vector<16xi32>
    %swap3A_224 = arith.constant 0 : index
    %swap3A_225 = tpu.vector_load %arg8[%swap3A_224] {strides = array<i32>} : memref<40xi32, #tpu.memory_space<vmem>>, vector<16xi32>,
    %swap3A_226 = vector.shape_cast %swap3A_225 : vector<16xi32> to vector<16xi32>
    %swap3A_227 = vector.shape_cast %add3A_223 : vector<16xi32> to vector<16xi32>
    tpu.vector_store %arg8[%swap3A_224], %swap3A_227 {strides = array<i32>} : memref<40xi32, #tpu.memory_space<vmem>>, vector<16xi32>,
    %add3A_228 = arith.constant 64 : i32
    %add3A_229 = arith.addi %add3A_217, %add3A_228 : i32
    %add3A_230 = arith.constant 0 : i32
    %add3A_231 = arith.addi %add3A_229, %add3A_230 : i32
    %broadcast_in_dim3A_232 = vector.broadcast %add3A_231 : i32 to vector<16xi32>
    %add3A_233 = arith.addi %mul3A_42, %broadcast_in_dim3A_232 : vector<16xi32>
    %swap3A_234 = arith.constant 16 : index
    %swap3A_235 = tpu.vector_load %arg8[%swap3A_234] {strides = array<i32>} : memref<40xi32, #tpu.memory_space<vmem>>, vector<16xi32>,
    %swap3A_236 = vector.shape_cast %swap3A_235 : vector<16xi32> to vector<16xi32>
    %swap3A_237 = vector.shape_cast %add3A_233 : vector<16xi32> to vector<16xi32>
    tpu.vector_store %arg8[%swap3A_234], %swap3A_237 {strides = array<i32>} : memref<40xi32, #tpu.memory_space<vmem>>, vector<16xi32>,
    %add3A_238 = arith.constant 96 : i32
    %add3A_239 = arith.addi %add3A_217, %add3A_238 : i32
    %add3A_240 = arith.constant 0 : i32
    %add3A_241 = arith.addi %add3A_239, %add3A_240 : i32
    %broadcast_in_dim3A_242 = vector.broadcast %add3A_241 : i32 to vector<16xi32>
    %add3A_243 = arith.addi %mul3A_42, %broadcast_in_dim3A_242 : vector<16xi32>
    %swap3A_244 = arith.constant 24 : index
    %swap3A_245 = tpu.vector_load %arg8[%swap3A_244] {strides = array<i32>} : memref<40xi32, #tpu.memory_space<vmem>>, vector<16xi32>,
    %swap3A_246 = vector.shape_cast %swap3A_245 : vector<16xi32> to vector<16xi32>
    %swap3A_247 = vector.shape_cast %add3A_243 : vector<16xi32> to vector<16xi32>
    tpu.vector_store %arg8[%swap3A_244], %swap3A_247 {strides = array<i32>} : memref<40xi32, #tpu.memory_space<vmem>>, vector<16xi32>,
    %dma_start3A_248 = arith.constant 0 : i32
    %dma_start3A_249 = arith.constant 0 : i32
    %dma_start3A_250 = tpu.memref_slice %arg3[%dma_start3A_248, %dma_start3A_249] : memref<128000x256xf32, #tpu.memory_space<hbm>> -> memref<128000x256xf32, #tpu.memory_space<hbm>>
    tpu.enqueue_indirect_dma source(%arg25 : memref<40x256xf32, #tpu.memory_space<vmem>>) target(%dma_start3A_250 : memref<128000x256xf32, #tpu.memory_space<hbm>>) offsets(%arg8 : memref<40xi32, #tpu.memory_space<vmem>>) semaphore(%arg35 : memref<!tpu.dma_semaphore, #tpu.memory_space<semaphore_mem>>)
    %add3A_251 = arith.constant 0 : i32
    %add3A_252 = arith.addi %add3A_217, %add3A_251 : i32
    %add3A_253 = arith.constant 1 : i32
    %add3A_254 = arith.addi %add3A_252, %add3A_253 : i32
    %broadcast_in_dim3A_255 = vector.broadcast %add3A_254 : i32 to vector<16xi32>
    %add3A_256 = arith.addi %mul3A_42, %broadcast_in_dim3A_255 : vector<16xi32>
    %swap3A_257 = arith.constant 0 : index
    %swap3A_258 = tpu.vector_load %arg9[%swap3A_257] {strides = array<i32>} : memref<40xi32, #tpu.memory_space<vmem>>, vector<16xi32>,
    %swap3A_259 = vector.shape_cast %swap3A_258 : vector<16xi32> to vector<16xi32>
    %swap3A_260 = vector.shape_cast %add3A_256 : vector<16xi32> to vector<16xi32>
    tpu.vector_store %arg9[%swap3A_257], %swap3A_260 {strides = array<i32>} : memref<40xi32, #tpu.memory_space<vmem>>, vector<16xi32>,
    %add3A_261 = arith.constant 64 : i32
    %add3A_262 = arith.addi %add3A_217, %add3A_261 : i32
    %add3A_263 = arith.constant 1 : i32
    %add3A_264 = arith.addi %add3A_262, %add3A_263 : i32
    %broadcast_in_dim3A_265 = vector.broadcast %add3A_264 : i32 to vector<16xi32>
    %add3A_266 = arith.addi %mul3A_42, %broadcast_in_dim3A_265 : vector<16xi32>
    %swap3A_267 = arith.constant 16 : index
    %swap3A_268 = tpu.vector_load %arg9[%swap3A_267] {strides = array<i32>} : memref<40xi32, #tpu.memory_space<vmem>>, vector<16xi32>,
    %swap3A_269 = vector.shape_cast %swap3A_268 : vector<16xi32> to vector<16xi32>
    %swap3A_270 = vector.shape_cast %add3A_266 : vector<16xi32> to vector<16xi32>
    tpu.vector_store %arg9[%swap3A_267], %swap3A_270 {strides = array<i32>} : memref<40xi32, #tpu.memory_space<vmem>>, vector<16xi32>,
    %add3A_271 = arith.constant 96 : i32
    %add3A_272 = arith.addi %add3A_217, %add3A_271 : i32
    %add3A_273 = arith.constant 1 : i32
    %add3A_274 = arith.addi %add3A_272, %add3A_273 : i32
    %broadcast_in_dim3A_275 = vector.broadcast %add3A_274 : i32 to vector<16xi32>
    %add3A_276 = arith.addi %mul3A_42, %broadcast_in_dim3A_275 : vector<16xi32>
    %swap3A_277 = arith.constant 24 : index
    %swap3A_278 = tpu.vector_load %arg9[%swap3A_277] {strides = array<i32>} : memref<40xi32, #tpu.memory_space<vmem>>, vector<16xi32>,
    %swap3A_279 = vector.shape_cast %swap3A_278 : vector<16xi32> to vector<16xi32>
    %swap3A_280 = vector.shape_cast %add3A_276 : vector<16xi32> to vector<16xi32>
    tpu.vector_store %arg9[%swap3A_277], %swap3A_280 {strides = array<i32>} : memref<40xi32, #tpu.memory_space<vmem>>, vector<16xi32>,
    %dma_start3A_281 = arith.constant 0 : i32
    %dma_start3A_282 = arith.constant 0 : i32
    %dma_start3A_283 = tpu.memref_slice %arg3[%dma_start3A_281, %dma_start3A_282] : memref<128000x256xf32, #tpu.memory_space<hbm>> -> memref<128000x256xf32, #tpu.memory_space<hbm>>
    tpu.enqueue_indirect_dma source(%arg25 : memref<40x256xf32, #tpu.memory_space<vmem>>) target(%dma_start3A_283 : memref<128000x256xf32, #tpu.memory_space<hbm>>) offsets(%arg9 : memref<40xi32, #tpu.memory_space<vmem>>) semaphore(%arg35 : memref<!tpu.dma_semaphore, #tpu.memory_space<semaphore_mem>>)
    %add3A_284 = arith.constant 0 : i32
    %add3A_285 = arith.addi %add3A_217, %add3A_284 : i32
    %add3A_286 = arith.constant 2 : i32
    %add3A_287 = arith.addi %add3A_285, %add3A_286 : i32
    %broadcast_in_dim3A_288 = vector.broadcast %add3A_287 : i32 to vector<16xi32>
    %add3A_289 = arith.addi %mul3A_42, %broadcast_in_dim3A_288 : vector<16xi32>
    %swap3A_290 = arith.constant 0 : index
    %swap3A_291 = tpu.vector_load %arg10[%swap3A_290] {strides = array<i32>} : memref<40xi32, #tpu.memory_space<vmem>>, vector<16xi32>,
    %swap3A_292 = vector.shape_cast %swap3A_291 : vector<16xi32> to vector<16xi32>
    %swap3A_293 = vector.shape_cast %add3A_289 : vector<16xi32> to vector<16xi32>
    tpu.vector_store %arg10[%swap3A_290], %swap3A_293 {strides = array<i32>} : memref<40xi32, #tpu.memory_space<vmem>>, vector<16xi32>,
    %add3A_294 = arith.constant 64 : i32
    %add3A_295 = arith.addi %add3A_217, %add3A_294 : i32
    %add3A_296 = arith.constant 2 : i32
    %add3A_297 = arith.addi %add3A_295, %add3A_296 : i32
    %broadcast_in_dim3A_298 = vector.broadcast %add3A_297 : i32 to vector<16xi32>
    %add3A_299 = arith.addi %mul3A_42, %broadcast_in_dim3A_298 : vector<16xi32>
    %swap3A_300 = arith.constant 16 : index
    %swap3A_301 = tpu.vector_load %arg10[%swap3A_300] {strides = array<i32>} : memref<40xi32, #tpu.memory_space<vmem>>, vector<16xi32>,
    %swap3A_302 = vector.shape_cast %swap3A_301 : vector<16xi32> to vector<16xi32>
    %swap3A_303 = vector.shape_cast %add3A_299 : vector<16xi32> to vector<16xi32>
    tpu.vector_store %arg10[%swap3A_300], %swap3A_303 {strides = array<i32>} : memref<40xi32, #tpu.memory_space<vmem>>, vector<16xi32>,
    %add3A_304 = arith.constant 96 : i32
    %add3A_305 = arith.addi %add3A_217, %add3A_304 : i32
    %add3A_306 = arith.constant 2 : i32
    %add3A_307 = arith.addi %add3A_305, %add3A_306 : i32
    %broadcast_in_dim3A_308 = vector.broadcast %add3A_307 : i32 to vector<16xi32>
    %add3A_309 = arith.addi %mul3A_42, %broadcast_in_dim3A_308 : vector<16xi32>
    %swap3A_310 = arith.constant 24 : index
    %swap3A_311 = tpu.vector_load %arg10[%swap3A_310] {strides = array<i32>} : memref<40xi32, #tpu.memory_space<vmem>>, vector<16xi32>,
    %swap3A_312 = vector.shape_cast %swap3A_311 : vector<16xi32> to vector<16xi32>
    %swap3A_313 = vector.shape_cast %add3A_309 : vector<16xi32> to vector<16xi32>
    tpu.vector_store %arg10[%swap3A_310], %swap3A_313 {strides = array<i32>} : memref<40xi32, #tpu.memory_space<vmem>>, vector<16xi32>,
    %dma_start3A_314 = arith.constant 0 : i32
    %dma_start3A_315 = arith.constant 0 : i32
    %dma_start3A_316 = tpu.memref_slice %arg3[%dma_start3A_314, %dma_start3A_315] : memref<128000x256xf32, #tpu.memory_space<hbm>> -> memref<128000x256xf32, #tpu.memory_space<hbm>>
    tpu.enqueue_indirect_dma source(%arg25 : memref<40x256xf32, #tpu.memory_space<vmem>>) target(%dma_start3A_316 : memref<128000x256xf32, #tpu.memory_space<hbm>>) offsets(%arg10 : memref<40xi32, #tpu.memory_space<vmem>>) semaphore(%arg35 : memref<!tpu.dma_semaphore, #tpu.memory_space<semaphore_mem>>)
    %add3A_317 = arith.constant 0 : i32
    %add3A_318 = arith.addi %add3A_217, %add3A_317 : i32
    %add3A_319 = arith.constant 3 : i32
    %add3A_320 = arith.addi %add3A_318, %add3A_319 : i32
    %broadcast_in_dim3A_321 = vector.broadcast %add3A_320 : i32 to vector<16xi32>
    %add3A_322 = arith.addi %mul3A_42, %broadcast_in_dim3A_321 : vector<16xi32>
    %swap3A_323 = arith.constant 0 : index
    %swap3A_324 = tpu.vector_load %arg11[%swap3A_323] {strides = array<i32>} : memref<40xi32, #tpu.memory_space<vmem>>, vector<16xi32>,
    %swap3A_325 = vector.shape_cast %swap3A_324 : vector<16xi32> to vector<16xi32>
    %swap3A_326 = vector.shape_cast %add3A_322 : vector<16xi32> to vector<16xi32>
    tpu.vector_store %arg11[%swap3A_323], %swap3A_326 {strides = array<i32>} : memref<40xi32, #tpu.memory_space<vmem>>, vector<16xi32>,
    %add3A_327 = arith.constant 64 : i32
    %add3A_328 = arith.addi %add3A_217, %add3A_327 : i32
    %add3A_329 = arith.constant 3 : i32
    %add3A_330 = arith.addi %add3A_328, %add3A_329 : i32
    %broadcast_in_dim3A_331 = vector.broadcast %add3A_330 : i32 to vector<16xi32>
    %add3A_332 = arith.addi %mul3A_42, %broadcast_in_dim3A_331 : vector<16xi32>
    %swap3A_333 = arith.constant 16 : index
    %swap3A_334 = tpu.vector_load %arg11[%swap3A_333] {strides = array<i32>} : memref<40xi32, #tpu.memory_space<vmem>>, vector<16xi32>,
    %swap3A_335 = vector.shape_cast %swap3A_334 : vector<16xi32> to vector<16xi32>
    %swap3A_336 = vector.shape_cast %add3A_332 : vector<16xi32> to vector<16xi32>
    tpu.vector_store %arg11[%swap3A_333], %swap3A_336 {strides = array<i32>} : memref<40xi32, #tpu.memory_space<vmem>>, vector<16xi32>,
    %add3A_337 = arith.constant 96 : i32
    %add3A_338 = arith.addi %add3A_217, %add3A_337 : i32
    %add3A_339 = arith.constant 3 : i32
    %add3A_340 = arith.addi %add3A_338, %add3A_339 : i32
    %broadcast_in_dim3A_341 = vector.broadcast %add3A_340 : i32 to vector<16xi32>
    %add3A_342 = arith.addi %mul3A_42, %broadcast_in_dim3A_341 : vector<16xi32>
    %swap3A_343 = arith.constant 24 : index
    %swap3A_344 = tpu.vector_load %arg11[%swap3A_343] {strides = array<i32>} : memref<40xi32, #tpu.memory_space<vmem>>, vector<16xi32>,
    %swap3A_345 = vector.shape_cast %swap3A_344 : vector<16xi32> to vector<16xi32>
    %swap3A_346 = vector.shape_cast %add3A_342 : vector<16xi32> to vector<16xi32>
    tpu.vector_store %arg11[%swap3A_343], %swap3A_346 {strides = array<i32>} : memref<40xi32, #tpu.memory_space<vmem>>, vector<16xi32>,
    %dma_start3A_347 = arith.constant 0 : i32
    %dma_start3A_348 = arith.constant 0 : i32
    %dma_start3A_349 = tpu.memref_slice %arg3[%dma_start3A_347, %dma_start3A_348] : memref<128000x256xf32, #tpu.memory_space<hbm>> -> memref<128000x256xf32, #tpu.memory_space<hbm>>
    tpu.enqueue_indirect_dma source(%arg25 : memref<40x256xf32, #tpu.memory_space<vmem>>) target(%dma_start3A_349 : memref<128000x256xf32, #tpu.memory_space<hbm>>) offsets(%arg11 : memref<40xi32, #tpu.memory_space<vmem>>) semaphore(%arg35 : memref<!tpu.dma_semaphore, #tpu.memory_space<semaphore_mem>>)
    %scan3A = arith.constant 0 : i32
    %scan3A_350 = arith.constant 1 : i32
    %scan3A_351 = arith.constant 4 : i32
    %scan3A_352 = arith.addi %scan3A_350, %scan3A_351 : i32
    %scan3A_353 = arith.constant 1 : i32
    scf.for %scan3A_835 = %scan3A_350 to %scan3A_352 step %scan3A_353  : i32 {
      %mul3A_836 = arith.constant 5 : i32
      %mul3A_837 = arith.muli %mul3A_836, %scan3A_835 : i32
      %add3A_838 = arith.constant 0 : i32
      %add3A_839 = arith.addi %mul3A_837, %add3A_838 : i32
      %dma_wait3A_840 = arith.constant 0 : i32
      %dma_wait3A_841 = arith.constant 0 : i32
      %dma_wait3A_842 = tpu.memref_slice %arg3[%dma_wait3A_840, %dma_wait3A_841] : memref<128000x256xf32, #tpu.memory_space<hbm>> -> memref<128000x256xf32, #tpu.memory_space<hbm>>
      tpu.wait_indirect_dma semaphore(%arg34 : memref<!tpu.dma_semaphore, #tpu.memory_space<semaphore_mem>>) src(%arg24 : memref<40x256xf32, #tpu.memory_space<vmem>>) dst(%dma_wait3A_842 : memref<128000x256xf32, #tpu.memory_space<hbm>>)
      %dma_wait3A_843 = arith.constant 0 : i32
      %dma_wait3A_844 = arith.constant 0 : i32
      %dma_wait3A_845 = tpu.memref_slice %arg3[%dma_wait3A_843, %dma_wait3A_844] : memref<128000x256xf32, #tpu.memory_space<hbm>> -> memref<128000x256xf32, #tpu.memory_space<hbm>>
      tpu.wait_indirect_dma semaphore(%arg34 : memref<!tpu.dma_semaphore, #tpu.memory_space<semaphore_mem>>) src(%arg24 : memref<40x256xf32, #tpu.memory_space<vmem>>) dst(%dma_wait3A_845 : memref<128000x256xf32, #tpu.memory_space<hbm>>)
      %dma_wait3A_846 = arith.constant 0 : i32
      %dma_wait3A_847 = arith.constant 0 : i32
      %dma_wait3A_848 = tpu.memref_slice %arg3[%dma_wait3A_846, %dma_wait3A_847] : memref<128000x256xf32, #tpu.memory_space<hbm>> -> memref<128000x256xf32, #tpu.memory_space<hbm>>
      tpu.wait_indirect_dma semaphore(%arg34 : memref<!tpu.dma_semaphore, #tpu.memory_space<semaphore_mem>>) src(%arg24 : memref<40x256xf32, #tpu.memory_space<vmem>>) dst(%dma_wait3A_848 : memref<128000x256xf32, #tpu.memory_space<hbm>>)
      %dma_wait3A_849 = arith.constant 0 : i32
      %dma_wait3A_850 = arith.constant 0 : i32
      %dma_wait3A_851 = tpu.memref_slice %arg3[%dma_wait3A_849, %dma_wait3A_850] : memref<128000x256xf32, #tpu.memory_space<hbm>> -> memref<128000x256xf32, #tpu.memory_space<hbm>>
      tpu.wait_indirect_dma semaphore(%arg34 : memref<!tpu.dma_semaphore, #tpu.memory_space<semaphore_mem>>) src(%arg24 : memref<40x256xf32, #tpu.memory_space<vmem>>) dst(%dma_wait3A_851 : memref<128000x256xf32, #tpu.memory_space<hbm>>)
      %mul3A_852 = arith.constant 40 : i32
      %mul3A_853 = arith.muli %add3A_839, %mul3A_852 : i32
      %add3A_854 = arith.addi %add3A_40, %mul3A_853 : i32
      %dma_start3A_855 = arith.constant 0 : i32
      %dma_start3A_856 = tpu.memref_slice %arg2[%add3A_854, %dma_start3A_855] : memref<32768x256xf32, #tpu.memory_space<hbm>> -> memref<40x256xf32, #tpu.memory_space<hbm>>
      %dma_start3A_857 = arith.constant 0 : i32
      %dma_start3A_858 = tpu.memref_slice %arg2[%add3A_854, %dma_start3A_857] : memref<32768x256xf32, #tpu.memory_space<hbm>> -> memref<40x256xf32, #tpu.memory_space<hbm>>
      tpu.enqueue_dma source(%dma_start3A_858 : memref<40x256xf32, #tpu.memory_space<hbm>>) target(%arg24 : memref<40x256xf32, #tpu.memory_space<vmem>>) target_semaphore(%arg29 : memref<!tpu.dma_semaphore, #tpu.memory_space<semaphore_mem>>)
      %sub3A_859 = arith.constant 3 : i32
      %sub3A_860 = arith.subi %add3A_839, %sub3A_859 : i32
      %mul3A_861 = arith.constant 40 : i32
      %mul3A_862 = arith.muli %sub3A_860, %mul3A_861 : i32
      %add3A_863 = arith.addi %add3A_40, %mul3A_862 : i32
      %dma_wait3A_864 = arith.constant 0 : i32
      %dma_wait3A_865 = tpu.memref_slice %arg2[%add3A_863, %dma_wait3A_864] : memref<32768x256xf32, #tpu.memory_space<hbm>> -> memref<40x256xf32, #tpu.memory_space<hbm>>
      %dma_wait3A_866 = arith.constant 0 : i32
      %dma_wait3A_867 = tpu.memref_slice %arg2[%add3A_863, %dma_wait3A_866] : memref<32768x256xf32, #tpu.memory_space<hbm>> -> memref<40x256xf32, #tpu.memory_space<hbm>>
      tpu.wait_dma2 semaphore(%arg31 : memref<!tpu.dma_semaphore, #tpu.memory_space<semaphore_mem>>) src(%dma_wait3A_867 : memref<40x256xf32, #tpu.memory_space<hbm>>) dst(%arg26 : memref<40x256xf32, #tpu.memory_space<vmem>>)
      %mul3A_868 = arith.constant 160 : i32
      %mul3A_869 = arith.muli %sub3A_860, %mul3A_868 : i32
      %add3A_870 = arith.addi %add3A_35, %mul3A_869 : i32
      %add3A_871 = arith.constant 0 : i32
      %add3A_872 = arith.addi %add3A_870, %add3A_871 : i32
      %add3A_873 = arith.constant 0 : i32
      %add3A_874 = arith.addi %add3A_872, %add3A_873 : i32
      %broadcast_in_dim3A_875 = vector.broadcast %add3A_874 : i32 to vector<16xi32>
      %add3A_876 = arith.addi %mul3A_42, %broadcast_in_dim3A_875 : vector<16xi32>
      %swap3A_877 = arith.constant 0 : index
      %swap3A_878 = tpu.vector_load %arg12[%swap3A_877] {strides = array<i32>} : memref<40xi32, #tpu.memory_space<vmem>>, vector<16xi32>,
      %swap3A_879 = vector.shape_cast %swap3A_878 : vector<16xi32> to vector<16xi32>
      %swap3A_880 = vector.shape_cast %add3A_876 : vector<16xi32> to vector<16xi32>
      tpu.vector_store %arg12[%swap3A_877], %swap3A_880 {strides = array<i32>} : memref<40xi32, #tpu.memory_space<vmem>>, vector<16xi32>,
      %add3A_881 = arith.constant 64 : i32
      %add3A_882 = arith.addi %add3A_870, %add3A_881 : i32
      %add3A_883 = arith.constant 0 : i32
      %add3A_884 = arith.addi %add3A_882, %add3A_883 : i32
      %broadcast_in_dim3A_885 = vector.broadcast %add3A_884 : i32 to vector<16xi32>
      %add3A_886 = arith.addi %mul3A_42, %broadcast_in_dim3A_885 : vector<16xi32>
      %swap3A_887 = arith.constant 16 : index
      %swap3A_888 = tpu.vector_load %arg12[%swap3A_887] {strides = array<i32>} : memref<40xi32, #tpu.memory_space<vmem>>, vector<16xi32>,
      %swap3A_889 = vector.shape_cast %swap3A_888 : vector<16xi32> to vector<16xi32>
      %swap3A_890 = vector.shape_cast %add3A_886 : vector<16xi32> to vector<16xi32>
      tpu.vector_store %arg12[%swap3A_887], %swap3A_890 {strides = array<i32>} : memref<40xi32, #tpu.memory_space<vmem>>, vector<16xi32>,
      %add3A_891 = arith.constant 96 : i32
      %add3A_892 = arith.addi %add3A_870, %add3A_891 : i32
      %add3A_893 = arith.constant 0 : i32
      %add3A_894 = arith.addi %add3A_892, %add3A_893 : i32
      %broadcast_in_dim3A_895 = vector.broadcast %add3A_894 : i32 to vector<16xi32>
      %add3A_896 = arith.addi %mul3A_42, %broadcast_in_dim3A_895 : vector<16xi32>
      %swap3A_897 = arith.constant 24 : index
      %swap3A_898 = tpu.vector_load %arg12[%swap3A_897] {strides = array<i32>} : memref<40xi32, #tpu.memory_space<vmem>>, vector<16xi32>,
      %swap3A_899 = vector.shape_cast %swap3A_898 : vector<16xi32> to vector<16xi32>
      %swap3A_900 = vector.shape_cast %add3A_896 : vector<16xi32> to vector<16xi32>
      tpu.vector_store %arg12[%swap3A_897], %swap3A_900 {strides = array<i32>} : memref<40xi32, #tpu.memory_space<vmem>>, vector<16xi32>,
      %dma_start3A_901 = arith.constant 0 : i32
      %dma_start3A_902 = arith.constant 0 : i32
      %dma_start3A_903 = tpu.memref_slice %arg3[%dma_start3A_901, %dma_start3A_902] : memref<128000x256xf32, #tpu.memory_space<hbm>> -> memref<128000x256xf32, #tpu.memory_space<hbm>>
      tpu.enqueue_indirect_dma source(%arg26 : memref<40x256xf32, #tpu.memory_space<vmem>>) target(%dma_start3A_903 : memref<128000x256xf32, #tpu.memory_space<hbm>>) offsets(%arg12 : memref<40xi32, #tpu.memory_space<vmem>>) semaphore(%arg36 : memref<!tpu.dma_semaphore, #tpu.memory_space<semaphore_mem>>)
      %add3A_904 = arith.constant 0 : i32
      %add3A_905 = arith.addi %add3A_870, %add3A_904 : i32
      %add3A_906 = arith.constant 1 : i32
      %add3A_907 = arith.addi %add3A_905, %add3A_906 : i32
      %broadcast_in_dim3A_908 = vector.broadcast %add3A_907 : i32 to vector<16xi32>
      %add3A_909 = arith.addi %mul3A_42, %broadcast_in_dim3A_908 : vector<16xi32>
      %swap3A_910 = arith.constant 0 : index
      %swap3A_911 = tpu.vector_load %arg13[%swap3A_910] {strides = array<i32>} : memref<40xi32, #tpu.memory_space<vmem>>, vector<16xi32>,
      %swap3A_912 = vector.shape_cast %swap3A_911 : vector<16xi32> to vector<16xi32>
      %swap3A_913 = vector.shape_cast %add3A_909 : vector<16xi32> to vector<16xi32>
      tpu.vector_store %arg13[%swap3A_910], %swap3A_913 {strides = array<i32>} : memref<40xi32, #tpu.memory_space<vmem>>, vector<16xi32>,
      %add3A_914 = arith.constant 64 : i32
      %add3A_915 = arith.addi %add3A_870, %add3A_914 : i32
      %add3A_916 = arith.constant 1 : i32
      %add3A_917 = arith.addi %add3A_915, %add3A_916 : i32
      %broadcast_in_dim3A_918 = vector.broadcast %add3A_917 : i32 to vector<16xi32>
      %add3A_919 = arith.addi %mul3A_42, %broadcast_in_dim3A_918 : vector<16xi32>
      %swap3A_920 = arith.constant 16 : index
      %swap3A_921 = tpu.vector_load %arg13[%swap3A_920] {strides = array<i32>} : memref<40xi32, #tpu.memory_space<vmem>>, vector<16xi32>,
      %swap3A_922 = vector.shape_cast %swap3A_921 : vector<16xi32> to vector<16xi32>
      %swap3A_923 = vector.shape_cast %add3A_919 : vector<16xi32> to vector<16xi32>
      tpu.vector_store %arg13[%swap3A_920], %swap3A_923 {strides = array<i32>} : memref<40xi32, #tpu.memory_space<vmem>>, vector<16xi32>,
      %add3A_924 = arith.constant 96 : i32
      %add3A_925 = arith.addi %add3A_870, %add3A_924 : i32
      %add3A_926 = arith.constant 1 : i32
      %add3A_927 = arith.addi %add3A_925, %add3A_926 : i32
      %broadcast_in_dim3A_928 = vector.broadcast %add3A_927 : i32 to vector<16xi32>
      %add3A_929 = arith.addi %mul3A_42, %broadcast_in_dim3A_928 : vector<16xi32>
      %swap3A_930 = arith.constant 24 : index
      %swap3A_931 = tpu.vector_load %arg13[%swap3A_930] {strides = array<i32>} : memref<40xi32, #tpu.memory_space<vmem>>, vector<16xi32>,
      %swap3A_932 = vector.shape_cast %swap3A_931 : vector<16xi32> to vector<16xi32>
      %swap3A_933 = vector.shape_cast %add3A_929 : vector<16xi32> to vector<16xi32>
      tpu.vector_store %arg13[%swap3A_930], %swap3A_933 {strides = array<i32>} : memref<40xi32, #tpu.memory_space<vmem>>, vector<16xi32>,
      %dma_start3A_934 = arith.constant 0 : i32
      %dma_start3A_935 = arith.constant 0 : i32
      %dma_start3A_936 = tpu.memref_slice %arg3[%dma_start3A_934, %dma_start3A_935] : memref<128000x256xf32, #tpu.memory_space<hbm>> -> memref<128000x256xf32, #tpu.memory_space<hbm>>
      tpu.enqueue_indirect_dma source(%arg26 : memref<40x256xf32, #tpu.memory_space<vmem>>) target(%dma_start3A_936 : memref<128000x256xf32, #tpu.memory_space<hbm>>) offsets(%arg13 : memref<40xi32, #tpu.memory_space<vmem>>) semaphore(%arg36 : memref<!tpu.dma_semaphore, #tpu.memory_space<semaphore_mem>>)
      %add3A_937 = arith.constant 0 : i32
      %add3A_938 = arith.addi %add3A_870, %add3A_937 : i32
      %add3A_939 = arith.constant 2 : i32
      %add3A_940 = arith.addi %add3A_938, %add3A_939 : i32
      %broadcast_in_dim3A_941 = vector.broadcast %add3A_940 : i32 to vector<16xi32>
      %add3A_942 = arith.addi %mul3A_42, %broadcast_in_dim3A_941 : vector<16xi32>
      %swap3A_943 = arith.constant 0 : index
      %swap3A_944 = tpu.vector_load %arg14[%swap3A_943] {strides = array<i32>} : memref<40xi32, #tpu.memory_space<vmem>>, vector<16xi32>,
      %swap3A_945 = vector.shape_cast %swap3A_944 : vector<16xi32> to vector<16xi32>
      %swap3A_946 = vector.shape_cast %add3A_942 : vector<16xi32> to vector<16xi32>
      tpu.vector_store %arg14[%swap3A_943], %swap3A_946 {strides = array<i32>} : memref<40xi32, #tpu.memory_space<vmem>>, vector<16xi32>,
      %add3A_947 = arith.constant 64 : i32
      %add3A_948 = arith.addi %add3A_870, %add3A_947 : i32
      %add3A_949 = arith.constant 2 : i32
      %add3A_950 = arith.addi %add3A_948, %add3A_949 : i32
      %broadcast_in_dim3A_951 = vector.broadcast %add3A_950 : i32 to vector<16xi32>
      %add3A_952 = arith.addi %mul3A_42, %broadcast_in_dim3A_951 : vector<16xi32>
      %swap3A_953 = arith.constant 16 : index
      %swap3A_954 = tpu.vector_load %arg14[%swap3A_953] {strides = array<i32>} : memref<40xi32, #tpu.memory_space<vmem>>, vector<16xi32>,
      %swap3A_955 = vector.shape_cast %swap3A_954 : vector<16xi32> to vector<16xi32>
      %swap3A_956 = vector.shape_cast %add3A_952 : vector<16xi32> to vector<16xi32>
      tpu.vector_store %arg14[%swap3A_953], %swap3A_956 {strides = array<i32>} : memref<40xi32, #tpu.memory_space<vmem>>, vector<16xi32>,
      %add3A_957 = arith.constant 96 : i32
      %add3A_958 = arith.addi %add3A_870, %add3A_957 : i32
      %add3A_959 = arith.constant 2 : i32
      %add3A_960 = arith.addi %add3A_958, %add3A_959 : i32
      %broadcast_in_dim3A_961 = vector.broadcast %add3A_960 : i32 to vector<16xi32>
      %add3A_962 = arith.addi %mul3A_42, %broadcast_in_dim3A_961 : vector<16xi32>
      %swap3A_963 = arith.constant 24 : index
      %swap3A_964 = tpu.vector_load %arg14[%swap3A_963] {strides = array<i32>} : memref<40xi32, #tpu.memory_space<vmem>>, vector<16xi32>,
      %swap3A_965 = vector.shape_cast %swap3A_964 : vector<16xi32> to vector<16xi32>
      %swap3A_966 = vector.shape_cast %add3A_962 : vector<16xi32> to vector<16xi32>
      tpu.vector_store %arg14[%swap3A_963], %swap3A_966 {strides = array<i32>} : memref<40xi32, #tpu.memory_space<vmem>>, vector<16xi32>,
      %dma_start3A_967 = arith.constant 0 : i32
      %dma_start3A_968 = arith.constant 0 : i32
      %dma_start3A_969 = tpu.memref_slice %arg3[%dma_start3A_967, %dma_start3A_968] : memref<128000x256xf32, #tpu.memory_space<hbm>> -> memref<128000x256xf32, #tpu.memory_space<hbm>>
      tpu.enqueue_indirect_dma source(%arg26 : memref<40x256xf32, #tpu.memory_space<vmem>>) target(%dma_start3A_969 : memref<128000x256xf32, #tpu.memory_space<hbm>>) offsets(%arg14 : memref<40xi32, #tpu.memory_space<vmem>>) semaphore(%arg36 : memref<!tpu.dma_semaphore, #tpu.memory_space<semaphore_mem>>)
      %add3A_970 = arith.constant 0 : i32
      %add3A_971 = arith.addi %add3A_870, %add3A_970 : i32
      %add3A_972 = arith.constant 3 : i32
      %add3A_973 = arith.addi %add3A_971, %add3A_972 : i32
      %broadcast_in_dim3A_974 = vector.broadcast %add3A_973 : i32 to vector<16xi32>
      %add3A_975 = arith.addi %mul3A_42, %broadcast_in_dim3A_974 : vector<16xi32>
      %swap3A_976 = arith.constant 0 : index
      %swap3A_977 = tpu.vector_load %arg15[%swap3A_976] {strides = array<i32>} : memref<40xi32, #tpu.memory_space<vmem>>, vector<16xi32>,
      %swap3A_978 = vector.shape_cast %swap3A_977 : vector<16xi32> to vector<16xi32>
      %swap3A_979 = vector.shape_cast %add3A_975 : vector<16xi32> to vector<16xi32>
      tpu.vector_store %arg15[%swap3A_976], %swap3A_979 {strides = array<i32>} : memref<40xi32, #tpu.memory_space<vmem>>, vector<16xi32>,
      %add3A_980 = arith.constant 64 : i32
      %add3A_981 = arith.addi %add3A_870, %add3A_980 : i32
      %add3A_982 = arith.constant 3 : i32
      %add3A_983 = arith.addi %add3A_981, %add3A_982 : i32
      %broadcast_in_dim3A_984 = vector.broadcast %add3A_983 : i32 to vector<16xi32>
      %add3A_985 = arith.addi %mul3A_42, %broadcast_in_dim3A_984 : vector<16xi32>
      %swap3A_986 = arith.constant 16 : index
      %swap3A_987 = tpu.vector_load %arg15[%swap3A_986] {strides = array<i32>} : memref<40xi32, #tpu.memory_space<vmem>>, vector<16xi32>,
      %swap3A_988 = vector.shape_cast %swap3A_987 : vector<16xi32> to vector<16xi32>
      %swap3A_989 = vector.shape_cast %add3A_985 : vector<16xi32> to vector<16xi32>
      tpu.vector_store %arg15[%swap3A_986], %swap3A_989 {strides = array<i32>} : memref<40xi32, #tpu.memory_space<vmem>>, vector<16xi32>,
      %add3A_990 = arith.constant 96 : i32
      %add3A_991 = arith.addi %add3A_870, %add3A_990 : i32
      %add3A_992 = arith.constant 3 : i32
      %add3A_993 = arith.addi %add3A_991, %add3A_992 : i32
      %broadcast_in_dim3A_994 = vector.broadcast %add3A_993 : i32 to vector<16xi32>
      %add3A_995 = arith.addi %mul3A_42, %broadcast_in_dim3A_994 : vector<16xi32>
      %swap3A_996 = arith.constant 24 : index
      %swap3A_997 = tpu.vector_load %arg15[%swap3A_996] {strides = array<i32>} : memref<40xi32, #tpu.memory_space<vmem>>, vector<16xi32>,
      %swap3A_998 = vector.shape_cast %swap3A_997 : vector<16xi32> to vector<16xi32>
      %swap3A_999 = vector.shape_cast %add3A_995 : vector<16xi32> to vector<16xi32>
      tpu.vector_store %arg15[%swap3A_996], %swap3A_999 {strides = array<i32>} : memref<40xi32, #tpu.memory_space<vmem>>, vector<16xi32>,
      %dma_start3A_1000 = arith.constant 0 : i32
      %dma_start3A_1001 = arith.constant 0 : i32
      %dma_start3A_1002 = tpu.memref_slice %arg3[%dma_start3A_1000, %dma_start3A_1001] : memref<128000x256xf32, #tpu.memory_space<hbm>> -> memref<128000x256xf32, #tpu.memory_space<hbm>>
      tpu.enqueue_indirect_dma source(%arg26 : memref<40x256xf32, #tpu.memory_space<vmem>>) target(%dma_start3A_1002 : memref<128000x256xf32, #tpu.memory_space<hbm>>) offsets(%arg15 : memref<40xi32, #tpu.memory_space<vmem>>) semaphore(%arg36 : memref<!tpu.dma_semaphore, #tpu.memory_space<semaphore_mem>>)
      %mul3A_1003 = arith.constant 5 : i32
      %mul3A_1004 = arith.muli %mul3A_1003, %scan3A_835 : i32
      %add3A_1005 = arith.constant 1 : i32
      %add3A_1006 = arith.addi %mul3A_1004, %add3A_1005 : i32
      %dma_wait3A_1007 = arith.constant 0 : i32
      %dma_wait3A_1008 = arith.constant 0 : i32
      %dma_wait3A_1009 = tpu.memref_slice %arg3[%dma_wait3A_1007, %dma_wait3A_1008] : memref<128000x256xf32, #tpu.memory_space<hbm>> -> memref<128000x256xf32, #tpu.memory_space<hbm>>
      tpu.wait_indirect_dma semaphore(%arg35 : memref<!tpu.dma_semaphore, #tpu.memory_space<semaphore_mem>>) src(%arg25 : memref<40x256xf32, #tpu.memory_space<vmem>>) dst(%dma_wait3A_1009 : memref<128000x256xf32, #tpu.memory_space<hbm>>)
      %dma_wait3A_1010 = arith.constant 0 : i32
      %dma_wait3A_1011 = arith.constant 0 : i32
      %dma_wait3A_1012 = tpu.memref_slice %arg3[%dma_wait3A_1010, %dma_wait3A_1011] : memref<128000x256xf32, #tpu.memory_space<hbm>> -> memref<128000x256xf32, #tpu.memory_space<hbm>>
      tpu.wait_indirect_dma semaphore(%arg35 : memref<!tpu.dma_semaphore, #tpu.memory_space<semaphore_mem>>) src(%arg25 : memref<40x256xf32, #tpu.memory_space<vmem>>) dst(%dma_wait3A_1012 : memref<128000x256xf32, #tpu.memory_space<hbm>>)
      %dma_wait3A_1013 = arith.constant 0 : i32
      %dma_wait3A_1014 = arith.constant 0 : i32
      %dma_wait3A_1015 = tpu.memref_slice %arg3[%dma_wait3A_1013, %dma_wait3A_1014] : memref<128000x256xf32, #tpu.memory_space<hbm>> -> memref<128000x256xf32, #tpu.memory_space<hbm>>
      tpu.wait_indirect_dma semaphore(%arg35 : memref<!tpu.dma_semaphore, #tpu.memory_space<semaphore_mem>>) src(%arg25 : memref<40x256xf32, #tpu.memory_space<vmem>>) dst(%dma_wait3A_1015 : memref<128000x256xf32, #tpu.memory_space<hbm>>)
      %dma_wait3A_1016 = arith.constant 0 : i32
      %dma_wait3A_1017 = arith.constant 0 : i32
      %dma_wait3A_1018 = tpu.memref_slice %arg3[%dma_wait3A_1016, %dma_wait3A_1017] : memref<128000x256xf32, #tpu.memory_space<hbm>> -> memref<128000x256xf32, #tpu.memory_space<hbm>>
      tpu.wait_indirect_dma semaphore(%arg35 : memref<!tpu.dma_semaphore, #tpu.memory_space<semaphore_mem>>) src(%arg25 : memref<40x256xf32, #tpu.memory_space<vmem>>) dst(%dma_wait3A_1018 : memref<128000x256xf32, #tpu.memory_space<hbm>>)
      %mul3A_1019 = arith.constant 40 : i32
      %mul3A_1020 = arith.muli %add3A_1006, %mul3A_1019 : i32
      %add3A_1021 = arith.addi %add3A_40, %mul3A_1020 : i32
      %dma_start3A_1022 = arith.constant 0 : i32
      %dma_start3A_1023 = tpu.memref_slice %arg2[%add3A_1021, %dma_start3A_1022] : memref<32768x256xf32, #tpu.memory_space<hbm>> -> memref<40x256xf32, #tpu.memory_space<hbm>>
      %dma_start3A_1024 = arith.constant 0 : i32
      %dma_start3A_1025 = tpu.memref_slice %arg2[%add3A_1021, %dma_start3A_1024] : memref<32768x256xf32, #tpu.memory_space<hbm>> -> memref<40x256xf32, #tpu.memory_space<hbm>>
      tpu.enqueue_dma source(%dma_start3A_1025 : memref<40x256xf32, #tpu.memory_space<hbm>>) target(%arg25 : memref<40x256xf32, #tpu.memory_space<vmem>>) target_semaphore(%arg30 : memref<!tpu.dma_semaphore, #tpu.memory_space<semaphore_mem>>)
      %sub3A_1026 = arith.constant 3 : i32
      %sub3A_1027 = arith.subi %add3A_1006, %sub3A_1026 : i32
      %mul3A_1028 = arith.constant 40 : i32
      %mul3A_1029 = arith.muli %sub3A_1027, %mul3A_1028 : i32
      %add3A_1030 = arith.addi %add3A_40, %mul3A_1029 : i32
      %dma_wait3A_1031 = arith.constant 0 : i32
      %dma_wait3A_1032 = tpu.memref_slice %arg2[%add3A_1030, %dma_wait3A_1031] : memref<32768x256xf32, #tpu.memory_space<hbm>> -> memref<40x256xf32, #tpu.memory_space<hbm>>
      %dma_wait3A_1033 = arith.constant 0 : i32
      %dma_wait3A_1034 = tpu.memref_slice %arg2[%add3A_1030, %dma_wait3A_1033] : memref<32768x256xf32, #tpu.memory_space<hbm>> -> memref<40x256xf32, #tpu.memory_space<hbm>>
      tpu.wait_dma2 semaphore(%arg32 : memref<!tpu.dma_semaphore, #tpu.memory_space<semaphore_mem>>) src(%dma_wait3A_1034 : memref<40x256xf32, #tpu.memory_space<hbm>>) dst(%arg27 : memref<40x256xf32, #tpu.memory_space<vmem>>)
      %mul3A_1035 = arith.constant 160 : i32
      %mul3A_1036 = arith.muli %sub3A_1027, %mul3A_1035 : i32
      %add3A_1037 = arith.addi %add3A_35, %mul3A_1036 : i32
      %add3A_1038 = arith.constant 0 : i32
      %add3A_1039 = arith.addi %add3A_1037, %add3A_1038 : i32
      %add3A_1040 = arith.constant 0 : i32
      %add3A_1041 = arith.addi %add3A_1039, %add3A_1040 : i32
      %broadcast_in_dim3A_1042 = vector.broadcast %add3A_1041 : i32 to vector<16xi32>
      %add3A_1043 = arith.addi %mul3A_42, %broadcast_in_dim3A_1042 : vector<16xi32>
      %swap3A_1044 = arith.constant 0 : index
      %swap3A_1045 = tpu.vector_load %arg16[%swap3A_1044] {strides = array<i32>} : memref<40xi32, #tpu.memory_space<vmem>>, vector<16xi32>,
      %swap3A_1046 = vector.shape_cast %swap3A_1045 : vector<16xi32> to vector<16xi32>
      %swap3A_1047 = vector.shape_cast %add3A_1043 : vector<16xi32> to vector<16xi32>
      tpu.vector_store %arg16[%swap3A_1044], %swap3A_1047 {strides = array<i32>} : memref<40xi32, #tpu.memory_space<vmem>>, vector<16xi32>,
      %add3A_1048 = arith.constant 64 : i32
      %add3A_1049 = arith.addi %add3A_1037, %add3A_1048 : i32
      %add3A_1050 = arith.constant 0 : i32
      %add3A_1051 = arith.addi %add3A_1049, %add3A_1050 : i32
      %broadcast_in_dim3A_1052 = vector.broadcast %add3A_1051 : i32 to vector<16xi32>
      %add3A_1053 = arith.addi %mul3A_42, %broadcast_in_dim3A_1052 : vector<16xi32>
      %swap3A_1054 = arith.constant 16 : index
      %swap3A_1055 = tpu.vector_load %arg16[%swap3A_1054] {strides = array<i32>} : memref<40xi32, #tpu.memory_space<vmem>>, vector<16xi32>,
      %swap3A_1056 = vector.shape_cast %swap3A_1055 : vector<16xi32> to vector<16xi32>
      %swap3A_1057 = vector.shape_cast %add3A_1053 : vector<16xi32> to vector<16xi32>
      tpu.vector_store %arg16[%swap3A_1054], %swap3A_1057 {strides = array<i32>} : memref<40xi32, #tpu.memory_space<vmem>>, vector<16xi32>,
      %add3A_1058 = arith.constant 96 : i32
      %add3A_1059 = arith.addi %add3A_1037, %add3A_1058 : i32
      %add3A_1060 = arith.constant 0 : i32
      %add3A_1061 = arith.addi %add3A_1059, %add3A_1060 : i32
      %broadcast_in_dim3A_1062 = vector.broadcast %add3A_1061 : i32 to vector<16xi32>
      %add3A_1063 = arith.addi %mul3A_42, %broadcast_in_dim3A_1062 : vector<16xi32>
      %swap3A_1064 = arith.constant 24 : index
      %swap3A_1065 = tpu.vector_load %arg16[%swap3A_1064] {strides = array<i32>} : memref<40xi32, #tpu.memory_space<vmem>>, vector<16xi32>,
      %swap3A_1066 = vector.shape_cast %swap3A_1065 : vector<16xi32> to vector<16xi32>
      %swap3A_1067 = vector.shape_cast %add3A_1063 : vector<16xi32> to vector<16xi32>
      tpu.vector_store %arg16[%swap3A_1064], %swap3A_1067 {strides = array<i32>} : memref<40xi32, #tpu.memory_space<vmem>>, vector<16xi32>,
      %dma_start3A_1068 = arith.constant 0 : i32
      %dma_start3A_1069 = arith.constant 0 : i32
      %dma_start3A_1070 = tpu.memref_slice %arg3[%dma_start3A_1068, %dma_start3A_1069] : memref<128000x256xf32, #tpu.memory_space<hbm>> -> memref<128000x256xf32, #tpu.memory_space<hbm>>
      tpu.enqueue_indirect_dma source(%arg27 : memref<40x256xf32, #tpu.memory_space<vmem>>) target(%dma_start3A_1070 : memref<128000x256xf32, #tpu.memory_space<hbm>>) offsets(%arg16 : memref<40xi32, #tpu.memory_space<vmem>>) semaphore(%arg37 : memref<!tpu.dma_semaphore, #tpu.memory_space<semaphore_mem>>)
      %add3A_1071 = arith.constant 0 : i32
      %add3A_1072 = arith.addi %add3A_1037, %add3A_1071 : i32
      %add3A_1073 = arith.constant 1 : i32
      %add3A_1074 = arith.addi %add3A_1072, %add3A_1073 : i32
      %broadcast_in_dim3A_1075 = vector.broadcast %add3A_1074 : i32 to vector<16xi32>
      %add3A_1076 = arith.addi %mul3A_42, %broadcast_in_dim3A_1075 : vector<16xi32>
      %swap3A_1077 = arith.constant 0 : index
      %swap3A_1078 = tpu.vector_load %arg17[%swap3A_1077] {strides = array<i32>} : memref<40xi32, #tpu.memory_space<vmem>>, vector<16xi32>,
      %swap3A_1079 = vector.shape_cast %swap3A_1078 : vector<16xi32> to vector<16xi32>
      %swap3A_1080 = vector.shape_cast %add3A_1076 : vector<16xi32> to vector<16xi32>
      tpu.vector_store %arg17[%swap3A_1077], %swap3A_1080 {strides = array<i32>} : memref<40xi32, #tpu.memory_space<vmem>>, vector<16xi32>,
      %add3A_1081 = arith.constant 64 : i32
      %add3A_1082 = arith.addi %add3A_1037, %add3A_1081 : i32
      %add3A_1083 = arith.constant 1 : i32
      %add3A_1084 = arith.addi %add3A_1082, %add3A_1083 : i32
      %broadcast_in_dim3A_1085 = vector.broadcast %add3A_1084 : i32 to vector<16xi32>
      %add3A_1086 = arith.addi %mul3A_42, %broadcast_in_dim3A_1085 : vector<16xi32>
      %swap3A_1087 = arith.constant 16 : index
      %swap3A_1088 = tpu.vector_load %arg17[%swap3A_1087] {strides = array<i32>} : memref<40xi32, #tpu.memory_space<vmem>>, vector<16xi32>,
      %swap3A_1089 = vector.shape_cast %swap3A_1088 : vector<16xi32> to vector<16xi32>
      %swap3A_1090 = vector.shape_cast %add3A_1086 : vector<16xi32> to vector<16xi32>
      tpu.vector_store %arg17[%swap3A_1087], %swap3A_1090 {strides = array<i32>} : memref<40xi32, #tpu.memory_space<vmem>>, vector<16xi32>,
      %add3A_1091 = arith.constant 96 : i32
      %add3A_1092 = arith.addi %add3A_1037, %add3A_1091 : i32
      %add3A_1093 = arith.constant 1 : i32
      %add3A_1094 = arith.addi %add3A_1092, %add3A_1093 : i32
      %broadcast_in_dim3A_1095 = vector.broadcast %add3A_1094 : i32 to vector<16xi32>
      %add3A_1096 = arith.addi %mul3A_42, %broadcast_in_dim3A_1095 : vector<16xi32>
      %swap3A_1097 = arith.constant 24 : index
      %swap3A_1098 = tpu.vector_load %arg17[%swap3A_1097] {strides = array<i32>} : memref<40xi32, #tpu.memory_space<vmem>>, vector<16xi32>,
      %swap3A_1099 = vector.shape_cast %swap3A_1098 : vector<16xi32> to vector<16xi32>
      %swap3A_1100 = vector.shape_cast %add3A_1096 : vector<16xi32> to vector<16xi32>
      tpu.vector_store %arg17[%swap3A_1097], %swap3A_1100 {strides = array<i32>} : memref<40xi32, #tpu.memory_space<vmem>>, vector<16xi32>,
      %dma_start3A_1101 = arith.constant 0 : i32
      %dma_start3A_1102 = arith.constant 0 : i32
      %dma_start3A_1103 = tpu.memref_slice %arg3[%dma_start3A_1101, %dma_start3A_1102] : memref<128000x256xf32, #tpu.memory_space<hbm>> -> memref<128000x256xf32, #tpu.memory_space<hbm>>
      tpu.enqueue_indirect_dma source(%arg27 : memref<40x256xf32, #tpu.memory_space<vmem>>) target(%dma_start3A_1103 : memref<128000x256xf32, #tpu.memory_space<hbm>>) offsets(%arg17 : memref<40xi32, #tpu.memory_space<vmem>>) semaphore(%arg37 : memref<!tpu.dma_semaphore, #tpu.memory_space<semaphore_mem>>)
      %add3A_1104 = arith.constant 0 : i32
      %add3A_1105 = arith.addi %add3A_1037, %add3A_1104 : i32
      %add3A_1106 = arith.constant 2 : i32
      %add3A_1107 = arith.addi %add3A_1105, %add3A_1106 : i32
      %broadcast_in_dim3A_1108 = vector.broadcast %add3A_1107 : i32 to vector<16xi32>
      %add3A_1109 = arith.addi %mul3A_42, %broadcast_in_dim3A_1108 : vector<16xi32>
      %swap3A_1110 = arith.constant 0 : index
      %swap3A_1111 = tpu.vector_load %arg18[%swap3A_1110] {strides = array<i32>} : memref<40xi32, #tpu.memory_space<vmem>>, vector<16xi32>,
      %swap3A_1112 = vector.shape_cast %swap3A_1111 : vector<16xi32> to vector<16xi32>
      %swap3A_1113 = vector.shape_cast %add3A_1109 : vector<16xi32> to vector<16xi32>
      tpu.vector_store %arg18[%swap3A_1110], %swap3A_1113 {strides = array<i32>} : memref<40xi32, #tpu.memory_space<vmem>>, vector<16xi32>,
      %add3A_1114 = arith.constant 64 : i32
      %add3A_1115 = arith.addi %add3A_1037, %add3A_1114 : i32
      %add3A_1116 = arith.constant 2 : i32
      %add3A_1117 = arith.addi %add3A_1115, %add3A_1116 : i32
      %broadcast_in_dim3A_1118 = vector.broadcast %add3A_1117 : i32 to vector<16xi32>
      %add3A_1119 = arith.addi %mul3A_42, %broadcast_in_dim3A_1118 : vector<16xi32>
      %swap3A_1120 = arith.constant 16 : index
      %swap3A_1121 = tpu.vector_load %arg18[%swap3A_1120] {strides = array<i32>} : memref<40xi32, #tpu.memory_space<vmem>>, vector<16xi32>,
      %swap3A_1122 = vector.shape_cast %swap3A_1121 : vector<16xi32> to vector<16xi32>
      %swap3A_1123 = vector.shape_cast %add3A_1119 : vector<16xi32> to vector<16xi32>
      tpu.vector_store %arg18[%swap3A_1120], %swap3A_1123 {strides = array<i32>} : memref<40xi32, #tpu.memory_space<vmem>>, vector<16xi32>,
      %add3A_1124 = arith.constant 96 : i32
      %add3A_1125 = arith.addi %add3A_1037, %add3A_1124 : i32
      %add3A_1126 = arith.constant 2 : i32
      %add3A_1127 = arith.addi %add3A_1125, %add3A_1126 : i32
      %broadcast_in_dim3A_1128 = vector.broadcast %add3A_1127 : i32 to vector<16xi32>
      %add3A_1129 = arith.addi %mul3A_42, %broadcast_in_dim3A_1128 : vector<16xi32>
      %swap3A_1130 = arith.constant 24 : index
      %swap3A_1131 = tpu.vector_load %arg18[%swap3A_1130] {strides = array<i32>} : memref<40xi32, #tpu.memory_space<vmem>>, vector<16xi32>,
      %swap3A_1132 = vector.shape_cast %swap3A_1131 : vector<16xi32> to vector<16xi32>
      %swap3A_1133 = vector.shape_cast %add3A_1129 : vector<16xi32> to vector<16xi32>
      tpu.vector_store %arg18[%swap3A_1130], %swap3A_1133 {strides = array<i32>} : memref<40xi32, #tpu.memory_space<vmem>>, vector<16xi32>,
      %dma_start3A_1134 = arith.constant 0 : i32
      %dma_start3A_1135 = arith.constant 0 : i32
      %dma_start3A_1136 = tpu.memref_slice %arg3[%dma_start3A_1134, %dma_start3A_1135] : memref<128000x256xf32, #tpu.memory_space<hbm>> -> memref<128000x256xf32, #tpu.memory_space<hbm>>
      tpu.enqueue_indirect_dma source(%arg27 : memref<40x256xf32, #tpu.memory_space<vmem>>) target(%dma_start3A_1136 : memref<128000x256xf32, #tpu.memory_space<hbm>>) offsets(%arg18 : memref<40xi32, #tpu.memory_space<vmem>>) semaphore(%arg37 : memref<!tpu.dma_semaphore, #tpu.memory_space<semaphore_mem>>)
      %add3A_1137 = arith.constant 0 : i32
      %add3A_1138 = arith.addi %add3A_1037, %add3A_1137 : i32
      %add3A_1139 = arith.constant 3 : i32
      %add3A_1140 = arith.addi %add3A_1138, %add3A_1139 : i32
      %broadcast_in_dim3A_1141 = vector.broadcast %add3A_1140 : i32 to vector<16xi32>
      %add3A_1142 = arith.addi %mul3A_42, %broadcast_in_dim3A_1141 : vector<16xi32>
      %swap3A_1143 = arith.constant 0 : index
      %swap3A_1144 = tpu.vector_load %arg19[%swap3A_1143] {strides = array<i32>} : memref<40xi32, #tpu.memory_space<vmem>>, vector<16xi32>,
      %swap3A_1145 = vector.shape_cast %swap3A_1144 : vector<16xi32> to vector<16xi32>
      %swap3A_1146 = vector.shape_cast %add3A_1142 : vector<16xi32> to vector<16xi32>
      tpu.vector_store %arg19[%swap3A_1143], %swap3A_1146 {strides = array<i32>} : memref<40xi32, #tpu.memory_space<vmem>>, vector<16xi32>,
      %add3A_1147 = arith.constant 64 : i32
      %add3A_1148 = arith.addi %add3A_1037, %add3A_1147 : i32
      %add3A_1149 = arith.constant 3 : i32
      %add3A_1150 = arith.addi %add3A_1148, %add3A_1149 : i32
      %broadcast_in_dim3A_1151 = vector.broadcast %add3A_1150 : i32 to vector<16xi32>
      %add3A_1152 = arith.addi %mul3A_42, %broadcast_in_dim3A_1151 : vector<16xi32>
      %swap3A_1153 = arith.constant 16 : index
      %swap3A_1154 = tpu.vector_load %arg19[%swap3A_1153] {strides = array<i32>} : memref<40xi32, #tpu.memory_space<vmem>>, vector<16xi32>,
      %swap3A_1155 = vector.shape_cast %swap3A_1154 : vector<16xi32> to vector<16xi32>
      %swap3A_1156 = vector.shape_cast %add3A_1152 : vector<16xi32> to vector<16xi32>
      tpu.vector_store %arg19[%swap3A_1153], %swap3A_1156 {strides = array<i32>} : memref<40xi32, #tpu.memory_space<vmem>>, vector<16xi32>,
      %add3A_1157 = arith.constant 96 : i32
      %add3A_1158 = arith.addi %add3A_1037, %add3A_1157 : i32
      %add3A_1159 = arith.constant 3 : i32
      %add3A_1160 = arith.addi %add3A_1158, %add3A_1159 : i32
      %broadcast_in_dim3A_1161 = vector.broadcast %add3A_1160 : i32 to vector<16xi32>
      %add3A_1162 = arith.addi %mul3A_42, %broadcast_in_dim3A_1161 : vector<16xi32>
      %swap3A_1163 = arith.constant 24 : index
      %swap3A_1164 = tpu.vector_load %arg19[%swap3A_1163] {strides = array<i32>} : memref<40xi32, #tpu.memory_space<vmem>>, vector<16xi32>,
      %swap3A_1165 = vector.shape_cast %swap3A_1164 : vector<16xi32> to vector<16xi32>
      %swap3A_1166 = vector.shape_cast %add3A_1162 : vector<16xi32> to vector<16xi32>
      tpu.vector_store %arg19[%swap3A_1163], %swap3A_1166 {strides = array<i32>} : memref<40xi32, #tpu.memory_space<vmem>>, vector<16xi32>,
      %dma_start3A_1167 = arith.constant 0 : i32
      %dma_start3A_1168 = arith.constant 0 : i32
      %dma_start3A_1169 = tpu.memref_slice %arg3[%dma_start3A_1167, %dma_start3A_1168] : memref<128000x256xf32, #tpu.memory_space<hbm>> -> memref<128000x256xf32, #tpu.memory_space<hbm>>
      tpu.enqueue_indirect_dma source(%arg27 : memref<40x256xf32, #tpu.memory_space<vmem>>) target(%dma_start3A_1169 : memref<128000x256xf32, #tpu.memory_space<hbm>>) offsets(%arg19 : memref<40xi32, #tpu.memory_space<vmem>>) semaphore(%arg37 : memref<!tpu.dma_semaphore, #tpu.memory_space<semaphore_mem>>)
      %mul3A_1170 = arith.constant 5 : i32
      %mul3A_1171 = arith.muli %mul3A_1170, %scan3A_835 : i32
      %add3A_1172 = arith.constant 2 : i32
      %add3A_1173 = arith.addi %mul3A_1171, %add3A_1172 : i32
      %dma_wait3A_1174 = arith.constant 0 : i32
      %dma_wait3A_1175 = arith.constant 0 : i32
      %dma_wait3A_1176 = tpu.memref_slice %arg3[%dma_wait3A_1174, %dma_wait3A_1175] : memref<128000x256xf32, #tpu.memory_space<hbm>> -> memref<128000x256xf32, #tpu.memory_space<hbm>>
      tpu.wait_indirect_dma semaphore(%arg36 : memref<!tpu.dma_semaphore, #tpu.memory_space<semaphore_mem>>) src(%arg26 : memref<40x256xf32, #tpu.memory_space<vmem>>) dst(%dma_wait3A_1176 : memref<128000x256xf32, #tpu.memory_space<hbm>>)
      %dma_wait3A_1177 = arith.constant 0 : i32
      %dma_wait3A_1178 = arith.constant 0 : i32
      %dma_wait3A_1179 = tpu.memref_slice %arg3[%dma_wait3A_1177, %dma_wait3A_1178] : memref<128000x256xf32, #tpu.memory_space<hbm>> -> memref<128000x256xf32, #tpu.memory_space<hbm>>
      tpu.wait_indirect_dma semaphore(%arg36 : memref<!tpu.dma_semaphore, #tpu.memory_space<semaphore_mem>>) src(%arg26 : memref<40x256xf32, #tpu.memory_space<vmem>>) dst(%dma_wait3A_1179 : memref<128000x256xf32, #tpu.memory_space<hbm>>)
      %dma_wait3A_1180 = arith.constant 0 : i32
      %dma_wait3A_1181 = arith.constant 0 : i32
      %dma_wait3A_1182 = tpu.memref_slice %arg3[%dma_wait3A_1180, %dma_wait3A_1181] : memref<128000x256xf32, #tpu.memory_space<hbm>> -> memref<128000x256xf32, #tpu.memory_space<hbm>>
      tpu.wait_indirect_dma semaphore(%arg36 : memref<!tpu.dma_semaphore, #tpu.memory_space<semaphore_mem>>) src(%arg26 : memref<40x256xf32, #tpu.memory_space<vmem>>) dst(%dma_wait3A_1182 : memref<128000x256xf32, #tpu.memory_space<hbm>>)
      %dma_wait3A_1183 = arith.constant 0 : i32
      %dma_wait3A_1184 = arith.constant 0 : i32
      %dma_wait3A_1185 = tpu.memref_slice %arg3[%dma_wait3A_1183, %dma_wait3A_1184] : memref<128000x256xf32, #tpu.memory_space<hbm>> -> memref<128000x256xf32, #tpu.memory_space<hbm>>
      tpu.wait_indirect_dma semaphore(%arg36 : memref<!tpu.dma_semaphore, #tpu.memory_space<semaphore_mem>>) src(%arg26 : memref<40x256xf32, #tpu.memory_space<vmem>>) dst(%dma_wait3A_1185 : memref<128000x256xf32, #tpu.memory_space<hbm>>)
      %mul3A_1186 = arith.constant 40 : i32
      %mul3A_1187 = arith.muli %add3A_1173, %mul3A_1186 : i32
      %add3A_1188 = arith.addi %add3A_40, %mul3A_1187 : i32
      %dma_start3A_1189 = arith.constant 0 : i32
      %dma_start3A_1190 = tpu.memref_slice %arg2[%add3A_1188, %dma_start3A_1189] : memref<32768x256xf32, #tpu.memory_space<hbm>> -> memref<40x256xf32, #tpu.memory_space<hbm>>
      %dma_start3A_1191 = arith.constant 0 : i32
      %dma_start3A_1192 = tpu.memref_slice %arg2[%add3A_1188, %dma_start3A_1191] : memref<32768x256xf32, #tpu.memory_space<hbm>> -> memref<40x256xf32, #tpu.memory_space<hbm>>
      tpu.enqueue_dma source(%dma_start3A_1192 : memref<40x256xf32, #tpu.memory_space<hbm>>) target(%arg26 : memref<40x256xf32, #tpu.memory_space<vmem>>) target_semaphore(%arg31 : memref<!tpu.dma_semaphore, #tpu.memory_space<semaphore_mem>>)
      %sub3A_1193 = arith.constant 3 : i32
      %sub3A_1194 = arith.subi %add3A_1173, %sub3A_1193 : i32
      %mul3A_1195 = arith.constant 40 : i32
      %mul3A_1196 = arith.muli %sub3A_1194, %mul3A_1195 : i32
      %add3A_1197 = arith.addi %add3A_40, %mul3A_1196 : i32
      %dma_wait3A_1198 = arith.constant 0 : i32
      %dma_wait3A_1199 = tpu.memref_slice %arg2[%add3A_1197, %dma_wait3A_1198] : memref<32768x256xf32, #tpu.memory_space<hbm>> -> memref<40x256xf32, #tpu.memory_space<hbm>>
      %dma_wait3A_1200 = arith.constant 0 : i32
      %dma_wait3A_1201 = tpu.memref_slice %arg2[%add3A_1197, %dma_wait3A_1200] : memref<32768x256xf32, #tpu.memory_space<hbm>> -> memref<40x256xf32, #tpu.memory_space<hbm>>
      tpu.wait_dma2 semaphore(%arg33 : memref<!tpu.dma_semaphore, #tpu.memory_space<semaphore_mem>>) src(%dma_wait3A_1201 : memref<40x256xf32, #tpu.memory_space<hbm>>) dst(%arg28 : memref<40x256xf32, #tpu.memory_space<vmem>>)
      %mul3A_1202 = arith.constant 160 : i32
      %mul3A_1203 = arith.muli %sub3A_1194, %mul3A_1202 : i32
      %add3A_1204 = arith.addi %add3A_35, %mul3A_1203 : i32
      %add3A_1205 = arith.constant 0 : i32
      %add3A_1206 = arith.addi %add3A_1204, %add3A_1205 : i32
      %add3A_1207 = arith.constant 0 : i32
      %add3A_1208 = arith.addi %add3A_1206, %add3A_1207 : i32
      %broadcast_in_dim3A_1209 = vector.broadcast %add3A_1208 : i32 to vector<16xi32>
      %add3A_1210 = arith.addi %mul3A_42, %broadcast_in_dim3A_1209 : vector<16xi32>
      %swap3A_1211 = arith.constant 0 : index
      %swap3A_1212 = tpu.vector_load %arg20[%swap3A_1211] {strides = array<i32>} : memref<40xi32, #tpu.memory_space<vmem>>, vector<16xi32>,
      %swap3A_1213 = vector.shape_cast %swap3A_1212 : vector<16xi32> to vector<16xi32>
      %swap3A_1214 = vector.shape_cast %add3A_1210 : vector<16xi32> to vector<16xi32>
      tpu.vector_store %arg20[%swap3A_1211], %swap3A_1214 {strides = array<i32>} : memref<40xi32, #tpu.memory_space<vmem>>, vector<16xi32>,
      %add3A_1215 = arith.constant 64 : i32
      %add3A_1216 = arith.addi %add3A_1204, %add3A_1215 : i32
      %add3A_1217 = arith.constant 0 : i32
      %add3A_1218 = arith.addi %add3A_1216, %add3A_1217 : i32
      %broadcast_in_dim3A_1219 = vector.broadcast %add3A_1218 : i32 to vector<16xi32>
      %add3A_1220 = arith.addi %mul3A_42, %broadcast_in_dim3A_1219 : vector<16xi32>
      %swap3A_1221 = arith.constant 16 : index
      %swap3A_1222 = tpu.vector_load %arg20[%swap3A_1221] {strides = array<i32>} : memref<40xi32, #tpu.memory_space<vmem>>, vector<16xi32>,
      %swap3A_1223 = vector.shape_cast %swap3A_1222 : vector<16xi32> to vector<16xi32>
      %swap3A_1224 = vector.shape_cast %add3A_1220 : vector<16xi32> to vector<16xi32>
      tpu.vector_store %arg20[%swap3A_1221], %swap3A_1224 {strides = array<i32>} : memref<40xi32, #tpu.memory_space<vmem>>, vector<16xi32>,
      %add3A_1225 = arith.constant 96 : i32
      %add3A_1226 = arith.addi %add3A_1204, %add3A_1225 : i32
      %add3A_1227 = arith.constant 0 : i32
      %add3A_1228 = arith.addi %add3A_1226, %add3A_1227 : i32
      %broadcast_in_dim3A_1229 = vector.broadcast %add3A_1228 : i32 to vector<16xi32>
      %add3A_1230 = arith.addi %mul3A_42, %broadcast_in_dim3A_1229 : vector<16xi32>
      %swap3A_1231 = arith.constant 24 : index
      %swap3A_1232 = tpu.vector_load %arg20[%swap3A_1231] {strides = array<i32>} : memref<40xi32, #tpu.memory_space<vmem>>, vector<16xi32>,
      %swap3A_1233 = vector.shape_cast %swap3A_1232 : vector<16xi32> to vector<16xi32>
      %swap3A_1234 = vector.shape_cast %add3A_1230 : vector<16xi32> to vector<16xi32>
      tpu.vector_store %arg20[%swap3A_1231], %swap3A_1234 {strides = array<i32>} : memref<40xi32, #tpu.memory_space<vmem>>, vector<16xi32>,
      %dma_start3A_1235 = arith.constant 0 : i32
      %dma_start3A_1236 = arith.constant 0 : i32
      %dma_start3A_1237 = tpu.memref_slice %arg3[%dma_start3A_1235, %dma_start3A_1236] : memref<128000x256xf32, #tpu.memory_space<hbm>> -> memref<128000x256xf32, #tpu.memory_space<hbm>>
      tpu.enqueue_indirect_dma source(%arg28 : memref<40x256xf32, #tpu.memory_space<vmem>>) target(%dma_start3A_1237 : memref<128000x256xf32, #tpu.memory_space<hbm>>) offsets(%arg20 : memref<40xi32, #tpu.memory_space<vmem>>) semaphore(%arg38 : memref<!tpu.dma_semaphore, #tpu.memory_space<semaphore_mem>>)
      %add3A_1238 = arith.constant 0 : i32
      %add3A_1239 = arith.addi %add3A_1204, %add3A_1238 : i32
      %add3A_1240 = arith.constant 1 : i32
      %add3A_1241 = arith.addi %add3A_1239, %add3A_1240 : i32
      %broadcast_in_dim3A_1242 = vector.broadcast %add3A_1241 : i32 to vector<16xi32>
      %add3A_1243 = arith.addi %mul3A_42, %broadcast_in_dim3A_1242 : vector<16xi32>
      %swap3A_1244 = arith.constant 0 : index
      %swap3A_1245 = tpu.vector_load %arg21[%swap3A_1244] {strides = array<i32>} : memref<40xi32, #tpu.memory_space<vmem>>, vector<16xi32>,
      %swap3A_1246 = vector.shape_cast %swap3A_1245 : vector<16xi32> to vector<16xi32>
      %swap3A_1247 = vector.shape_cast %add3A_1243 : vector<16xi32> to vector<16xi32>
      tpu.vector_store %arg21[%swap3A_1244], %swap3A_1247 {strides = array<i32>} : memref<40xi32, #tpu.memory_space<vmem>>, vector<16xi32>,
      %add3A_1248 = arith.constant 64 : i32
      %add3A_1249 = arith.addi %add3A_1204, %add3A_1248 : i32
      %add3A_1250 = arith.constant 1 : i32
      %add3A_1251 = arith.addi %add3A_1249, %add3A_1250 : i32
      %broadcast_in_dim3A_1252 = vector.broadcast %add3A_1251 : i32 to vector<16xi32>
      %add3A_1253 = arith.addi %mul3A_42, %broadcast_in_dim3A_1252 : vector<16xi32>
      %swap3A_1254 = arith.constant 16 : index
      %swap3A_1255 = tpu.vector_load %arg21[%swap3A_1254] {strides = array<i32>} : memref<40xi32, #tpu.memory_space<vmem>>, vector<16xi32>,
      %swap3A_1256 = vector.shape_cast %swap3A_1255 : vector<16xi32> to vector<16xi32>
      %swap3A_1257 = vector.shape_cast %add3A_1253 : vector<16xi32> to vector<16xi32>
      tpu.vector_store %arg21[%swap3A_1254], %swap3A_1257 {strides = array<i32>} : memref<40xi32, #tpu.memory_space<vmem>>, vector<16xi32>,
      %add3A_1258 = arith.constant 96 : i32
      %add3A_1259 = arith.addi %add3A_1204, %add3A_1258 : i32
      %add3A_1260 = arith.constant 1 : i32
      %add3A_1261 = arith.addi %add3A_1259, %add3A_1260 : i32
      %broadcast_in_dim3A_1262 = vector.broadcast %add3A_1261 : i32 to vector<16xi32>
      %add3A_1263 = arith.addi %mul3A_42, %broadcast_in_dim3A_1262 : vector<16xi32>
      %swap3A_1264 = arith.constant 24 : index
      %swap3A_1265 = tpu.vector_load %arg21[%swap3A_1264] {strides = array<i32>} : memref<40xi32, #tpu.memory_space<vmem>>, vector<16xi32>,
      %swap3A_1266 = vector.shape_cast %swap3A_1265 : vector<16xi32> to vector<16xi32>
      %swap3A_1267 = vector.shape_cast %add3A_1263 : vector<16xi32> to vector<16xi32>
      tpu.vector_store %arg21[%swap3A_1264], %swap3A_1267 {strides = array<i32>} : memref<40xi32, #tpu.memory_space<vmem>>, vector<16xi32>,
      %dma_start3A_1268 = arith.constant 0 : i32
      %dma_start3A_1269 = arith.constant 0 : i32
      %dma_start3A_1270 = tpu.memref_slice %arg3[%dma_start3A_1268, %dma_start3A_1269] : memref<128000x256xf32, #tpu.memory_space<hbm>> -> memref<128000x256xf32, #tpu.memory_space<hbm>>
      tpu.enqueue_indirect_dma source(%arg28 : memref<40x256xf32, #tpu.memory_space<vmem>>) target(%dma_start3A_1270 : memref<128000x256xf32, #tpu.memory_space<hbm>>) offsets(%arg21 : memref<40xi32, #tpu.memory_space<vmem>>) semaphore(%arg38 : memref<!tpu.dma_semaphore, #tpu.memory_space<semaphore_mem>>)
      %add3A_1271 = arith.constant 0 : i32
      %add3A_1272 = arith.addi %add3A_1204, %add3A_1271 : i32
      %add3A_1273 = arith.constant 2 : i32
      %add3A_1274 = arith.addi %add3A_1272, %add3A_1273 : i32
      %broadcast_in_dim3A_1275 = vector.broadcast %add3A_1274 : i32 to vector<16xi32>
      %add3A_1276 = arith.addi %mul3A_42, %broadcast_in_dim3A_1275 : vector<16xi32>
      %swap3A_1277 = arith.constant 0 : index
      %swap3A_1278 = tpu.vector_load %arg22[%swap3A_1277] {strides = array<i32>} : memref<40xi32, #tpu.memory_space<vmem>>, vector<16xi32>,
      %swap3A_1279 = vector.shape_cast %swap3A_1278 : vector<16xi32> to vector<16xi32>
      %swap3A_1280 = vector.shape_cast %add3A_1276 : vector<16xi32> to vector<16xi32>
      tpu.vector_store %arg22[%swap3A_1277], %swap3A_1280 {strides = array<i32>} : memref<40xi32, #tpu.memory_space<vmem>>, vector<16xi32>,
      %add3A_1281 = arith.constant 64 : i32
      %add3A_1282 = arith.addi %add3A_1204, %add3A_1281 : i32
      %add3A_1283 = arith.constant 2 : i32
      %add3A_1284 = arith.addi %add3A_1282, %add3A_1283 : i32
      %broadcast_in_dim3A_1285 = vector.broadcast %add3A_1284 : i32 to vector<16xi32>
      %add3A_1286 = arith.addi %mul3A_42, %broadcast_in_dim3A_1285 : vector<16xi32>
      %swap3A_1287 = arith.constant 16 : index
      %swap3A_1288 = tpu.vector_load %arg22[%swap3A_1287] {strides = array<i32>} : memref<40xi32, #tpu.memory_space<vmem>>, vector<16xi32>,
      %swap3A_1289 = vector.shape_cast %swap3A_1288 : vector<16xi32> to vector<16xi32>
      %swap3A_1290 = vector.shape_cast %add3A_1286 : vector<16xi32> to vector<16xi32>
      tpu.vector_store %arg22[%swap3A_1287], %swap3A_1290 {strides = array<i32>} : memref<40xi32, #tpu.memory_space<vmem>>, vector<16xi32>,
      %add3A_1291 = arith.constant 96 : i32
      %add3A_1292 = arith.addi %add3A_1204, %add3A_1291 : i32
      %add3A_1293 = arith.constant 2 : i32
      %add3A_1294 = arith.addi %add3A_1292, %add3A_1293 : i32
      %broadcast_in_dim3A_1295 = vector.broadcast %add3A_1294 : i32 to vector<16xi32>
      %add3A_1296 = arith.addi %mul3A_42, %broadcast_in_dim3A_1295 : vector<16xi32>
      %swap3A_1297 = arith.constant 24 : index
      %swap3A_1298 = tpu.vector_load %arg22[%swap3A_1297] {strides = array<i32>} : memref<40xi32, #tpu.memory_space<vmem>>, vector<16xi32>,
      %swap3A_1299 = vector.shape_cast %swap3A_1298 : vector<16xi32> to vector<16xi32>
      %swap3A_1300 = vector.shape_cast %add3A_1296 : vector<16xi32> to vector<16xi32>
      tpu.vector_store %arg22[%swap3A_1297], %swap3A_1300 {strides = array<i32>} : memref<40xi32, #tpu.memory_space<vmem>>, vector<16xi32>,
      %dma_start3A_1301 = arith.constant 0 : i32
      %dma_start3A_1302 = arith.constant 0 : i32
      %dma_start3A_1303 = tpu.memref_slice %arg3[%dma_start3A_1301, %dma_start3A_1302] : memref<128000x256xf32, #tpu.memory_space<hbm>> -> memref<128000x256xf32, #tpu.memory_space<hbm>>
      tpu.enqueue_indirect_dma source(%arg28 : memref<40x256xf32, #tpu.memory_space<vmem>>) target(%dma_start3A_1303 : memref<128000x256xf32, #tpu.memory_space<hbm>>) offsets(%arg22 : memref<40xi32, #tpu.memory_space<vmem>>) semaphore(%arg38 : memref<!tpu.dma_semaphore, #tpu.memory_space<semaphore_mem>>)
      %add3A_1304 = arith.constant 0 : i32
      %add3A_1305 = arith.addi %add3A_1204, %add3A_1304 : i32
      %add3A_1306 = arith.constant 3 : i32
      %add3A_1307 = arith.addi %add3A_1305, %add3A_1306 : i32
      %broadcast_in_dim3A_1308 = vector.broadcast %add3A_1307 : i32 to vector<16xi32>
      %add3A_1309 = arith.addi %mul3A_42, %broadcast_in_dim3A_1308 : vector<16xi32>
      %swap3A_1310 = arith.constant 0 : index
      %swap3A_1311 = tpu.vector_load %arg23[%swap3A_1310] {strides = array<i32>} : memref<40xi32, #tpu.memory_space<vmem>>, vector<16xi32>,
      %swap3A_1312 = vector.shape_cast %swap3A_1311 : vector<16xi32> to vector<16xi32>
      %swap3A_1313 = vector.shape_cast %add3A_1309 : vector<16xi32> to vector<16xi32>
      tpu.vector_store %arg23[%swap3A_1310], %swap3A_1313 {strides = array<i32>} : memref<40xi32, #tpu.memory_space<vmem>>, vector<16xi32>,
      %add3A_1314 = arith.constant 64 : i32
      %add3A_1315 = arith.addi %add3A_1204, %add3A_1314 : i32
      %add3A_1316 = arith.constant 3 : i32
      %add3A_1317 = arith.addi %add3A_1315, %add3A_1316 : i32
      %broadcast_in_dim3A_1318 = vector.broadcast %add3A_1317 : i32 to vector<16xi32>
      %add3A_1319 = arith.addi %mul3A_42, %broadcast_in_dim3A_1318 : vector<16xi32>
      %swap3A_1320 = arith.constant 16 : index
      %swap3A_1321 = tpu.vector_load %arg23[%swap3A_1320] {strides = array<i32>} : memref<40xi32, #tpu.memory_space<vmem>>, vector<16xi32>,
      %swap3A_1322 = vector.shape_cast %swap3A_1321 : vector<16xi32> to vector<16xi32>
      %swap3A_1323 = vector.shape_cast %add3A_1319 : vector<16xi32> to vector<16xi32>
      tpu.vector_store %arg23[%swap3A_1320], %swap3A_1323 {strides = array<i32>} : memref<40xi32, #tpu.memory_space<vmem>>, vector<16xi32>,
      %add3A_1324 = arith.constant 96 : i32
      %add3A_1325 = arith.addi %add3A_1204, %add3A_1324 : i32
      %add3A_1326 = arith.constant 3 : i32
      %add3A_1327 = arith.addi %add3A_1325, %add3A_1326 : i32
      %broadcast_in_dim3A_1328 = vector.broadcast %add3A_1327 : i32 to vector<16xi32>
      %add3A_1329 = arith.addi %mul3A_42, %broadcast_in_dim3A_1328 : vector<16xi32>
      %swap3A_1330 = arith.constant 24 : index
      %swap3A_1331 = tpu.vector_load %arg23[%swap3A_1330] {strides = array<i32>} : memref<40xi32, #tpu.memory_space<vmem>>, vector<16xi32>,
      %swap3A_1332 = vector.shape_cast %swap3A_1331 : vector<16xi32> to vector<16xi32>
      %swap3A_1333 = vector.shape_cast %add3A_1329 : vector<16xi32> to vector<16xi32>
      tpu.vector_store %arg23[%swap3A_1330], %swap3A_1333 {strides = array<i32>} : memref<40xi32, #tpu.memory_space<vmem>>, vector<16xi32>,
      %dma_start3A_1334 = arith.constant 0 : i32
      %dma_start3A_1335 = arith.constant 0 : i32
      %dma_start3A_1336 = tpu.memref_slice %arg3[%dma_start3A_1334, %dma_start3A_1335] : memref<128000x256xf32, #tpu.memory_space<hbm>> -> memref<128000x256xf32, #tpu.memory_space<hbm>>
      tpu.enqueue_indirect_dma source(%arg28 : memref<40x256xf32, #tpu.memory_space<vmem>>) target(%dma_start3A_1336 : memref<128000x256xf32, #tpu.memory_space<hbm>>) offsets(%arg23 : memref<40xi32, #tpu.memory_space<vmem>>) semaphore(%arg38 : memref<!tpu.dma_semaphore, #tpu.memory_space<semaphore_mem>>)
      %mul3A_1337 = arith.constant 5 : i32
      %mul3A_1338 = arith.muli %mul3A_1337, %scan3A_835 : i32
      %add3A_1339 = arith.constant 3 : i32
      %add3A_1340 = arith.addi %mul3A_1338, %add3A_1339 : i32
      %dma_wait3A_1341 = arith.constant 0 : i32
      %dma_wait3A_1342 = arith.constant 0 : i32
      %dma_wait3A_1343 = tpu.memref_slice %arg3[%dma_wait3A_1341, %dma_wait3A_1342] : memref<128000x256xf32, #tpu.memory_space<hbm>> -> memref<128000x256xf32, #tpu.memory_space<hbm>>
      tpu.wait_indirect_dma semaphore(%arg37 : memref<!tpu.dma_semaphore, #tpu.memory_space<semaphore_mem>>) src(%arg27 : memref<40x256xf32, #tpu.memory_space<vmem>>) dst(%dma_wait3A_1343 : memref<128000x256xf32, #tpu.memory_space<hbm>>)
      %dma_wait3A_1344 = arith.constant 0 : i32
      %dma_wait3A_1345 = arith.constant 0 : i32
      %dma_wait3A_1346 = tpu.memref_slice %arg3[%dma_wait3A_1344, %dma_wait3A_1345] : memref<128000x256xf32, #tpu.memory_space<hbm>> -> memref<128000x256xf32, #tpu.memory_space<hbm>>
      tpu.wait_indirect_dma semaphore(%arg37 : memref<!tpu.dma_semaphore, #tpu.memory_space<semaphore_mem>>) src(%arg27 : memref<40x256xf32, #tpu.memory_space<vmem>>) dst(%dma_wait3A_1346 : memref<128000x256xf32, #tpu.memory_space<hbm>>)
      %dma_wait3A_1347 = arith.constant 0 : i32
      %dma_wait3A_1348 = arith.constant 0 : i32
      %dma_wait3A_1349 = tpu.memref_slice %arg3[%dma_wait3A_1347, %dma_wait3A_1348] : memref<128000x256xf32, #tpu.memory_space<hbm>> -> memref<128000x256xf32, #tpu.memory_space<hbm>>
      tpu.wait_indirect_dma semaphore(%arg37 : memref<!tpu.dma_semaphore, #tpu.memory_space<semaphore_mem>>) src(%arg27 : memref<40x256xf32, #tpu.memory_space<vmem>>) dst(%dma_wait3A_1349 : memref<128000x256xf32, #tpu.memory_space<hbm>>)
      %dma_wait3A_1350 = arith.constant 0 : i32
      %dma_wait3A_1351 = arith.constant 0 : i32
      %dma_wait3A_1352 = tpu.memref_slice %arg3[%dma_wait3A_1350, %dma_wait3A_1351] : memref<128000x256xf32, #tpu.memory_space<hbm>> -> memref<128000x256xf32, #tpu.memory_space<hbm>>
      tpu.wait_indirect_dma semaphore(%arg37 : memref<!tpu.dma_semaphore, #tpu.memory_space<semaphore_mem>>) src(%arg27 : memref<40x256xf32, #tpu.memory_space<vmem>>) dst(%dma_wait3A_1352 : memref<128000x256xf32, #tpu.memory_space<hbm>>)
      %mul3A_1353 = arith.constant 40 : i32
      %mul3A_1354 = arith.muli %add3A_1340, %mul3A_1353 : i32
      %add3A_1355 = arith.addi %add3A_40, %mul3A_1354 : i32
      %dma_start3A_1356 = arith.constant 0 : i32
      %dma_start3A_1357 = tpu.memref_slice %arg2[%add3A_1355, %dma_start3A_1356] : memref<32768x256xf32, #tpu.memory_space<hbm>> -> memref<40x256xf32, #tpu.memory_space<hbm>>
      %dma_start3A_1358 = arith.constant 0 : i32
      %dma_start3A_1359 = tpu.memref_slice %arg2[%add3A_1355, %dma_start3A_1358] : memref<32768x256xf32, #tpu.memory_space<hbm>> -> memref<40x256xf32, #tpu.memory_space<hbm>>
      tpu.enqueue_dma source(%dma_start3A_1359 : memref<40x256xf32, #tpu.memory_space<hbm>>) target(%arg27 : memref<40x256xf32, #tpu.memory_space<vmem>>) target_semaphore(%arg32 : memref<!tpu.dma_semaphore, #tpu.memory_space<semaphore_mem>>)
      %sub3A_1360 = arith.constant 3 : i32
      %sub3A_1361 = arith.subi %add3A_1340, %sub3A_1360 : i32
      %mul3A_1362 = arith.constant 40 : i32
      %mul3A_1363 = arith.muli %sub3A_1361, %mul3A_1362 : i32
      %add3A_1364 = arith.addi %add3A_40, %mul3A_1363 : i32
      %dma_wait3A_1365 = arith.constant 0 : i32
      %dma_wait3A_1366 = tpu.memref_slice %arg2[%add3A_1364, %dma_wait3A_1365] : memref<32768x256xf32, #tpu.memory_space<hbm>> -> memref<40x256xf32, #tpu.memory_space<hbm>>
      %dma_wait3A_1367 = arith.constant 0 : i32
      %dma_wait3A_1368 = tpu.memref_slice %arg2[%add3A_1364, %dma_wait3A_1367] : memref<32768x256xf32, #tpu.memory_space<hbm>> -> memref<40x256xf32, #tpu.memory_space<hbm>>
      tpu.wait_dma2 semaphore(%arg29 : memref<!tpu.dma_semaphore, #tpu.memory_space<semaphore_mem>>) src(%dma_wait3A_1368 : memref<40x256xf32, #tpu.memory_space<hbm>>) dst(%arg24 : memref<40x256xf32, #tpu.memory_space<vmem>>)
      %mul3A_1369 = arith.constant 160 : i32
      %mul3A_1370 = arith.muli %sub3A_1361, %mul3A_1369 : i32
      %add3A_1371 = arith.addi %add3A_35, %mul3A_1370 : i32
      %add3A_1372 = arith.constant 0 : i32
      %add3A_1373 = arith.addi %add3A_1371, %add3A_1372 : i32
      %add3A_1374 = arith.constant 0 : i32
      %add3A_1375 = arith.addi %add3A_1373, %add3A_1374 : i32
      %broadcast_in_dim3A_1376 = vector.broadcast %add3A_1375 : i32 to vector<16xi32>
      %add3A_1377 = arith.addi %mul3A_42, %broadcast_in_dim3A_1376 : vector<16xi32>
      %swap3A_1378 = arith.constant 0 : index
      %swap3A_1379 = tpu.vector_load %arg4[%swap3A_1378] {strides = array<i32>} : memref<40xi32, #tpu.memory_space<vmem>>, vector<16xi32>,
      %swap3A_1380 = vector.shape_cast %swap3A_1379 : vector<16xi32> to vector<16xi32>
      %swap3A_1381 = vector.shape_cast %add3A_1377 : vector<16xi32> to vector<16xi32>
      tpu.vector_store %arg4[%swap3A_1378], %swap3A_1381 {strides = array<i32>} : memref<40xi32, #tpu.memory_space<vmem>>, vector<16xi32>,
      %add3A_1382 = arith.constant 64 : i32
      %add3A_1383 = arith.addi %add3A_1371, %add3A_1382 : i32
      %add3A_1384 = arith.constant 0 : i32
      %add3A_1385 = arith.addi %add3A_1383, %add3A_1384 : i32
      %broadcast_in_dim3A_1386 = vector.broadcast %add3A_1385 : i32 to vector<16xi32>
      %add3A_1387 = arith.addi %mul3A_42, %broadcast_in_dim3A_1386 : vector<16xi32>
      %swap3A_1388 = arith.constant 16 : index
      %swap3A_1389 = tpu.vector_load %arg4[%swap3A_1388] {strides = array<i32>} : memref<40xi32, #tpu.memory_space<vmem>>, vector<16xi32>,
      %swap3A_1390 = vector.shape_cast %swap3A_1389 : vector<16xi32> to vector<16xi32>
      %swap3A_1391 = vector.shape_cast %add3A_1387 : vector<16xi32> to vector<16xi32>
      tpu.vector_store %arg4[%swap3A_1388], %swap3A_1391 {strides = array<i32>} : memref<40xi32, #tpu.memory_space<vmem>>, vector<16xi32>,
      %add3A_1392 = arith.constant 96 : i32
      %add3A_1393 = arith.addi %add3A_1371, %add3A_1392 : i32
      %add3A_1394 = arith.constant 0 : i32
      %add3A_1395 = arith.addi %add3A_1393, %add3A_1394 : i32
      %broadcast_in_dim3A_1396 = vector.broadcast %add3A_1395 : i32 to vector<16xi32>
      %add3A_1397 = arith.addi %mul3A_42, %broadcast_in_dim3A_1396 : vector<16xi32>
      %swap3A_1398 = arith.constant 24 : index
      %swap3A_1399 = tpu.vector_load %arg4[%swap3A_1398] {strides = array<i32>} : memref<40xi32, #tpu.memory_space<vmem>>, vector<16xi32>,
      %swap3A_1400 = vector.shape_cast %swap3A_1399 : vector<16xi32> to vector<16xi32>
      %swap3A_1401 = vector.shape_cast %add3A_1397 : vector<16xi32> to vector<16xi32>
      tpu.vector_store %arg4[%swap3A_1398], %swap3A_1401 {strides = array<i32>} : memref<40xi32, #tpu.memory_space<vmem>>, vector<16xi32>,
      %dma_start3A_1402 = arith.constant 0 : i32
      %dma_start3A_1403 = arith.constant 0 : i32
      %dma_start3A_1404 = tpu.memref_slice %arg3[%dma_start3A_1402, %dma_start3A_1403] : memref<128000x256xf32, #tpu.memory_space<hbm>> -> memref<128000x256xf32, #tpu.memory_space<hbm>>
      tpu.enqueue_indirect_dma source(%arg24 : memref<40x256xf32, #tpu.memory_space<vmem>>) target(%dma_start3A_1404 : memref<128000x256xf32, #tpu.memory_space<hbm>>) offsets(%arg4 : memref<40xi32, #tpu.memory_space<vmem>>) semaphore(%arg34 : memref<!tpu.dma_semaphore, #tpu.memory_space<semaphore_mem>>)
      %add3A_1405 = arith.constant 0 : i32
      %add3A_1406 = arith.addi %add3A_1371, %add3A_1405 : i32
      %add3A_1407 = arith.constant 1 : i32
      %add3A_1408 = arith.addi %add3A_1406, %add3A_1407 : i32
      %broadcast_in_dim3A_1409 = vector.broadcast %add3A_1408 : i32 to vector<16xi32>
      %add3A_1410 = arith.addi %mul3A_42, %broadcast_in_dim3A_1409 : vector<16xi32>
      %swap3A_1411 = arith.constant 0 : index
      %swap3A_1412 = tpu.vector_load %arg5[%swap3A_1411] {strides = array<i32>} : memref<40xi32, #tpu.memory_space<vmem>>, vector<16xi32>,
      %swap3A_1413 = vector.shape_cast %swap3A_1412 : vector<16xi32> to vector<16xi32>
      %swap3A_1414 = vector.shape_cast %add3A_1410 : vector<16xi32> to vector<16xi32>
      tpu.vector_store %arg5[%swap3A_1411], %swap3A_1414 {strides = array<i32>} : memref<40xi32, #tpu.memory_space<vmem>>, vector<16xi32>,
      %add3A_1415 = arith.constant 64 : i32
      %add3A_1416 = arith.addi %add3A_1371, %add3A_1415 : i32
      %add3A_1417 = arith.constant 1 : i32
      %add3A_1418 = arith.addi %add3A_1416, %add3A_1417 : i32
      %broadcast_in_dim3A_1419 = vector.broadcast %add3A_1418 : i32 to vector<16xi32>
      %add3A_1420 = arith.addi %mul3A_42, %broadcast_in_dim3A_1419 : vector<16xi32>
      %swap3A_1421 = arith.constant 16 : index
      %swap3A_1422 = tpu.vector_load %arg5[%swap3A_1421] {strides = array<i32>} : memref<40xi32, #tpu.memory_space<vmem>>, vector<16xi32>,
      %swap3A_1423 = vector.shape_cast %swap3A_1422 : vector<16xi32> to vector<16xi32>
      %swap3A_1424 = vector.shape_cast %add3A_1420 : vector<16xi32> to vector<16xi32>
      tpu.vector_store %arg5[%swap3A_1421], %swap3A_1424 {strides = array<i32>} : memref<40xi32, #tpu.memory_space<vmem>>, vector<16xi32>,
      %add3A_1425 = arith.constant 96 : i32
      %add3A_1426 = arith.addi %add3A_1371, %add3A_1425 : i32
      %add3A_1427 = arith.constant 1 : i32
      %add3A_1428 = arith.addi %add3A_1426, %add3A_1427 : i32
      %broadcast_in_dim3A_1429 = vector.broadcast %add3A_1428 : i32 to vector<16xi32>
      %add3A_1430 = arith.addi %mul3A_42, %broadcast_in_dim3A_1429 : vector<16xi32>
      %swap3A_1431 = arith.constant 24 : index
      %swap3A_1432 = tpu.vector_load %arg5[%swap3A_1431] {strides = array<i32>} : memref<40xi32, #tpu.memory_space<vmem>>, vector<16xi32>,
      %swap3A_1433 = vector.shape_cast %swap3A_1432 : vector<16xi32> to vector<16xi32>
      %swap3A_1434 = vector.shape_cast %add3A_1430 : vector<16xi32> to vector<16xi32>
      tpu.vector_store %arg5[%swap3A_1431], %swap3A_1434 {strides = array<i32>} : memref<40xi32, #tpu.memory_space<vmem>>, vector<16xi32>,
      %dma_start3A_1435 = arith.constant 0 : i32
      %dma_start3A_1436 = arith.constant 0 : i32
      %dma_start3A_1437 = tpu.memref_slice %arg3[%dma_start3A_1435, %dma_start3A_1436] : memref<128000x256xf32, #tpu.memory_space<hbm>> -> memref<128000x256xf32, #tpu.memory_space<hbm>>
      tpu.enqueue_indirect_dma source(%arg24 : memref<40x256xf32, #tpu.memory_space<vmem>>) target(%dma_start3A_1437 : memref<128000x256xf32, #tpu.memory_space<hbm>>) offsets(%arg5 : memref<40xi32, #tpu.memory_space<vmem>>) semaphore(%arg34 : memref<!tpu.dma_semaphore, #tpu.memory_space<semaphore_mem>>)
      %add3A_1438 = arith.constant 0 : i32
      %add3A_1439 = arith.addi %add3A_1371, %add3A_1438 : i32
      %add3A_1440 = arith.constant 2 : i32
      %add3A_1441 = arith.addi %add3A_1439, %add3A_1440 : i32
      %broadcast_in_dim3A_1442 = vector.broadcast %add3A_1441 : i32 to vector<16xi32>
      %add3A_1443 = arith.addi %mul3A_42, %broadcast_in_dim3A_1442 : vector<16xi32>
      %swap3A_1444 = arith.constant 0 : index
      %swap3A_1445 = tpu.vector_load %arg6[%swap3A_1444] {strides = array<i32>} : memref<40xi32, #tpu.memory_space<vmem>>, vector<16xi32>,
      %swap3A_1446 = vector.shape_cast %swap3A_1445 : vector<16xi32> to vector<16xi32>
      %swap3A_1447 = vector.shape_cast %add3A_1443 : vector<16xi32> to vector<16xi32>
      tpu.vector_store %arg6[%swap3A_1444], %swap3A_1447 {strides = array<i32>} : memref<40xi32, #tpu.memory_space<vmem>>, vector<16xi32>,
      %add3A_1448 = arith.constant 64 : i32
      %add3A_1449 = arith.addi %add3A_1371, %add3A_1448 : i32
      %add3A_1450 = arith.constant 2 : i32
      %add3A_1451 = arith.addi %add3A_1449, %add3A_1450 : i32
      %broadcast_in_dim3A_1452 = vector.broadcast %add3A_1451 : i32 to vector<16xi32>
      %add3A_1453 = arith.addi %mul3A_42, %broadcast_in_dim3A_1452 : vector<16xi32>
      %swap3A_1454 = arith.constant 16 : index
      %swap3A_1455 = tpu.vector_load %arg6[%swap3A_1454] {strides = array<i32>} : memref<40xi32, #tpu.memory_space<vmem>>, vector<16xi32>,
      %swap3A_1456 = vector.shape_cast %swap3A_1455 : vector<16xi32> to vector<16xi32>
      %swap3A_1457 = vector.shape_cast %add3A_1453 : vector<16xi32> to vector<16xi32>
      tpu.vector_store %arg6[%swap3A_1454], %swap3A_1457 {strides = array<i32>} : memref<40xi32, #tpu.memory_space<vmem>>, vector<16xi32>,
      %add3A_1458 = arith.constant 96 : i32
      %add3A_1459 = arith.addi %add3A_1371, %add3A_1458 : i32
      %add3A_1460 = arith.constant 2 : i32
      %add3A_1461 = arith.addi %add3A_1459, %add3A_1460 : i32
      %broadcast_in_dim3A_1462 = vector.broadcast %add3A_1461 : i32 to vector<16xi32>
      %add3A_1463 = arith.addi %mul3A_42, %broadcast_in_dim3A_1462 : vector<16xi32>
      %swap3A_1464 = arith.constant 24 : index
      %swap3A_1465 = tpu.vector_load %arg6[%swap3A_1464] {strides = array<i32>} : memref<40xi32, #tpu.memory_space<vmem>>, vector<16xi32>,
      %swap3A_1466 = vector.shape_cast %swap3A_1465 : vector<16xi32> to vector<16xi32>
      %swap3A_1467 = vector.shape_cast %add3A_1463 : vector<16xi32> to vector<16xi32>
      tpu.vector_store %arg6[%swap3A_1464], %swap3A_1467 {strides = array<i32>} : memref<40xi32, #tpu.memory_space<vmem>>, vector<16xi32>,
      %dma_start3A_1468 = arith.constant 0 : i32
      %dma_start3A_1469 = arith.constant 0 : i32
      %dma_start3A_1470 = tpu.memref_slice %arg3[%dma_start3A_1468, %dma_start3A_1469] : memref<128000x256xf32, #tpu.memory_space<hbm>> -> memref<128000x256xf32, #tpu.memory_space<hbm>>
      tpu.enqueue_indirect_dma source(%arg24 : memref<40x256xf32, #tpu.memory_space<vmem>>) target(%dma_start3A_1470 : memref<128000x256xf32, #tpu.memory_space<hbm>>) offsets(%arg6 : memref<40xi32, #tpu.memory_space<vmem>>) semaphore(%arg34 : memref<!tpu.dma_semaphore, #tpu.memory_space<semaphore_mem>>)
      %add3A_1471 = arith.constant 0 : i32
      %add3A_1472 = arith.addi %add3A_1371, %add3A_1471 : i32
      %add3A_1473 = arith.constant 3 : i32
      %add3A_1474 = arith.addi %add3A_1472, %add3A_1473 : i32
      %broadcast_in_dim3A_1475 = vector.broadcast %add3A_1474 : i32 to vector<16xi32>
      %add3A_1476 = arith.addi %mul3A_42, %broadcast_in_dim3A_1475 : vector<16xi32>
      %swap3A_1477 = arith.constant 0 : index
      %swap3A_1478 = tpu.vector_load %arg7[%swap3A_1477] {strides = array<i32>} : memref<40xi32, #tpu.memory_space<vmem>>, vector<16xi32>,
      %swap3A_1479 = vector.shape_cast %swap3A_1478 : vector<16xi32> to vector<16xi32>
      %swap3A_1480 = vector.shape_cast %add3A_1476 : vector<16xi32> to vector<16xi32>
      tpu.vector_store %arg7[%swap3A_1477], %swap3A_1480 {strides = array<i32>} : memref<40xi32, #tpu.memory_space<vmem>>, vector<16xi32>,
      %add3A_1481 = arith.constant 64 : i32
      %add3A_1482 = arith.addi %add3A_1371, %add3A_1481 : i32
      %add3A_1483 = arith.constant 3 : i32
      %add3A_1484 = arith.addi %add3A_1482, %add3A_1483 : i32
      %broadcast_in_dim3A_1485 = vector.broadcast %add3A_1484 : i32 to vector<16xi32>
      %add3A_1486 = arith.addi %mul3A_42, %broadcast_in_dim3A_1485 : vector<16xi32>
      %swap3A_1487 = arith.constant 16 : index
      %swap3A_1488 = tpu.vector_load %arg7[%swap3A_1487] {strides = array<i32>} : memref<40xi32, #tpu.memory_space<vmem>>, vector<16xi32>,
      %swap3A_1489 = vector.shape_cast %swap3A_1488 : vector<16xi32> to vector<16xi32>
      %swap3A_1490 = vector.shape_cast %add3A_1486 : vector<16xi32> to vector<16xi32>
      tpu.vector_store %arg7[%swap3A_1487], %swap3A_1490 {strides = array<i32>} : memref<40xi32, #tpu.memory_space<vmem>>, vector<16xi32>,
      %add3A_1491 = arith.constant 96 : i32
      %add3A_1492 = arith.addi %add3A_1371, %add3A_1491 : i32
      %add3A_1493 = arith.constant 3 : i32
      %add3A_1494 = arith.addi %add3A_1492, %add3A_1493 : i32
      %broadcast_in_dim3A_1495 = vector.broadcast %add3A_1494 : i32 to vector<16xi32>
      %add3A_1496 = arith.addi %mul3A_42, %broadcast_in_dim3A_1495 : vector<16xi32>
      %swap3A_1497 = arith.constant 24 : index
      %swap3A_1498 = tpu.vector_load %arg7[%swap3A_1497] {strides = array<i32>} : memref<40xi32, #tpu.memory_space<vmem>>, vector<16xi32>,
      %swap3A_1499 = vector.shape_cast %swap3A_1498 : vector<16xi32> to vector<16xi32>
      %swap3A_1500 = vector.shape_cast %add3A_1496 : vector<16xi32> to vector<16xi32>
      tpu.vector_store %arg7[%swap3A_1497], %swap3A_1500 {strides = array<i32>} : memref<40xi32, #tpu.memory_space<vmem>>, vector<16xi32>,
      %dma_start3A_1501 = arith.constant 0 : i32
      %dma_start3A_1502 = arith.constant 0 : i32
      %dma_start3A_1503 = tpu.memref_slice %arg3[%dma_start3A_1501, %dma_start3A_1502] : memref<128000x256xf32, #tpu.memory_space<hbm>> -> memref<128000x256xf32, #tpu.memory_space<hbm>>
      tpu.enqueue_indirect_dma source(%arg24 : memref<40x256xf32, #tpu.memory_space<vmem>>) target(%dma_start3A_1503 : memref<128000x256xf32, #tpu.memory_space<hbm>>) offsets(%arg7 : memref<40xi32, #tpu.memory_space<vmem>>) semaphore(%arg34 : memref<!tpu.dma_semaphore, #tpu.memory_space<semaphore_mem>>)
      %mul3A_1504 = arith.constant 5 : i32
      %mul3A_1505 = arith.muli %mul3A_1504, %scan3A_835 : i32
      %add3A_1506 = arith.constant 4 : i32
      %add3A_1507 = arith.addi %mul3A_1505, %add3A_1506 : i32
      %dma_wait3A_1508 = arith.constant 0 : i32
      %dma_wait3A_1509 = arith.constant 0 : i32
      %dma_wait3A_1510 = tpu.memref_slice %arg3[%dma_wait3A_1508, %dma_wait3A_1509] : memref<128000x256xf32, #tpu.memory_space<hbm>> -> memref<128000x256xf32, #tpu.memory_space<hbm>>
      tpu.wait_indirect_dma semaphore(%arg38 : memref<!tpu.dma_semaphore, #tpu.memory_space<semaphore_mem>>) src(%arg28 : memref<40x256xf32, #tpu.memory_space<vmem>>) dst(%dma_wait3A_1510 : memref<128000x256xf32, #tpu.memory_space<hbm>>)
      %dma_wait3A_1511 = arith.constant 0 : i32
      %dma_wait3A_1512 = arith.constant 0 : i32
      %dma_wait3A_1513 = tpu.memref_slice %arg3[%dma_wait3A_1511, %dma_wait3A_1512] : memref<128000x256xf32, #tpu.memory_space<hbm>> -> memref<128000x256xf32, #tpu.memory_space<hbm>>
      tpu.wait_indirect_dma semaphore(%arg38 : memref<!tpu.dma_semaphore, #tpu.memory_space<semaphore_mem>>) src(%arg28 : memref<40x256xf32, #tpu.memory_space<vmem>>) dst(%dma_wait3A_1513 : memref<128000x256xf32, #tpu.memory_space<hbm>>)
      %dma_wait3A_1514 = arith.constant 0 : i32
      %dma_wait3A_1515 = arith.constant 0 : i32
      %dma_wait3A_1516 = tpu.memref_slice %arg3[%dma_wait3A_1514, %dma_wait3A_1515] : memref<128000x256xf32, #tpu.memory_space<hbm>> -> memref<128000x256xf32, #tpu.memory_space<hbm>>
      tpu.wait_indirect_dma semaphore(%arg38 : memref<!tpu.dma_semaphore, #tpu.memory_space<semaphore_mem>>) src(%arg28 : memref<40x256xf32, #tpu.memory_space<vmem>>) dst(%dma_wait3A_1516 : memref<128000x256xf32, #tpu.memory_space<hbm>>)
      %dma_wait3A_1517 = arith.constant 0 : i32
      %dma_wait3A_1518 = arith.constant 0 : i32
      %dma_wait3A_1519 = tpu.memref_slice %arg3[%dma_wait3A_1517, %dma_wait3A_1518] : memref<128000x256xf32, #tpu.memory_space<hbm>> -> memref<128000x256xf32, #tpu.memory_space<hbm>>
      tpu.wait_indirect_dma semaphore(%arg38 : memref<!tpu.dma_semaphore, #tpu.memory_space<semaphore_mem>>) src(%arg28 : memref<40x256xf32, #tpu.memory_space<vmem>>) dst(%dma_wait3A_1519 : memref<128000x256xf32, #tpu.memory_space<hbm>>)
      %mul3A_1520 = arith.constant 40 : i32
      %mul3A_1521 = arith.muli %add3A_1507, %mul3A_1520 : i32
      %add3A_1522 = arith.addi %add3A_40, %mul3A_1521 : i32
      %dma_start3A_1523 = arith.constant 0 : i32
      %dma_start3A_1524 = tpu.memref_slice %arg2[%add3A_1522, %dma_start3A_1523] : memref<32768x256xf32, #tpu.memory_space<hbm>> -> memref<40x256xf32, #tpu.memory_space<hbm>>
      %dma_start3A_1525 = arith.constant 0 : i32
      %dma_start3A_1526 = tpu.memref_slice %arg2[%add3A_1522, %dma_start3A_1525] : memref<32768x256xf32, #tpu.memory_space<hbm>> -> memref<40x256xf32, #tpu.memory_space<hbm>>
      tpu.enqueue_dma source(%dma_start3A_1526 : memref<40x256xf32, #tpu.memory_space<hbm>>) target(%arg28 : memref<40x256xf32, #tpu.memory_space<vmem>>) target_semaphore(%arg33 : memref<!tpu.dma_semaphore, #tpu.memory_space<semaphore_mem>>)
      %sub3A_1527 = arith.constant 3 : i32
      %sub3A_1528 = arith.subi %add3A_1507, %sub3A_1527 : i32
      %mul3A_1529 = arith.constant 40 : i32
      %mul3A_1530 = arith.muli %sub3A_1528, %mul3A_1529 : i32
      %add3A_1531 = arith.addi %add3A_40, %mul3A_1530 : i32
      %dma_wait3A_1532 = arith.constant 0 : i32
      %dma_wait3A_1533 = tpu.memref_slice %arg2[%add3A_1531, %dma_wait3A_1532] : memref<32768x256xf32, #tpu.memory_space<hbm>> -> memref<40x256xf32, #tpu.memory_space<hbm>>
      %dma_wait3A_1534 = arith.constant 0 : i32
      %dma_wait3A_1535 = tpu.memref_slice %arg2[%add3A_1531, %dma_wait3A_1534] : memref<32768x256xf32, #tpu.memory_space<hbm>> -> memref<40x256xf32, #tpu.memory_space<hbm>>
      tpu.wait_dma2 semaphore(%arg30 : memref<!tpu.dma_semaphore, #tpu.memory_space<semaphore_mem>>) src(%dma_wait3A_1535 : memref<40x256xf32, #tpu.memory_space<hbm>>) dst(%arg25 : memref<40x256xf32, #tpu.memory_space<vmem>>)
      %mul3A_1536 = arith.constant 160 : i32
      %mul3A_1537 = arith.muli %sub3A_1528, %mul3A_1536 : i32
      %add3A_1538 = arith.addi %add3A_35, %mul3A_1537 : i32
      %add3A_1539 = arith.constant 0 : i32
      %add3A_1540 = arith.addi %add3A_1538, %add3A_1539 : i32
      %add3A_1541 = arith.constant 0 : i32
      %add3A_1542 = arith.addi %add3A_1540, %add3A_1541 : i32
      %broadcast_in_dim3A_1543 = vector.broadcast %add3A_1542 : i32 to vector<16xi32>
      %add3A_1544 = arith.addi %mul3A_42, %broadcast_in_dim3A_1543 : vector<16xi32>
      %swap3A_1545 = arith.constant 0 : index
      %swap3A_1546 = tpu.vector_load %arg8[%swap3A_1545] {strides = array<i32>} : memref<40xi32, #tpu.memory_space<vmem>>, vector<16xi32>,
      %swap3A_1547 = vector.shape_cast %swap3A_1546 : vector<16xi32> to vector<16xi32>
      %swap3A_1548 = vector.shape_cast %add3A_1544 : vector<16xi32> to vector<16xi32>
      tpu.vector_store %arg8[%swap3A_1545], %swap3A_1548 {strides = array<i32>} : memref<40xi32, #tpu.memory_space<vmem>>, vector<16xi32>,
      %add3A_1549 = arith.constant 64 : i32
      %add3A_1550 = arith.addi %add3A_1538, %add3A_1549 : i32
      %add3A_1551 = arith.constant 0 : i32
      %add3A_1552 = arith.addi %add3A_1550, %add3A_1551 : i32
      %broadcast_in_dim3A_1553 = vector.broadcast %add3A_1552 : i32 to vector<16xi32>
      %add3A_1554 = arith.addi %mul3A_42, %broadcast_in_dim3A_1553 : vector<16xi32>
      %swap3A_1555 = arith.constant 16 : index
      %swap3A_1556 = tpu.vector_load %arg8[%swap3A_1555] {strides = array<i32>} : memref<40xi32, #tpu.memory_space<vmem>>, vector<16xi32>,
      %swap3A_1557 = vector.shape_cast %swap3A_1556 : vector<16xi32> to vector<16xi32>
      %swap3A_1558 = vector.shape_cast %add3A_1554 : vector<16xi32> to vector<16xi32>
      tpu.vector_store %arg8[%swap3A_1555], %swap3A_1558 {strides = array<i32>} : memref<40xi32, #tpu.memory_space<vmem>>, vector<16xi32>,
      %add3A_1559 = arith.constant 96 : i32
      %add3A_1560 = arith.addi %add3A_1538, %add3A_1559 : i32
      %add3A_1561 = arith.constant 0 : i32
      %add3A_1562 = arith.addi %add3A_1560, %add3A_1561 : i32
      %broadcast_in_dim3A_1563 = vector.broadcast %add3A_1562 : i32 to vector<16xi32>
      %add3A_1564 = arith.addi %mul3A_42, %broadcast_in_dim3A_1563 : vector<16xi32>
      %swap3A_1565 = arith.constant 24 : index
      %swap3A_1566 = tpu.vector_load %arg8[%swap3A_1565] {strides = array<i32>} : memref<40xi32, #tpu.memory_space<vmem>>, vector<16xi32>,
      %swap3A_1567 = vector.shape_cast %swap3A_1566 : vector<16xi32> to vector<16xi32>
      %swap3A_1568 = vector.shape_cast %add3A_1564 : vector<16xi32> to vector<16xi32>
      tpu.vector_store %arg8[%swap3A_1565], %swap3A_1568 {strides = array<i32>} : memref<40xi32, #tpu.memory_space<vmem>>, vector<16xi32>,
      %dma_start3A_1569 = arith.constant 0 : i32
      %dma_start3A_1570 = arith.constant 0 : i32
      %dma_start3A_1571 = tpu.memref_slice %arg3[%dma_start3A_1569, %dma_start3A_1570] : memref<128000x256xf32, #tpu.memory_space<hbm>> -> memref<128000x256xf32, #tpu.memory_space<hbm>>
      tpu.enqueue_indirect_dma source(%arg25 : memref<40x256xf32, #tpu.memory_space<vmem>>) target(%dma_start3A_1571 : memref<128000x256xf32, #tpu.memory_space<hbm>>) offsets(%arg8 : memref<40xi32, #tpu.memory_space<vmem>>) semaphore(%arg35 : memref<!tpu.dma_semaphore, #tpu.memory_space<semaphore_mem>>)
      %add3A_1572 = arith.constant 0 : i32
      %add3A_1573 = arith.addi %add3A_1538, %add3A_1572 : i32
      %add3A_1574 = arith.constant 1 : i32
      %add3A_1575 = arith.addi %add3A_1573, %add3A_1574 : i32
      %broadcast_in_dim3A_1576 = vector.broadcast %add3A_1575 : i32 to vector<16xi32>
      %add3A_1577 = arith.addi %mul3A_42, %broadcast_in_dim3A_1576 : vector<16xi32>
      %swap3A_1578 = arith.constant 0 : index
      %swap3A_1579 = tpu.vector_load %arg9[%swap3A_1578] {strides = array<i32>} : memref<40xi32, #tpu.memory_space<vmem>>, vector<16xi32>,
      %swap3A_1580 = vector.shape_cast %swap3A_1579 : vector<16xi32> to vector<16xi32>
      %swap3A_1581 = vector.shape_cast %add3A_1577 : vector<16xi32> to vector<16xi32>
      tpu.vector_store %arg9[%swap3A_1578], %swap3A_1581 {strides = array<i32>} : memref<40xi32, #tpu.memory_space<vmem>>, vector<16xi32>,
      %add3A_1582 = arith.constant 64 : i32
      %add3A_1583 = arith.addi %add3A_1538, %add3A_1582 : i32
      %add3A_1584 = arith.constant 1 : i32
      %add3A_1585 = arith.addi %add3A_1583, %add3A_1584 : i32
      %broadcast_in_dim3A_1586 = vector.broadcast %add3A_1585 : i32 to vector<16xi32>
      %add3A_1587 = arith.addi %mul3A_42, %broadcast_in_dim3A_1586 : vector<16xi32>
      %swap3A_1588 = arith.constant 16 : index
      %swap3A_1589 = tpu.vector_load %arg9[%swap3A_1588] {strides = array<i32>} : memref<40xi32, #tpu.memory_space<vmem>>, vector<16xi32>,
      %swap3A_1590 = vector.shape_cast %swap3A_1589 : vector<16xi32> to vector<16xi32>
      %swap3A_1591 = vector.shape_cast %add3A_1587 : vector<16xi32> to vector<16xi32>
      tpu.vector_store %arg9[%swap3A_1588], %swap3A_1591 {strides = array<i32>} : memref<40xi32, #tpu.memory_space<vmem>>, vector<16xi32>,
      %add3A_1592 = arith.constant 96 : i32
      %add3A_1593 = arith.addi %add3A_1538, %add3A_1592 : i32
      %add3A_1594 = arith.constant 1 : i32
      %add3A_1595 = arith.addi %add3A_1593, %add3A_1594 : i32
      %broadcast_in_dim3A_1596 = vector.broadcast %add3A_1595 : i32 to vector<16xi32>
      %add3A_1597 = arith.addi %mul3A_42, %broadcast_in_dim3A_1596 : vector<16xi32>
      %swap3A_1598 = arith.constant 24 : index
      %swap3A_1599 = tpu.vector_load %arg9[%swap3A_1598] {strides = array<i32>} : memref<40xi32, #tpu.memory_space<vmem>>, vector<16xi32>,
      %swap3A_1600 = vector.shape_cast %swap3A_1599 : vector<16xi32> to vector<16xi32>
      %swap3A_1601 = vector.shape_cast %add3A_1597 : vector<16xi32> to vector<16xi32>
      tpu.vector_store %arg9[%swap3A_1598], %swap3A_1601 {strides = array<i32>} : memref<40xi32, #tpu.memory_space<vmem>>, vector<16xi32>,
      %dma_start3A_1602 = arith.constant 0 : i32
      %dma_start3A_1603 = arith.constant 0 : i32
      %dma_start3A_1604 = tpu.memref_slice %arg3[%dma_start3A_1602, %dma_start3A_1603] : memref<128000x256xf32, #tpu.memory_space<hbm>> -> memref<128000x256xf32, #tpu.memory_space<hbm>>
      tpu.enqueue_indirect_dma source(%arg25 : memref<40x256xf32, #tpu.memory_space<vmem>>) target(%dma_start3A_1604 : memref<128000x256xf32, #tpu.memory_space<hbm>>) offsets(%arg9 : memref<40xi32, #tpu.memory_space<vmem>>) semaphore(%arg35 : memref<!tpu.dma_semaphore, #tpu.memory_space<semaphore_mem>>)
      %add3A_1605 = arith.constant 0 : i32
      %add3A_1606 = arith.addi %add3A_1538, %add3A_1605 : i32
      %add3A_1607 = arith.constant 2 : i32
      %add3A_1608 = arith.addi %add3A_1606, %add3A_1607 : i32
      %broadcast_in_dim3A_1609 = vector.broadcast %add3A_1608 : i32 to vector<16xi32>
      %add3A_1610 = arith.addi %mul3A_42, %broadcast_in_dim3A_1609 : vector<16xi32>
      %swap3A_1611 = arith.constant 0 : index
      %swap3A_1612 = tpu.vector_load %arg10[%swap3A_1611] {strides = array<i32>} : memref<40xi32, #tpu.memory_space<vmem>>, vector<16xi32>,
      %swap3A_1613 = vector.shape_cast %swap3A_1612 : vector<16xi32> to vector<16xi32>
      %swap3A_1614 = vector.shape_cast %add3A_1610 : vector<16xi32> to vector<16xi32>
      tpu.vector_store %arg10[%swap3A_1611], %swap3A_1614 {strides = array<i32>} : memref<40xi32, #tpu.memory_space<vmem>>, vector<16xi32>,
      %add3A_1615 = arith.constant 64 : i32
      %add3A_1616 = arith.addi %add3A_1538, %add3A_1615 : i32
      %add3A_1617 = arith.constant 2 : i32
      %add3A_1618 = arith.addi %add3A_1616, %add3A_1617 : i32
      %broadcast_in_dim3A_1619 = vector.broadcast %add3A_1618 : i32 to vector<16xi32>
      %add3A_1620 = arith.addi %mul3A_42, %broadcast_in_dim3A_1619 : vector<16xi32>
      %swap3A_1621 = arith.constant 16 : index
      %swap3A_1622 = tpu.vector_load %arg10[%swap3A_1621] {strides = array<i32>} : memref<40xi32, #tpu.memory_space<vmem>>, vector<16xi32>,
      %swap3A_1623 = vector.shape_cast %swap3A_1622 : vector<16xi32> to vector<16xi32>
      %swap3A_1624 = vector.shape_cast %add3A_1620 : vector<16xi32> to vector<16xi32>
      tpu.vector_store %arg10[%swap3A_1621], %swap3A_1624 {strides = array<i32>} : memref<40xi32, #tpu.memory_space<vmem>>, vector<16xi32>,
      %add3A_1625 = arith.constant 96 : i32
      %add3A_1626 = arith.addi %add3A_1538, %add3A_1625 : i32
      %add3A_1627 = arith.constant 2 : i32
      %add3A_1628 = arith.addi %add3A_1626, %add3A_1627 : i32
      %broadcast_in_dim3A_1629 = vector.broadcast %add3A_1628 : i32 to vector<16xi32>
      %add3A_1630 = arith.addi %mul3A_42, %broadcast_in_dim3A_1629 : vector<16xi32>
      %swap3A_1631 = arith.constant 24 : index
      %swap3A_1632 = tpu.vector_load %arg10[%swap3A_1631] {strides = array<i32>} : memref<40xi32, #tpu.memory_space<vmem>>, vector<16xi32>,
      %swap3A_1633 = vector.shape_cast %swap3A_1632 : vector<16xi32> to vector<16xi32>
      %swap3A_1634 = vector.shape_cast %add3A_1630 : vector<16xi32> to vector<16xi32>
      tpu.vector_store %arg10[%swap3A_1631], %swap3A_1634 {strides = array<i32>} : memref<40xi32, #tpu.memory_space<vmem>>, vector<16xi32>,
      %dma_start3A_1635 = arith.constant 0 : i32
      %dma_start3A_1636 = arith.constant 0 : i32
      %dma_start3A_1637 = tpu.memref_slice %arg3[%dma_start3A_1635, %dma_start3A_1636] : memref<128000x256xf32, #tpu.memory_space<hbm>> -> memref<128000x256xf32, #tpu.memory_space<hbm>>
      tpu.enqueue_indirect_dma source(%arg25 : memref<40x256xf32, #tpu.memory_space<vmem>>) target(%dma_start3A_1637 : memref<128000x256xf32, #tpu.memory_space<hbm>>) offsets(%arg10 : memref<40xi32, #tpu.memory_space<vmem>>) semaphore(%arg35 : memref<!tpu.dma_semaphore, #tpu.memory_space<semaphore_mem>>)
      %add3A_1638 = arith.constant 0 : i32
      %add3A_1639 = arith.addi %add3A_1538, %add3A_1638 : i32
      %add3A_1640 = arith.constant 3 : i32
      %add3A_1641 = arith.addi %add3A_1639, %add3A_1640 : i32
      %broadcast_in_dim3A_1642 = vector.broadcast %add3A_1641 : i32 to vector<16xi32>
      %add3A_1643 = arith.addi %mul3A_42, %broadcast_in_dim3A_1642 : vector<16xi32>
      %swap3A_1644 = arith.constant 0 : index
      %swap3A_1645 = tpu.vector_load %arg11[%swap3A_1644] {strides = array<i32>} : memref<40xi32, #tpu.memory_space<vmem>>, vector<16xi32>,
      %swap3A_1646 = vector.shape_cast %swap3A_1645 : vector<16xi32> to vector<16xi32>
      %swap3A_1647 = vector.shape_cast %add3A_1643 : vector<16xi32> to vector<16xi32>
      tpu.vector_store %arg11[%swap3A_1644], %swap3A_1647 {strides = array<i32>} : memref<40xi32, #tpu.memory_space<vmem>>, vector<16xi32>,
      %add3A_1648 = arith.constant 64 : i32
      %add3A_1649 = arith.addi %add3A_1538, %add3A_1648 : i32
      %add3A_1650 = arith.constant 3 : i32
      %add3A_1651 = arith.addi %add3A_1649, %add3A_1650 : i32
      %broadcast_in_dim3A_1652 = vector.broadcast %add3A_1651 : i32 to vector<16xi32>
      %add3A_1653 = arith.addi %mul3A_42, %broadcast_in_dim3A_1652 : vector<16xi32>
      %swap3A_1654 = arith.constant 16 : index
      %swap3A_1655 = tpu.vector_load %arg11[%swap3A_1654] {strides = array<i32>} : memref<40xi32, #tpu.memory_space<vmem>>, vector<16xi32>,
      %swap3A_1656 = vector.shape_cast %swap3A_1655 : vector<16xi32> to vector<16xi32>
      %swap3A_1657 = vector.shape_cast %add3A_1653 : vector<16xi32> to vector<16xi32>
      tpu.vector_store %arg11[%swap3A_1654], %swap3A_1657 {strides = array<i32>} : memref<40xi32, #tpu.memory_space<vmem>>, vector<16xi32>,
      %add3A_1658 = arith.constant 96 : i32
      %add3A_1659 = arith.addi %add3A_1538, %add3A_1658 : i32
      %add3A_1660 = arith.constant 3 : i32
      %add3A_1661 = arith.addi %add3A_1659, %add3A_1660 : i32
      %broadcast_in_dim3A_1662 = vector.broadcast %add3A_1661 : i32 to vector<16xi32>
      %add3A_1663 = arith.addi %mul3A_42, %broadcast_in_dim3A_1662 : vector<16xi32>
      %swap3A_1664 = arith.constant 24 : index
      %swap3A_1665 = tpu.vector_load %arg11[%swap3A_1664] {strides = array<i32>} : memref<40xi32, #tpu.memory_space<vmem>>, vector<16xi32>,
      %swap3A_1666 = vector.shape_cast %swap3A_1665 : vector<16xi32> to vector<16xi32>
      %swap3A_1667 = vector.shape_cast %add3A_1663 : vector<16xi32> to vector<16xi32>
      tpu.vector_store %arg11[%swap3A_1664], %swap3A_1667 {strides = array<i32>} : memref<40xi32, #tpu.memory_space<vmem>>, vector<16xi32>,
      %dma_start3A_1668 = arith.constant 0 : i32
      %dma_start3A_1669 = arith.constant 0 : i32
      %dma_start3A_1670 = tpu.memref_slice %arg3[%dma_start3A_1668, %dma_start3A_1669] : memref<128000x256xf32, #tpu.memory_space<hbm>> -> memref<128000x256xf32, #tpu.memory_space<hbm>>
      tpu.enqueue_indirect_dma source(%arg25 : memref<40x256xf32, #tpu.memory_space<vmem>>) target(%dma_start3A_1670 : memref<128000x256xf32, #tpu.memory_space<hbm>>) offsets(%arg11 : memref<40xi32, #tpu.memory_space<vmem>>) semaphore(%arg35 : memref<!tpu.dma_semaphore, #tpu.memory_space<semaphore_mem>>)
    }
    %scan3A_354 = arith.constant 4 : i32
    %add3A_355 = arith.constant 880 : i32
    %add3A_356 = arith.addi %add3A_40, %add3A_355 : i32
    %dma_wait3A_357 = arith.constant 0 : i32
    %dma_wait3A_358 = tpu.memref_slice %arg2[%add3A_356, %dma_wait3A_357] : memref<32768x256xf32, #tpu.memory_space<hbm>> -> memref<40x256xf32, #tpu.memory_space<hbm>>
    %dma_wait3A_359 = arith.constant 0 : i32
    %dma_wait3A_360 = tpu.memref_slice %arg2[%add3A_356, %dma_wait3A_359] : memref<32768x256xf32, #tpu.memory_space<hbm>> -> memref<40x256xf32, #tpu.memory_space<hbm>>
    tpu.wait_dma2 semaphore(%arg31 : memref<!tpu.dma_semaphore, #tpu.memory_space<semaphore_mem>>) src(%dma_wait3A_360 : memref<40x256xf32, #tpu.memory_space<hbm>>) dst(%arg26 : memref<40x256xf32, #tpu.memory_space<vmem>>)
    %add3A_361 = arith.constant 3520 : i32
    %add3A_362 = arith.addi %add3A_35, %add3A_361 : i32
    %add3A_363 = arith.constant 0 : i32
    %add3A_364 = arith.addi %add3A_362, %add3A_363 : i32
    %add3A_365 = arith.constant 0 : i32
    %add3A_366 = arith.addi %add3A_364, %add3A_365 : i32
    %broadcast_in_dim3A_367 = vector.broadcast %add3A_366 : i32 to vector<16xi32>
    %add3A_368 = arith.addi %mul3A_42, %broadcast_in_dim3A_367 : vector<16xi32>
    %swap3A_369 = arith.constant 0 : index
    %swap3A_370 = tpu.vector_load %arg12[%swap3A_369] {strides = array<i32>} : memref<40xi32, #tpu.memory_space<vmem>>, vector<16xi32>,
    %swap3A_371 = vector.shape_cast %swap3A_370 : vector<16xi32> to vector<16xi32>
    %swap3A_372 = vector.shape_cast %add3A_368 : vector<16xi32> to vector<16xi32>
    tpu.vector_store %arg12[%swap3A_369], %swap3A_372 {strides = array<i32>} : memref<40xi32, #tpu.memory_space<vmem>>, vector<16xi32>,
    %add3A_373 = arith.constant 64 : i32
    %add3A_374 = arith.addi %add3A_362, %add3A_373 : i32
    %add3A_375 = arith.constant 0 : i32
    %add3A_376 = arith.addi %add3A_374, %add3A_375 : i32
    %broadcast_in_dim3A_377 = vector.broadcast %add3A_376 : i32 to vector<16xi32>
    %add3A_378 = arith.addi %mul3A_42, %broadcast_in_dim3A_377 : vector<16xi32>
    %swap3A_379 = arith.constant 16 : index
    %swap3A_380 = tpu.vector_load %arg12[%swap3A_379] {strides = array<i32>} : memref<40xi32, #tpu.memory_space<vmem>>, vector<16xi32>,
    %swap3A_381 = vector.shape_cast %swap3A_380 : vector<16xi32> to vector<16xi32>
    %swap3A_382 = vector.shape_cast %add3A_378 : vector<16xi32> to vector<16xi32>
    tpu.vector_store %arg12[%swap3A_379], %swap3A_382 {strides = array<i32>} : memref<40xi32, #tpu.memory_space<vmem>>, vector<16xi32>,
    %add3A_383 = arith.constant 96 : i32
    %add3A_384 = arith.addi %add3A_362, %add3A_383 : i32
    %add3A_385 = arith.constant 0 : i32
    %add3A_386 = arith.addi %add3A_384, %add3A_385 : i32
    %broadcast_in_dim3A_387 = vector.broadcast %add3A_386 : i32 to vector<16xi32>
    %add3A_388 = arith.addi %mul3A_42, %broadcast_in_dim3A_387 : vector<16xi32>
    %swap3A_389 = arith.constant 24 : index
    %swap3A_390 = tpu.vector_load %arg12[%swap3A_389] {strides = array<i32>} : memref<40xi32, #tpu.memory_space<vmem>>, vector<16xi32>,
    %swap3A_391 = vector.shape_cast %swap3A_390 : vector<16xi32> to vector<16xi32>
    %swap3A_392 = vector.shape_cast %add3A_388 : vector<16xi32> to vector<16xi32>
    tpu.vector_store %arg12[%swap3A_389], %swap3A_392 {strides = array<i32>} : memref<40xi32, #tpu.memory_space<vmem>>, vector<16xi32>,
    %dma_start3A_393 = arith.constant 0 : i32
    %dma_start3A_394 = arith.constant 0 : i32
    %dma_start3A_395 = tpu.memref_slice %arg3[%dma_start3A_393, %dma_start3A_394] : memref<128000x256xf32, #tpu.memory_space<hbm>> -> memref<128000x256xf32, #tpu.memory_space<hbm>>
    tpu.enqueue_indirect_dma source(%arg26 : memref<40x256xf32, #tpu.memory_space<vmem>>) target(%dma_start3A_395 : memref<128000x256xf32, #tpu.memory_space<hbm>>) offsets(%arg12 : memref<40xi32, #tpu.memory_space<vmem>>) semaphore(%arg36 : memref<!tpu.dma_semaphore, #tpu.memory_space<semaphore_mem>>)
    %add3A_396 = arith.constant 0 : i32
    %add3A_397 = arith.addi %add3A_362, %add3A_396 : i32
    %add3A_398 = arith.constant 1 : i32
    %add3A_399 = arith.addi %add3A_397, %add3A_398 : i32
    %broadcast_in_dim3A_400 = vector.broadcast %add3A_399 : i32 to vector<16xi32>
    %add3A_401 = arith.addi %mul3A_42, %broadcast_in_dim3A_400 : vector<16xi32>
    %swap3A_402 = arith.constant 0 : index
    %swap3A_403 = tpu.vector_load %arg13[%swap3A_402] {strides = array<i32>} : memref<40xi32, #tpu.memory_space<vmem>>, vector<16xi32>,
    %swap3A_404 = vector.shape_cast %swap3A_403 : vector<16xi32> to vector<16xi32>
    %swap3A_405 = vector.shape_cast %add3A_401 : vector<16xi32> to vector<16xi32>
    tpu.vector_store %arg13[%swap3A_402], %swap3A_405 {strides = array<i32>} : memref<40xi32, #tpu.memory_space<vmem>>, vector<16xi32>,
    %add3A_406 = arith.constant 64 : i32
    %add3A_407 = arith.addi %add3A_362, %add3A_406 : i32
    %add3A_408 = arith.constant 1 : i32
    %add3A_409 = arith.addi %add3A_407, %add3A_408 : i32
    %broadcast_in_dim3A_410 = vector.broadcast %add3A_409 : i32 to vector<16xi32>
    %add3A_411 = arith.addi %mul3A_42, %broadcast_in_dim3A_410 : vector<16xi32>
    %swap3A_412 = arith.constant 16 : index
    %swap3A_413 = tpu.vector_load %arg13[%swap3A_412] {strides = array<i32>} : memref<40xi32, #tpu.memory_space<vmem>>, vector<16xi32>,
    %swap3A_414 = vector.shape_cast %swap3A_413 : vector<16xi32> to vector<16xi32>
    %swap3A_415 = vector.shape_cast %add3A_411 : vector<16xi32> to vector<16xi32>
    tpu.vector_store %arg13[%swap3A_412], %swap3A_415 {strides = array<i32>} : memref<40xi32, #tpu.memory_space<vmem>>, vector<16xi32>,
    %add3A_416 = arith.constant 96 : i32
    %add3A_417 = arith.addi %add3A_362, %add3A_416 : i32
    %add3A_418 = arith.constant 1 : i32
    %add3A_419 = arith.addi %add3A_417, %add3A_418 : i32
    %broadcast_in_dim3A_420 = vector.broadcast %add3A_419 : i32 to vector<16xi32>
    %add3A_421 = arith.addi %mul3A_42, %broadcast_in_dim3A_420 : vector<16xi32>
    %swap3A_422 = arith.constant 24 : index
    %swap3A_423 = tpu.vector_load %arg13[%swap3A_422] {strides = array<i32>} : memref<40xi32, #tpu.memory_space<vmem>>, vector<16xi32>,
    %swap3A_424 = vector.shape_cast %swap3A_423 : vector<16xi32> to vector<16xi32>
    %swap3A_425 = vector.shape_cast %add3A_421 : vector<16xi32> to vector<16xi32>
    tpu.vector_store %arg13[%swap3A_422], %swap3A_425 {strides = array<i32>} : memref<40xi32, #tpu.memory_space<vmem>>, vector<16xi32>,
    %dma_start3A_426 = arith.constant 0 : i32
    %dma_start3A_427 = arith.constant 0 : i32
    %dma_start3A_428 = tpu.memref_slice %arg3[%dma_start3A_426, %dma_start3A_427] : memref<128000x256xf32, #tpu.memory_space<hbm>> -> memref<128000x256xf32, #tpu.memory_space<hbm>>
    tpu.enqueue_indirect_dma source(%arg26 : memref<40x256xf32, #tpu.memory_space<vmem>>) target(%dma_start3A_428 : memref<128000x256xf32, #tpu.memory_space<hbm>>) offsets(%arg13 : memref<40xi32, #tpu.memory_space<vmem>>) semaphore(%arg36 : memref<!tpu.dma_semaphore, #tpu.memory_space<semaphore_mem>>)
    %add3A_429 = arith.constant 0 : i32
    %add3A_430 = arith.addi %add3A_362, %add3A_429 : i32
    %add3A_431 = arith.constant 2 : i32
    %add3A_432 = arith.addi %add3A_430, %add3A_431 : i32
    %broadcast_in_dim3A_433 = vector.broadcast %add3A_432 : i32 to vector<16xi32>
    %add3A_434 = arith.addi %mul3A_42, %broadcast_in_dim3A_433 : vector<16xi32>
    %swap3A_435 = arith.constant 0 : index
    %swap3A_436 = tpu.vector_load %arg14[%swap3A_435] {strides = array<i32>} : memref<40xi32, #tpu.memory_space<vmem>>, vector<16xi32>,
    %swap3A_437 = vector.shape_cast %swap3A_436 : vector<16xi32> to vector<16xi32>
    %swap3A_438 = vector.shape_cast %add3A_434 : vector<16xi32> to vector<16xi32>
    tpu.vector_store %arg14[%swap3A_435], %swap3A_438 {strides = array<i32>} : memref<40xi32, #tpu.memory_space<vmem>>, vector<16xi32>,
    %add3A_439 = arith.constant 64 : i32
    %add3A_440 = arith.addi %add3A_362, %add3A_439 : i32
    %add3A_441 = arith.constant 2 : i32
    %add3A_442 = arith.addi %add3A_440, %add3A_441 : i32
    %broadcast_in_dim3A_443 = vector.broadcast %add3A_442 : i32 to vector<16xi32>
    %add3A_444 = arith.addi %mul3A_42, %broadcast_in_dim3A_443 : vector<16xi32>
    %swap3A_445 = arith.constant 16 : index
    %swap3A_446 = tpu.vector_load %arg14[%swap3A_445] {strides = array<i32>} : memref<40xi32, #tpu.memory_space<vmem>>, vector<16xi32>,
    %swap3A_447 = vector.shape_cast %swap3A_446 : vector<16xi32> to vector<16xi32>
    %swap3A_448 = vector.shape_cast %add3A_444 : vector<16xi32> to vector<16xi32>
    tpu.vector_store %arg14[%swap3A_445], %swap3A_448 {strides = array<i32>} : memref<40xi32, #tpu.memory_space<vmem>>, vector<16xi32>,
    %add3A_449 = arith.constant 96 : i32
    %add3A_450 = arith.addi %add3A_362, %add3A_449 : i32
    %add3A_451 = arith.constant 2 : i32
    %add3A_452 = arith.addi %add3A_450, %add3A_451 : i32
    %broadcast_in_dim3A_453 = vector.broadcast %add3A_452 : i32 to vector<16xi32>
    %add3A_454 = arith.addi %mul3A_42, %broadcast_in_dim3A_453 : vector<16xi32>
    %swap3A_455 = arith.constant 24 : index
    %swap3A_456 = tpu.vector_load %arg14[%swap3A_455] {strides = array<i32>} : memref<40xi32, #tpu.memory_space<vmem>>, vector<16xi32>,
    %swap3A_457 = vector.shape_cast %swap3A_456 : vector<16xi32> to vector<16xi32>
    %swap3A_458 = vector.shape_cast %add3A_454 : vector<16xi32> to vector<16xi32>
    tpu.vector_store %arg14[%swap3A_455], %swap3A_458 {strides = array<i32>} : memref<40xi32, #tpu.memory_space<vmem>>, vector<16xi32>,
    %dma_start3A_459 = arith.constant 0 : i32
    %dma_start3A_460 = arith.constant 0 : i32
    %dma_start3A_461 = tpu.memref_slice %arg3[%dma_start3A_459, %dma_start3A_460] : memref<128000x256xf32, #tpu.memory_space<hbm>> -> memref<128000x256xf32, #tpu.memory_space<hbm>>
    tpu.enqueue_indirect_dma source(%arg26 : memref<40x256xf32, #tpu.memory_space<vmem>>) target(%dma_start3A_461 : memref<128000x256xf32, #tpu.memory_space<hbm>>) offsets(%arg14 : memref<40xi32, #tpu.memory_space<vmem>>) semaphore(%arg36 : memref<!tpu.dma_semaphore, #tpu.memory_space<semaphore_mem>>)
    %add3A_462 = arith.constant 0 : i32
    %add3A_463 = arith.addi %add3A_362, %add3A_462 : i32
    %add3A_464 = arith.constant 3 : i32
    %add3A_465 = arith.addi %add3A_463, %add3A_464 : i32
    %broadcast_in_dim3A_466 = vector.broadcast %add3A_465 : i32 to vector<16xi32>
    %add3A_467 = arith.addi %mul3A_42, %broadcast_in_dim3A_466 : vector<16xi32>
    %swap3A_468 = arith.constant 0 : index
    %swap3A_469 = tpu.vector_load %arg15[%swap3A_468] {strides = array<i32>} : memref<40xi32, #tpu.memory_space<vmem>>, vector<16xi32>,
    %swap3A_470 = vector.shape_cast %swap3A_469 : vector<16xi32> to vector<16xi32>
    %swap3A_471 = vector.shape_cast %add3A_467 : vector<16xi32> to vector<16xi32>
    tpu.vector_store %arg15[%swap3A_468], %swap3A_471 {strides = array<i32>} : memref<40xi32, #tpu.memory_space<vmem>>, vector<16xi32>,
    %add3A_472 = arith.constant 64 : i32
    %add3A_473 = arith.addi %add3A_362, %add3A_472 : i32
    %add3A_474 = arith.constant 3 : i32
    %add3A_475 = arith.addi %add3A_473, %add3A_474 : i32
    %broadcast_in_dim3A_476 = vector.broadcast %add3A_475 : i32 to vector<16xi32>
    %add3A_477 = arith.addi %mul3A_42, %broadcast_in_dim3A_476 : vector<16xi32>
    %swap3A_478 = arith.constant 16 : index
    %swap3A_479 = tpu.vector_load %arg15[%swap3A_478] {strides = array<i32>} : memref<40xi32, #tpu.memory_space<vmem>>, vector<16xi32>,
    %swap3A_480 = vector.shape_cast %swap3A_479 : vector<16xi32> to vector<16xi32>
    %swap3A_481 = vector.shape_cast %add3A_477 : vector<16xi32> to vector<16xi32>
    tpu.vector_store %arg15[%swap3A_478], %swap3A_481 {strides = array<i32>} : memref<40xi32, #tpu.memory_space<vmem>>, vector<16xi32>,
    %add3A_482 = arith.constant 96 : i32
    %add3A_483 = arith.addi %add3A_362, %add3A_482 : i32
    %add3A_484 = arith.constant 3 : i32
    %add3A_485 = arith.addi %add3A_483, %add3A_484 : i32
    %broadcast_in_dim3A_486 = vector.broadcast %add3A_485 : i32 to vector<16xi32>
    %add3A_487 = arith.addi %mul3A_42, %broadcast_in_dim3A_486 : vector<16xi32>
    %swap3A_488 = arith.constant 24 : index
    %swap3A_489 = tpu.vector_load %arg15[%swap3A_488] {strides = array<i32>} : memref<40xi32, #tpu.memory_space<vmem>>, vector<16xi32>,
    %swap3A_490 = vector.shape_cast %swap3A_489 : vector<16xi32> to vector<16xi32>
    %swap3A_491 = vector.shape_cast %add3A_487 : vector<16xi32> to vector<16xi32>
    tpu.vector_store %arg15[%swap3A_488], %swap3A_491 {strides = array<i32>} : memref<40xi32, #tpu.memory_space<vmem>>, vector<16xi32>,
    %dma_start3A_492 = arith.constant 0 : i32
    %dma_start3A_493 = arith.constant 0 : i32
    %dma_start3A_494 = tpu.memref_slice %arg3[%dma_start3A_492, %dma_start3A_493] : memref<128000x256xf32, #tpu.memory_space<hbm>> -> memref<128000x256xf32, #tpu.memory_space<hbm>>
    tpu.enqueue_indirect_dma source(%arg26 : memref<40x256xf32, #tpu.memory_space<vmem>>) target(%dma_start3A_494 : memref<128000x256xf32, #tpu.memory_space<hbm>>) offsets(%arg15 : memref<40xi32, #tpu.memory_space<vmem>>) semaphore(%arg36 : memref<!tpu.dma_semaphore, #tpu.memory_space<semaphore_mem>>)
    %add3A_495 = arith.constant 920 : i32
    %add3A_496 = arith.addi %add3A_40, %add3A_495 : i32
    %dma_wait3A_497 = arith.constant 0 : i32
    %dma_wait3A_498 = tpu.memref_slice %arg2[%add3A_496, %dma_wait3A_497] : memref<32768x256xf32, #tpu.memory_space<hbm>> -> memref<40x256xf32, #tpu.memory_space<hbm>>
    %dma_wait3A_499 = arith.constant 0 : i32
    %dma_wait3A_500 = tpu.memref_slice %arg2[%add3A_496, %dma_wait3A_499] : memref<32768x256xf32, #tpu.memory_space<hbm>> -> memref<40x256xf32, #tpu.memory_space<hbm>>
    tpu.wait_dma2 semaphore(%arg32 : memref<!tpu.dma_semaphore, #tpu.memory_space<semaphore_mem>>) src(%dma_wait3A_500 : memref<40x256xf32, #tpu.memory_space<hbm>>) dst(%arg27 : memref<40x256xf32, #tpu.memory_space<vmem>>)
    %add3A_501 = arith.constant 3680 : i32
    %add3A_502 = arith.addi %add3A_35, %add3A_501 : i32
    %add3A_503 = arith.constant 0 : i32
    %add3A_504 = arith.addi %add3A_502, %add3A_503 : i32
    %add3A_505 = arith.constant 0 : i32
    %add3A_506 = arith.addi %add3A_504, %add3A_505 : i32
    %broadcast_in_dim3A_507 = vector.broadcast %add3A_506 : i32 to vector<16xi32>
    %add3A_508 = arith.addi %mul3A_42, %broadcast_in_dim3A_507 : vector<16xi32>
    %swap3A_509 = arith.constant 0 : index
    %swap3A_510 = tpu.vector_load %arg16[%swap3A_509] {strides = array<i32>} : memref<40xi32, #tpu.memory_space<vmem>>, vector<16xi32>,
    %swap3A_511 = vector.shape_cast %swap3A_510 : vector<16xi32> to vector<16xi32>
    %swap3A_512 = vector.shape_cast %add3A_508 : vector<16xi32> to vector<16xi32>
    tpu.vector_store %arg16[%swap3A_509], %swap3A_512 {strides = array<i32>} : memref<40xi32, #tpu.memory_space<vmem>>, vector<16xi32>,
    %add3A_513 = arith.constant 64 : i32
    %add3A_514 = arith.addi %add3A_502, %add3A_513 : i32
    %add3A_515 = arith.constant 0 : i32
    %add3A_516 = arith.addi %add3A_514, %add3A_515 : i32
    %broadcast_in_dim3A_517 = vector.broadcast %add3A_516 : i32 to vector<16xi32>
    %add3A_518 = arith.addi %mul3A_42, %broadcast_in_dim3A_517 : vector<16xi32>
    %swap3A_519 = arith.constant 16 : index
    %swap3A_520 = tpu.vector_load %arg16[%swap3A_519] {strides = array<i32>} : memref<40xi32, #tpu.memory_space<vmem>>, vector<16xi32>,
    %swap3A_521 = vector.shape_cast %swap3A_520 : vector<16xi32> to vector<16xi32>
    %swap3A_522 = vector.shape_cast %add3A_518 : vector<16xi32> to vector<16xi32>
    tpu.vector_store %arg16[%swap3A_519], %swap3A_522 {strides = array<i32>} : memref<40xi32, #tpu.memory_space<vmem>>, vector<16xi32>,
    %add3A_523 = arith.constant 96 : i32
    %add3A_524 = arith.addi %add3A_502, %add3A_523 : i32
    %add3A_525 = arith.constant 0 : i32
    %add3A_526 = arith.addi %add3A_524, %add3A_525 : i32
    %broadcast_in_dim3A_527 = vector.broadcast %add3A_526 : i32 to vector<16xi32>
    %add3A_528 = arith.addi %mul3A_42, %broadcast_in_dim3A_527 : vector<16xi32>
    %swap3A_529 = arith.constant 24 : index
    %swap3A_530 = tpu.vector_load %arg16[%swap3A_529] {strides = array<i32>} : memref<40xi32, #tpu.memory_space<vmem>>, vector<16xi32>,
    %swap3A_531 = vector.shape_cast %swap3A_530 : vector<16xi32> to vector<16xi32>
    %swap3A_532 = vector.shape_cast %add3A_528 : vector<16xi32> to vector<16xi32>
    tpu.vector_store %arg16[%swap3A_529], %swap3A_532 {strides = array<i32>} : memref<40xi32, #tpu.memory_space<vmem>>, vector<16xi32>,
    %dma_start3A_533 = arith.constant 0 : i32
    %dma_start3A_534 = arith.constant 0 : i32
    %dma_start3A_535 = tpu.memref_slice %arg3[%dma_start3A_533, %dma_start3A_534] : memref<128000x256xf32, #tpu.memory_space<hbm>> -> memref<128000x256xf32, #tpu.memory_space<hbm>>
    tpu.enqueue_indirect_dma source(%arg27 : memref<40x256xf32, #tpu.memory_space<vmem>>) target(%dma_start3A_535 : memref<128000x256xf32, #tpu.memory_space<hbm>>) offsets(%arg16 : memref<40xi32, #tpu.memory_space<vmem>>) semaphore(%arg37 : memref<!tpu.dma_semaphore, #tpu.memory_space<semaphore_mem>>)
    %add3A_536 = arith.constant 0 : i32
    %add3A_537 = arith.addi %add3A_502, %add3A_536 : i32
    %add3A_538 = arith.constant 1 : i32
    %add3A_539 = arith.addi %add3A_537, %add3A_538 : i32
    %broadcast_in_dim3A_540 = vector.broadcast %add3A_539 : i32 to vector<16xi32>
    %add3A_541 = arith.addi %mul3A_42, %broadcast_in_dim3A_540 : vector<16xi32>
    %swap3A_542 = arith.constant 0 : index
    %swap3A_543 = tpu.vector_load %arg17[%swap3A_542] {strides = array<i32>} : memref<40xi32, #tpu.memory_space<vmem>>, vector<16xi32>,
    %swap3A_544 = vector.shape_cast %swap3A_543 : vector<16xi32> to vector<16xi32>
    %swap3A_545 = vector.shape_cast %add3A_541 : vector<16xi32> to vector<16xi32>
    tpu.vector_store %arg17[%swap3A_542], %swap3A_545 {strides = array<i32>} : memref<40xi32, #tpu.memory_space<vmem>>, vector<16xi32>,
    %add3A_546 = arith.constant 64 : i32
    %add3A_547 = arith.addi %add3A_502, %add3A_546 : i32
    %add3A_548 = arith.constant 1 : i32
    %add3A_549 = arith.addi %add3A_547, %add3A_548 : i32
    %broadcast_in_dim3A_550 = vector.broadcast %add3A_549 : i32 to vector<16xi32>
    %add3A_551 = arith.addi %mul3A_42, %broadcast_in_dim3A_550 : vector<16xi32>
    %swap3A_552 = arith.constant 16 : index
    %swap3A_553 = tpu.vector_load %arg17[%swap3A_552] {strides = array<i32>} : memref<40xi32, #tpu.memory_space<vmem>>, vector<16xi32>,
    %swap3A_554 = vector.shape_cast %swap3A_553 : vector<16xi32> to vector<16xi32>
    %swap3A_555 = vector.shape_cast %add3A_551 : vector<16xi32> to vector<16xi32>
    tpu.vector_store %arg17[%swap3A_552], %swap3A_555 {strides = array<i32>} : memref<40xi32, #tpu.memory_space<vmem>>, vector<16xi32>,
    %add3A_556 = arith.constant 96 : i32
    %add3A_557 = arith.addi %add3A_502, %add3A_556 : i32
    %add3A_558 = arith.constant 1 : i32
    %add3A_559 = arith.addi %add3A_557, %add3A_558 : i32
    %broadcast_in_dim3A_560 = vector.broadcast %add3A_559 : i32 to vector<16xi32>
    %add3A_561 = arith.addi %mul3A_42, %broadcast_in_dim3A_560 : vector<16xi32>
    %swap3A_562 = arith.constant 24 : index
    %swap3A_563 = tpu.vector_load %arg17[%swap3A_562] {strides = array<i32>} : memref<40xi32, #tpu.memory_space<vmem>>, vector<16xi32>,
    %swap3A_564 = vector.shape_cast %swap3A_563 : vector<16xi32> to vector<16xi32>
    %swap3A_565 = vector.shape_cast %add3A_561 : vector<16xi32> to vector<16xi32>
    tpu.vector_store %arg17[%swap3A_562], %swap3A_565 {strides = array<i32>} : memref<40xi32, #tpu.memory_space<vmem>>, vector<16xi32>,
    %dma_start3A_566 = arith.constant 0 : i32
    %dma_start3A_567 = arith.constant 0 : i32
    %dma_start3A_568 = tpu.memref_slice %arg3[%dma_start3A_566, %dma_start3A_567] : memref<128000x256xf32, #tpu.memory_space<hbm>> -> memref<128000x256xf32, #tpu.memory_space<hbm>>
    tpu.enqueue_indirect_dma source(%arg27 : memref<40x256xf32, #tpu.memory_space<vmem>>) target(%dma_start3A_568 : memref<128000x256xf32, #tpu.memory_space<hbm>>) offsets(%arg17 : memref<40xi32, #tpu.memory_space<vmem>>) semaphore(%arg37 : memref<!tpu.dma_semaphore, #tpu.memory_space<semaphore_mem>>)
    %add3A_569 = arith.constant 0 : i32
    %add3A_570 = arith.addi %add3A_502, %add3A_569 : i32
    %add3A_571 = arith.constant 2 : i32
    %add3A_572 = arith.addi %add3A_570, %add3A_571 : i32
    %broadcast_in_dim3A_573 = vector.broadcast %add3A_572 : i32 to vector<16xi32>
    %add3A_574 = arith.addi %mul3A_42, %broadcast_in_dim3A_573 : vector<16xi32>
    %swap3A_575 = arith.constant 0 : index
    %swap3A_576 = tpu.vector_load %arg18[%swap3A_575] {strides = array<i32>} : memref<40xi32, #tpu.memory_space<vmem>>, vector<16xi32>,
    %swap3A_577 = vector.shape_cast %swap3A_576 : vector<16xi32> to vector<16xi32>
    %swap3A_578 = vector.shape_cast %add3A_574 : vector<16xi32> to vector<16xi32>
    tpu.vector_store %arg18[%swap3A_575], %swap3A_578 {strides = array<i32>} : memref<40xi32, #tpu.memory_space<vmem>>, vector<16xi32>,
    %add3A_579 = arith.constant 64 : i32
    %add3A_580 = arith.addi %add3A_502, %add3A_579 : i32
    %add3A_581 = arith.constant 2 : i32
    %add3A_582 = arith.addi %add3A_580, %add3A_581 : i32
    %broadcast_in_dim3A_583 = vector.broadcast %add3A_582 : i32 to vector<16xi32>
    %add3A_584 = arith.addi %mul3A_42, %broadcast_in_dim3A_583 : vector<16xi32>
    %swap3A_585 = arith.constant 16 : index
    %swap3A_586 = tpu.vector_load %arg18[%swap3A_585] {strides = array<i32>} : memref<40xi32, #tpu.memory_space<vmem>>, vector<16xi32>,
    %swap3A_587 = vector.shape_cast %swap3A_586 : vector<16xi32> to vector<16xi32>
    %swap3A_588 = vector.shape_cast %add3A_584 : vector<16xi32> to vector<16xi32>
    tpu.vector_store %arg18[%swap3A_585], %swap3A_588 {strides = array<i32>} : memref<40xi32, #tpu.memory_space<vmem>>, vector<16xi32>,
    %add3A_589 = arith.constant 96 : i32
    %add3A_590 = arith.addi %add3A_502, %add3A_589 : i32
    %add3A_591 = arith.constant 2 : i32
    %add3A_592 = arith.addi %add3A_590, %add3A_591 : i32
    %broadcast_in_dim3A_593 = vector.broadcast %add3A_592 : i32 to vector<16xi32>
    %add3A_594 = arith.addi %mul3A_42, %broadcast_in_dim3A_593 : vector<16xi32>
    %swap3A_595 = arith.constant 24 : index
    %swap3A_596 = tpu.vector_load %arg18[%swap3A_595] {strides = array<i32>} : memref<40xi32, #tpu.memory_space<vmem>>, vector<16xi32>,
    %swap3A_597 = vector.shape_cast %swap3A_596 : vector<16xi32> to vector<16xi32>
    %swap3A_598 = vector.shape_cast %add3A_594 : vector<16xi32> to vector<16xi32>
    tpu.vector_store %arg18[%swap3A_595], %swap3A_598 {strides = array<i32>} : memref<40xi32, #tpu.memory_space<vmem>>, vector<16xi32>,
    %dma_start3A_599 = arith.constant 0 : i32
    %dma_start3A_600 = arith.constant 0 : i32
    %dma_start3A_601 = tpu.memref_slice %arg3[%dma_start3A_599, %dma_start3A_600] : memref<128000x256xf32, #tpu.memory_space<hbm>> -> memref<128000x256xf32, #tpu.memory_space<hbm>>
    tpu.enqueue_indirect_dma source(%arg27 : memref<40x256xf32, #tpu.memory_space<vmem>>) target(%dma_start3A_601 : memref<128000x256xf32, #tpu.memory_space<hbm>>) offsets(%arg18 : memref<40xi32, #tpu.memory_space<vmem>>) semaphore(%arg37 : memref<!tpu.dma_semaphore, #tpu.memory_space<semaphore_mem>>)
    %add3A_602 = arith.constant 0 : i32
    %add3A_603 = arith.addi %add3A_502, %add3A_602 : i32
    %add3A_604 = arith.constant 3 : i32
    %add3A_605 = arith.addi %add3A_603, %add3A_604 : i32
    %broadcast_in_dim3A_606 = vector.broadcast %add3A_605 : i32 to vector<16xi32>
    %add3A_607 = arith.addi %mul3A_42, %broadcast_in_dim3A_606 : vector<16xi32>
    %swap3A_608 = arith.constant 0 : index
    %swap3A_609 = tpu.vector_load %arg19[%swap3A_608] {strides = array<i32>} : memref<40xi32, #tpu.memory_space<vmem>>, vector<16xi32>,
    %swap3A_610 = vector.shape_cast %swap3A_609 : vector<16xi32> to vector<16xi32>
    %swap3A_611 = vector.shape_cast %add3A_607 : vector<16xi32> to vector<16xi32>
    tpu.vector_store %arg19[%swap3A_608], %swap3A_611 {strides = array<i32>} : memref<40xi32, #tpu.memory_space<vmem>>, vector<16xi32>,
    %add3A_612 = arith.constant 64 : i32
    %add3A_613 = arith.addi %add3A_502, %add3A_612 : i32
    %add3A_614 = arith.constant 3 : i32
    %add3A_615 = arith.addi %add3A_613, %add3A_614 : i32
    %broadcast_in_dim3A_616 = vector.broadcast %add3A_615 : i32 to vector<16xi32>
    %add3A_617 = arith.addi %mul3A_42, %broadcast_in_dim3A_616 : vector<16xi32>
    %swap3A_618 = arith.constant 16 : index
    %swap3A_619 = tpu.vector_load %arg19[%swap3A_618] {strides = array<i32>} : memref<40xi32, #tpu.memory_space<vmem>>, vector<16xi32>,
    %swap3A_620 = vector.shape_cast %swap3A_619 : vector<16xi32> to vector<16xi32>
    %swap3A_621 = vector.shape_cast %add3A_617 : vector<16xi32> to vector<16xi32>
    tpu.vector_store %arg19[%swap3A_618], %swap3A_621 {strides = array<i32>} : memref<40xi32, #tpu.memory_space<vmem>>, vector<16xi32>,
    %add3A_622 = arith.constant 96 : i32
    %add3A_623 = arith.addi %add3A_502, %add3A_622 : i32
    %add3A_624 = arith.constant 3 : i32
    %add3A_625 = arith.addi %add3A_623, %add3A_624 : i32
    %broadcast_in_dim3A_626 = vector.broadcast %add3A_625 : i32 to vector<16xi32>
    %add3A_627 = arith.addi %mul3A_42, %broadcast_in_dim3A_626 : vector<16xi32>
    %swap3A_628 = arith.constant 24 : index
    %swap3A_629 = tpu.vector_load %arg19[%swap3A_628] {strides = array<i32>} : memref<40xi32, #tpu.memory_space<vmem>>, vector<16xi32>,
    %swap3A_630 = vector.shape_cast %swap3A_629 : vector<16xi32> to vector<16xi32>
    %swap3A_631 = vector.shape_cast %add3A_627 : vector<16xi32> to vector<16xi32>
    tpu.vector_store %arg19[%swap3A_628], %swap3A_631 {strides = array<i32>} : memref<40xi32, #tpu.memory_space<vmem>>, vector<16xi32>,
    %dma_start3A_632 = arith.constant 0 : i32
    %dma_start3A_633 = arith.constant 0 : i32
    %dma_start3A_634 = tpu.memref_slice %arg3[%dma_start3A_632, %dma_start3A_633] : memref<128000x256xf32, #tpu.memory_space<hbm>> -> memref<128000x256xf32, #tpu.memory_space<hbm>>
    tpu.enqueue_indirect_dma source(%arg27 : memref<40x256xf32, #tpu.memory_space<vmem>>) target(%dma_start3A_634 : memref<128000x256xf32, #tpu.memory_space<hbm>>) offsets(%arg19 : memref<40xi32, #tpu.memory_space<vmem>>) semaphore(%arg37 : memref<!tpu.dma_semaphore, #tpu.memory_space<semaphore_mem>>)
    %add3A_635 = arith.constant 960 : i32
    %add3A_636 = arith.addi %add3A_40, %add3A_635 : i32
    %dma_wait3A_637 = arith.constant 0 : i32
    %dma_wait3A_638 = tpu.memref_slice %arg2[%add3A_636, %dma_wait3A_637] : memref<32768x256xf32, #tpu.memory_space<hbm>> -> memref<40x256xf32, #tpu.memory_space<hbm>>
    %dma_wait3A_639 = arith.constant 0 : i32
    %dma_wait3A_640 = tpu.memref_slice %arg2[%add3A_636, %dma_wait3A_639] : memref<32768x256xf32, #tpu.memory_space<hbm>> -> memref<40x256xf32, #tpu.memory_space<hbm>>
    tpu.wait_dma2 semaphore(%arg33 : memref<!tpu.dma_semaphore, #tpu.memory_space<semaphore_mem>>) src(%dma_wait3A_640 : memref<40x256xf32, #tpu.memory_space<hbm>>) dst(%arg28 : memref<40x256xf32, #tpu.memory_space<vmem>>)
    %add3A_641 = arith.constant 3840 : i32
    %add3A_642 = arith.addi %add3A_35, %add3A_641 : i32
    %add3A_643 = arith.constant 0 : i32
    %add3A_644 = arith.addi %add3A_642, %add3A_643 : i32
    %add3A_645 = arith.constant 0 : i32
    %add3A_646 = arith.addi %add3A_644, %add3A_645 : i32
    %broadcast_in_dim3A_647 = vector.broadcast %add3A_646 : i32 to vector<16xi32>
    %add3A_648 = arith.addi %mul3A_42, %broadcast_in_dim3A_647 : vector<16xi32>
    %swap3A_649 = arith.constant 0 : index
    %swap3A_650 = tpu.vector_load %arg20[%swap3A_649] {strides = array<i32>} : memref<40xi32, #tpu.memory_space<vmem>>, vector<16xi32>,
    %swap3A_651 = vector.shape_cast %swap3A_650 : vector<16xi32> to vector<16xi32>
    %swap3A_652 = vector.shape_cast %add3A_648 : vector<16xi32> to vector<16xi32>
    tpu.vector_store %arg20[%swap3A_649], %swap3A_652 {strides = array<i32>} : memref<40xi32, #tpu.memory_space<vmem>>, vector<16xi32>,
    %add3A_653 = arith.constant 64 : i32
    %add3A_654 = arith.addi %add3A_642, %add3A_653 : i32
    %add3A_655 = arith.constant 0 : i32
    %add3A_656 = arith.addi %add3A_654, %add3A_655 : i32
    %broadcast_in_dim3A_657 = vector.broadcast %add3A_656 : i32 to vector<16xi32>
    %add3A_658 = arith.addi %mul3A_42, %broadcast_in_dim3A_657 : vector<16xi32>
    %swap3A_659 = arith.constant 16 : index
    %swap3A_660 = tpu.vector_load %arg20[%swap3A_659] {strides = array<i32>} : memref<40xi32, #tpu.memory_space<vmem>>, vector<16xi32>,
    %swap3A_661 = vector.shape_cast %swap3A_660 : vector<16xi32> to vector<16xi32>
    %swap3A_662 = vector.shape_cast %add3A_658 : vector<16xi32> to vector<16xi32>
    tpu.vector_store %arg20[%swap3A_659], %swap3A_662 {strides = array<i32>} : memref<40xi32, #tpu.memory_space<vmem>>, vector<16xi32>,
    %add3A_663 = arith.constant 96 : i32
    %add3A_664 = arith.addi %add3A_642, %add3A_663 : i32
    %add3A_665 = arith.constant 0 : i32
    %add3A_666 = arith.addi %add3A_664, %add3A_665 : i32
    %broadcast_in_dim3A_667 = vector.broadcast %add3A_666 : i32 to vector<16xi32>
    %add3A_668 = arith.addi %mul3A_42, %broadcast_in_dim3A_667 : vector<16xi32>
    %swap3A_669 = arith.constant 24 : index
    %swap3A_670 = tpu.vector_load %arg20[%swap3A_669] {strides = array<i32>} : memref<40xi32, #tpu.memory_space<vmem>>, vector<16xi32>,
    %swap3A_671 = vector.shape_cast %swap3A_670 : vector<16xi32> to vector<16xi32>
    %swap3A_672 = vector.shape_cast %add3A_668 : vector<16xi32> to vector<16xi32>
    tpu.vector_store %arg20[%swap3A_669], %swap3A_672 {strides = array<i32>} : memref<40xi32, #tpu.memory_space<vmem>>, vector<16xi32>,
    %dma_start3A_673 = arith.constant 0 : i32
    %dma_start3A_674 = arith.constant 0 : i32
    %dma_start3A_675 = tpu.memref_slice %arg3[%dma_start3A_673, %dma_start3A_674] : memref<128000x256xf32, #tpu.memory_space<hbm>> -> memref<128000x256xf32, #tpu.memory_space<hbm>>
    tpu.enqueue_indirect_dma source(%arg28 : memref<40x256xf32, #tpu.memory_space<vmem>>) target(%dma_start3A_675 : memref<128000x256xf32, #tpu.memory_space<hbm>>) offsets(%arg20 : memref<40xi32, #tpu.memory_space<vmem>>) semaphore(%arg38 : memref<!tpu.dma_semaphore, #tpu.memory_space<semaphore_mem>>)
    %add3A_676 = arith.constant 0 : i32
    %add3A_677 = arith.addi %add3A_642, %add3A_676 : i32
    %add3A_678 = arith.constant 1 : i32
    %add3A_679 = arith.addi %add3A_677, %add3A_678 : i32
    %broadcast_in_dim3A_680 = vector.broadcast %add3A_679 : i32 to vector<16xi32>
    %add3A_681 = arith.addi %mul3A_42, %broadcast_in_dim3A_680 : vector<16xi32>
    %swap3A_682 = arith.constant 0 : index
    %swap3A_683 = tpu.vector_load %arg21[%swap3A_682] {strides = array<i32>} : memref<40xi32, #tpu.memory_space<vmem>>, vector<16xi32>,
    %swap3A_684 = vector.shape_cast %swap3A_683 : vector<16xi32> to vector<16xi32>
    %swap3A_685 = vector.shape_cast %add3A_681 : vector<16xi32> to vector<16xi32>
    tpu.vector_store %arg21[%swap3A_682], %swap3A_685 {strides = array<i32>} : memref<40xi32, #tpu.memory_space<vmem>>, vector<16xi32>,
    %add3A_686 = arith.constant 64 : i32
    %add3A_687 = arith.addi %add3A_642, %add3A_686 : i32
    %add3A_688 = arith.constant 1 : i32
    %add3A_689 = arith.addi %add3A_687, %add3A_688 : i32
    %broadcast_in_dim3A_690 = vector.broadcast %add3A_689 : i32 to vector<16xi32>
    %add3A_691 = arith.addi %mul3A_42, %broadcast_in_dim3A_690 : vector<16xi32>
    %swap3A_692 = arith.constant 16 : index
    %swap3A_693 = tpu.vector_load %arg21[%swap3A_692] {strides = array<i32>} : memref<40xi32, #tpu.memory_space<vmem>>, vector<16xi32>,
    %swap3A_694 = vector.shape_cast %swap3A_693 : vector<16xi32> to vector<16xi32>
    %swap3A_695 = vector.shape_cast %add3A_691 : vector<16xi32> to vector<16xi32>
    tpu.vector_store %arg21[%swap3A_692], %swap3A_695 {strides = array<i32>} : memref<40xi32, #tpu.memory_space<vmem>>, vector<16xi32>,
    %add3A_696 = arith.constant 96 : i32
    %add3A_697 = arith.addi %add3A_642, %add3A_696 : i32
    %add3A_698 = arith.constant 1 : i32
    %add3A_699 = arith.addi %add3A_697, %add3A_698 : i32
    %broadcast_in_dim3A_700 = vector.broadcast %add3A_699 : i32 to vector<16xi32>
    %add3A_701 = arith.addi %mul3A_42, %broadcast_in_dim3A_700 : vector<16xi32>
    %swap3A_702 = arith.constant 24 : index
    %swap3A_703 = tpu.vector_load %arg21[%swap3A_702] {strides = array<i32>} : memref<40xi32, #tpu.memory_space<vmem>>, vector<16xi32>,
    %swap3A_704 = vector.shape_cast %swap3A_703 : vector<16xi32> to vector<16xi32>
    %swap3A_705 = vector.shape_cast %add3A_701 : vector<16xi32> to vector<16xi32>
    tpu.vector_store %arg21[%swap3A_702], %swap3A_705 {strides = array<i32>} : memref<40xi32, #tpu.memory_space<vmem>>, vector<16xi32>,
    %dma_start3A_706 = arith.constant 0 : i32
    %dma_start3A_707 = arith.constant 0 : i32
    %dma_start3A_708 = tpu.memref_slice %arg3[%dma_start3A_706, %dma_start3A_707] : memref<128000x256xf32, #tpu.memory_space<hbm>> -> memref<128000x256xf32, #tpu.memory_space<hbm>>
    tpu.enqueue_indirect_dma source(%arg28 : memref<40x256xf32, #tpu.memory_space<vmem>>) target(%dma_start3A_708 : memref<128000x256xf32, #tpu.memory_space<hbm>>) offsets(%arg21 : memref<40xi32, #tpu.memory_space<vmem>>) semaphore(%arg38 : memref<!tpu.dma_semaphore, #tpu.memory_space<semaphore_mem>>)
    %add3A_709 = arith.constant 0 : i32
    %add3A_710 = arith.addi %add3A_642, %add3A_709 : i32
    %add3A_711 = arith.constant 2 : i32
    %add3A_712 = arith.addi %add3A_710, %add3A_711 : i32
    %broadcast_in_dim3A_713 = vector.broadcast %add3A_712 : i32 to vector<16xi32>
    %add3A_714 = arith.addi %mul3A_42, %broadcast_in_dim3A_713 : vector<16xi32>
    %swap3A_715 = arith.constant 0 : index
    %swap3A_716 = tpu.vector_load %arg22[%swap3A_715] {strides = array<i32>} : memref<40xi32, #tpu.memory_space<vmem>>, vector<16xi32>,
    %swap3A_717 = vector.shape_cast %swap3A_716 : vector<16xi32> to vector<16xi32>
    %swap3A_718 = vector.shape_cast %add3A_714 : vector<16xi32> to vector<16xi32>
    tpu.vector_store %arg22[%swap3A_715], %swap3A_718 {strides = array<i32>} : memref<40xi32, #tpu.memory_space<vmem>>, vector<16xi32>,
    %add3A_719 = arith.constant 64 : i32
    %add3A_720 = arith.addi %add3A_642, %add3A_719 : i32
    %add3A_721 = arith.constant 2 : i32
    %add3A_722 = arith.addi %add3A_720, %add3A_721 : i32
    %broadcast_in_dim3A_723 = vector.broadcast %add3A_722 : i32 to vector<16xi32>
    %add3A_724 = arith.addi %mul3A_42, %broadcast_in_dim3A_723 : vector<16xi32>
    %swap3A_725 = arith.constant 16 : index
    %swap3A_726 = tpu.vector_load %arg22[%swap3A_725] {strides = array<i32>} : memref<40xi32, #tpu.memory_space<vmem>>, vector<16xi32>,
    %swap3A_727 = vector.shape_cast %swap3A_726 : vector<16xi32> to vector<16xi32>
    %swap3A_728 = vector.shape_cast %add3A_724 : vector<16xi32> to vector<16xi32>
    tpu.vector_store %arg22[%swap3A_725], %swap3A_728 {strides = array<i32>} : memref<40xi32, #tpu.memory_space<vmem>>, vector<16xi32>,
    %add3A_729 = arith.constant 96 : i32
    %add3A_730 = arith.addi %add3A_642, %add3A_729 : i32
    %add3A_731 = arith.constant 2 : i32
    %add3A_732 = arith.addi %add3A_730, %add3A_731 : i32
    %broadcast_in_dim3A_733 = vector.broadcast %add3A_732 : i32 to vector<16xi32>
    %add3A_734 = arith.addi %mul3A_42, %broadcast_in_dim3A_733 : vector<16xi32>
    %swap3A_735 = arith.constant 24 : index
    %swap3A_736 = tpu.vector_load %arg22[%swap3A_735] {strides = array<i32>} : memref<40xi32, #tpu.memory_space<vmem>>, vector<16xi32>,
    %swap3A_737 = vector.shape_cast %swap3A_736 : vector<16xi32> to vector<16xi32>
    %swap3A_738 = vector.shape_cast %add3A_734 : vector<16xi32> to vector<16xi32>
    tpu.vector_store %arg22[%swap3A_735], %swap3A_738 {strides = array<i32>} : memref<40xi32, #tpu.memory_space<vmem>>, vector<16xi32>,
    %dma_start3A_739 = arith.constant 0 : i32
    %dma_start3A_740 = arith.constant 0 : i32
    %dma_start3A_741 = tpu.memref_slice %arg3[%dma_start3A_739, %dma_start3A_740] : memref<128000x256xf32, #tpu.memory_space<hbm>> -> memref<128000x256xf32, #tpu.memory_space<hbm>>
    tpu.enqueue_indirect_dma source(%arg28 : memref<40x256xf32, #tpu.memory_space<vmem>>) target(%dma_start3A_741 : memref<128000x256xf32, #tpu.memory_space<hbm>>) offsets(%arg22 : memref<40xi32, #tpu.memory_space<vmem>>) semaphore(%arg38 : memref<!tpu.dma_semaphore, #tpu.memory_space<semaphore_mem>>)
    %add3A_742 = arith.constant 0 : i32
    %add3A_743 = arith.addi %add3A_642, %add3A_742 : i32
    %add3A_744 = arith.constant 3 : i32
    %add3A_745 = arith.addi %add3A_743, %add3A_744 : i32
    %broadcast_in_dim3A_746 = vector.broadcast %add3A_745 : i32 to vector<16xi32>
    %add3A_747 = arith.addi %mul3A_42, %broadcast_in_dim3A_746 : vector<16xi32>
    %swap3A_748 = arith.constant 0 : index
    %swap3A_749 = tpu.vector_load %arg23[%swap3A_748] {strides = array<i32>} : memref<40xi32, #tpu.memory_space<vmem>>, vector<16xi32>,
    %swap3A_750 = vector.shape_cast %swap3A_749 : vector<16xi32> to vector<16xi32>
    %swap3A_751 = vector.shape_cast %add3A_747 : vector<16xi32> to vector<16xi32>
    tpu.vector_store %arg23[%swap3A_748], %swap3A_751 {strides = array<i32>} : memref<40xi32, #tpu.memory_space<vmem>>, vector<16xi32>,
    %add3A_752 = arith.constant 64 : i32
    %add3A_753 = arith.addi %add3A_642, %add3A_752 : i32
    %add3A_754 = arith.constant 3 : i32
    %add3A_755 = arith.addi %add3A_753, %add3A_754 : i32
    %broadcast_in_dim3A_756 = vector.broadcast %add3A_755 : i32 to vector<16xi32>
    %add3A_757 = arith.addi %mul3A_42, %broadcast_in_dim3A_756 : vector<16xi32>
    %swap3A_758 = arith.constant 16 : index
    %swap3A_759 = tpu.vector_load %arg23[%swap3A_758] {strides = array<i32>} : memref<40xi32, #tpu.memory_space<vmem>>, vector<16xi32>,
    %swap3A_760 = vector.shape_cast %swap3A_759 : vector<16xi32> to vector<16xi32>
    %swap3A_761 = vector.shape_cast %add3A_757 : vector<16xi32> to vector<16xi32>
    tpu.vector_store %arg23[%swap3A_758], %swap3A_761 {strides = array<i32>} : memref<40xi32, #tpu.memory_space<vmem>>, vector<16xi32>,
    %add3A_762 = arith.constant 96 : i32
    %add3A_763 = arith.addi %add3A_642, %add3A_762 : i32
    %add3A_764 = arith.constant 3 : i32
    %add3A_765 = arith.addi %add3A_763, %add3A_764 : i32
    %broadcast_in_dim3A_766 = vector.broadcast %add3A_765 : i32 to vector<16xi32>
    %add3A_767 = arith.addi %mul3A_42, %broadcast_in_dim3A_766 : vector<16xi32>
    %swap3A_768 = arith.constant 24 : index
    %swap3A_769 = tpu.vector_load %arg23[%swap3A_768] {strides = array<i32>} : memref<40xi32, #tpu.memory_space<vmem>>, vector<16xi32>,
    %swap3A_770 = vector.shape_cast %swap3A_769 : vector<16xi32> to vector<16xi32>
    %swap3A_771 = vector.shape_cast %add3A_767 : vector<16xi32> to vector<16xi32>
    tpu.vector_store %arg23[%swap3A_768], %swap3A_771 {strides = array<i32>} : memref<40xi32, #tpu.memory_space<vmem>>, vector<16xi32>,
    %dma_start3A_772 = arith.constant 0 : i32
    %dma_start3A_773 = arith.constant 0 : i32
    %dma_start3A_774 = tpu.memref_slice %arg3[%dma_start3A_772, %dma_start3A_773] : memref<128000x256xf32, #tpu.memory_space<hbm>> -> memref<128000x256xf32, #tpu.memory_space<hbm>>
    tpu.enqueue_indirect_dma source(%arg28 : memref<40x256xf32, #tpu.memory_space<vmem>>) target(%dma_start3A_774 : memref<128000x256xf32, #tpu.memory_space<hbm>>) offsets(%arg23 : memref<40xi32, #tpu.memory_space<vmem>>) semaphore(%arg38 : memref<!tpu.dma_semaphore, #tpu.memory_space<semaphore_mem>>)
    %dma_wait3A_775 = arith.constant 0 : i32
    %dma_wait3A_776 = arith.constant 0 : i32
    %dma_wait3A_777 = tpu.memref_slice %arg3[%dma_wait3A_775, %dma_wait3A_776] : memref<128000x256xf32, #tpu.memory_space<hbm>> -> memref<128000x256xf32, #tpu.memory_space<hbm>>
    tpu.wait_indirect_dma semaphore(%arg34 : memref<!tpu.dma_semaphore, #tpu.memory_space<semaphore_mem>>) src(%arg24 : memref<40x256xf32, #tpu.memory_space<vmem>>) dst(%dma_wait3A_777 : memref<128000x256xf32, #tpu.memory_space<hbm>>)
    %dma_wait3A_778 = arith.constant 0 : i32
    %dma_wait3A_779 = arith.constant 0 : i32
    %dma_wait3A_780 = tpu.memref_slice %arg3[%dma_wait3A_778, %dma_wait3A_779] : memref<128000x256xf32, #tpu.memory_space<hbm>> -> memref<128000x256xf32, #tpu.memory_space<hbm>>
    tpu.wait_indirect_dma semaphore(%arg34 : memref<!tpu.dma_semaphore, #tpu.memory_space<semaphore_mem>>) src(%arg24 : memref<40x256xf32, #tpu.memory_space<vmem>>) dst(%dma_wait3A_780 : memref<128000x256xf32, #tpu.memory_space<hbm>>)
    %dma_wait3A_781 = arith.constant 0 : i32
    %dma_wait3A_782 = arith.constant 0 : i32
    %dma_wait3A_783 = tpu.memref_slice %arg3[%dma_wait3A_781, %dma_wait3A_782] : memref<128000x256xf32, #tpu.memory_space<hbm>> -> memref<128000x256xf32, #tpu.memory_space<hbm>>
    tpu.wait_indirect_dma semaphore(%arg34 : memref<!tpu.dma_semaphore, #tpu.memory_space<semaphore_mem>>) src(%arg24 : memref<40x256xf32, #tpu.memory_space<vmem>>) dst(%dma_wait3A_783 : memref<128000x256xf32, #tpu.memory_space<hbm>>)
    %dma_wait3A_784 = arith.constant 0 : i32
    %dma_wait3A_785 = arith.constant 0 : i32
    %dma_wait3A_786 = tpu.memref_slice %arg3[%dma_wait3A_784, %dma_wait3A_785] : memref<128000x256xf32, #tpu.memory_space<hbm>> -> memref<128000x256xf32, #tpu.memory_space<hbm>>
    tpu.wait_indirect_dma semaphore(%arg34 : memref<!tpu.dma_semaphore, #tpu.memory_space<semaphore_mem>>) src(%arg24 : memref<40x256xf32, #tpu.memory_space<vmem>>) dst(%dma_wait3A_786 : memref<128000x256xf32, #tpu.memory_space<hbm>>)
    %dma_wait3A_787 = arith.constant 0 : i32
    %dma_wait3A_788 = arith.constant 0 : i32
    %dma_wait3A_789 = tpu.memref_slice %arg3[%dma_wait3A_787, %dma_wait3A_788] : memref<128000x256xf32, #tpu.memory_space<hbm>> -> memref<128000x256xf32, #tpu.memory_space<hbm>>
    tpu.wait_indirect_dma semaphore(%arg35 : memref<!tpu.dma_semaphore, #tpu.memory_space<semaphore_mem>>) src(%arg25 : memref<40x256xf32, #tpu.memory_space<vmem>>) dst(%dma_wait3A_789 : memref<128000x256xf32, #tpu.memory_space<hbm>>)
    %dma_wait3A_790 = arith.constant 0 : i32
    %dma_wait3A_791 = arith.constant 0 : i32
    %dma_wait3A_792 = tpu.memref_slice %arg3[%dma_wait3A_790, %dma_wait3A_791] : memref<128000x256xf32, #tpu.memory_space<hbm>> -> memref<128000x256xf32, #tpu.memory_space<hbm>>
    tpu.wait_indirect_dma semaphore(%arg35 : memref<!tpu.dma_semaphore, #tpu.memory_space<semaphore_mem>>) src(%arg25 : memref<40x256xf32, #tpu.memory_space<vmem>>) dst(%dma_wait3A_792 : memref<128000x256xf32, #tpu.memory_space<hbm>>)
    %dma_wait3A_793 = arith.constant 0 : i32
    %dma_wait3A_794 = arith.constant 0 : i32
    %dma_wait3A_795 = tpu.memref_slice %arg3[%dma_wait3A_793, %dma_wait3A_794] : memref<128000x256xf32, #tpu.memory_space<hbm>> -> memref<128000x256xf32, #tpu.memory_space<hbm>>
    tpu.wait_indirect_dma semaphore(%arg35 : memref<!tpu.dma_semaphore, #tpu.memory_space<semaphore_mem>>) src(%arg25 : memref<40x256xf32, #tpu.memory_space<vmem>>) dst(%dma_wait3A_795 : memref<128000x256xf32, #tpu.memory_space<hbm>>)
    %dma_wait3A_796 = arith.constant 0 : i32
    %dma_wait3A_797 = arith.constant 0 : i32
    %dma_wait3A_798 = tpu.memref_slice %arg3[%dma_wait3A_796, %dma_wait3A_797] : memref<128000x256xf32, #tpu.memory_space<hbm>> -> memref<128000x256xf32, #tpu.memory_space<hbm>>
    tpu.wait_indirect_dma semaphore(%arg35 : memref<!tpu.dma_semaphore, #tpu.memory_space<semaphore_mem>>) src(%arg25 : memref<40x256xf32, #tpu.memory_space<vmem>>) dst(%dma_wait3A_798 : memref<128000x256xf32, #tpu.memory_space<hbm>>)
    %dma_wait3A_799 = arith.constant 0 : i32
    %dma_wait3A_800 = arith.constant 0 : i32
    %dma_wait3A_801 = tpu.memref_slice %arg3[%dma_wait3A_799, %dma_wait3A_800] : memref<128000x256xf32, #tpu.memory_space<hbm>> -> memref<128000x256xf32, #tpu.memory_space<hbm>>
    tpu.wait_indirect_dma semaphore(%arg36 : memref<!tpu.dma_semaphore, #tpu.memory_space<semaphore_mem>>) src(%arg26 : memref<40x256xf32, #tpu.memory_space<vmem>>) dst(%dma_wait3A_801 : memref<128000x256xf32, #tpu.memory_space<hbm>>)
    %dma_wait3A_802 = arith.constant 0 : i32
    %dma_wait3A_803 = arith.constant 0 : i32
    %dma_wait3A_804 = tpu.memref_slice %arg3[%dma_wait3A_802, %dma_wait3A_803] : memref<128000x256xf32, #tpu.memory_space<hbm>> -> memref<128000x256xf32, #tpu.memory_space<hbm>>
    tpu.wait_indirect_dma semaphore(%arg36 : memref<!tpu.dma_semaphore, #tpu.memory_space<semaphore_mem>>) src(%arg26 : memref<40x256xf32, #tpu.memory_space<vmem>>) dst(%dma_wait3A_804 : memref<128000x256xf32, #tpu.memory_space<hbm>>)
    %dma_wait3A_805 = arith.constant 0 : i32
    %dma_wait3A_806 = arith.constant 0 : i32
    %dma_wait3A_807 = tpu.memref_slice %arg3[%dma_wait3A_805, %dma_wait3A_806] : memref<128000x256xf32, #tpu.memory_space<hbm>> -> memref<128000x256xf32, #tpu.memory_space<hbm>>
    tpu.wait_indirect_dma semaphore(%arg36 : memref<!tpu.dma_semaphore, #tpu.memory_space<semaphore_mem>>) src(%arg26 : memref<40x256xf32, #tpu.memory_space<vmem>>) dst(%dma_wait3A_807 : memref<128000x256xf32, #tpu.memory_space<hbm>>)
    %dma_wait3A_808 = arith.constant 0 : i32
    %dma_wait3A_809 = arith.constant 0 : i32
    %dma_wait3A_810 = tpu.memref_slice %arg3[%dma_wait3A_808, %dma_wait3A_809] : memref<128000x256xf32, #tpu.memory_space<hbm>> -> memref<128000x256xf32, #tpu.memory_space<hbm>>
    tpu.wait_indirect_dma semaphore(%arg36 : memref<!tpu.dma_semaphore, #tpu.memory_space<semaphore_mem>>) src(%arg26 : memref<40x256xf32, #tpu.memory_space<vmem>>) dst(%dma_wait3A_810 : memref<128000x256xf32, #tpu.memory_space<hbm>>)
    %dma_wait3A_811 = arith.constant 0 : i32
    %dma_wait3A_812 = arith.constant 0 : i32
    %dma_wait3A_813 = tpu.memref_slice %arg3[%dma_wait3A_811, %dma_wait3A_812] : memref<128000x256xf32, #tpu.memory_space<hbm>> -> memref<128000x256xf32, #tpu.memory_space<hbm>>
    tpu.wait_indirect_dma semaphore(%arg37 : memref<!tpu.dma_semaphore, #tpu.memory_space<semaphore_mem>>) src(%arg27 : memref<40x256xf32, #tpu.memory_space<vmem>>) dst(%dma_wait3A_813 : memref<128000x256xf32, #tpu.memory_space<hbm>>)
    %dma_wait3A_814 = arith.constant 0 : i32
    %dma_wait3A_815 = arith.constant 0 : i32
    %dma_wait3A_816 = tpu.memref_slice %arg3[%dma_wait3A_814, %dma_wait3A_815] : memref<128000x256xf32, #tpu.memory_space<hbm>> -> memref<128000x256xf32, #tpu.memory_space<hbm>>
    tpu.wait_indirect_dma semaphore(%arg37 : memref<!tpu.dma_semaphore, #tpu.memory_space<semaphore_mem>>) src(%arg27 : memref<40x256xf32, #tpu.memory_space<vmem>>) dst(%dma_wait3A_816 : memref<128000x256xf32, #tpu.memory_space<hbm>>)
    %dma_wait3A_817 = arith.constant 0 : i32
    %dma_wait3A_818 = arith.constant 0 : i32
    %dma_wait3A_819 = tpu.memref_slice %arg3[%dma_wait3A_817, %dma_wait3A_818] : memref<128000x256xf32, #tpu.memory_space<hbm>> -> memref<128000x256xf32, #tpu.memory_space<hbm>>
    tpu.wait_indirect_dma semaphore(%arg37 : memref<!tpu.dma_semaphore, #tpu.memory_space<semaphore_mem>>) src(%arg27 : memref<40x256xf32, #tpu.memory_space<vmem>>) dst(%dma_wait3A_819 : memref<128000x256xf32, #tpu.memory_space<hbm>>)
    %dma_wait3A_820 = arith.constant 0 : i32
    %dma_wait3A_821 = arith.constant 0 : i32
    %dma_wait3A_822 = tpu.memref_slice %arg3[%dma_wait3A_820, %dma_wait3A_821] : memref<128000x256xf32, #tpu.memory_space<hbm>> -> memref<128000x256xf32, #tpu.memory_space<hbm>>
    tpu.wait_indirect_dma semaphore(%arg37 : memref<!tpu.dma_semaphore, #tpu.memory_space<semaphore_mem>>) src(%arg27 : memref<40x256xf32, #tpu.memory_space<vmem>>) dst(%dma_wait3A_822 : memref<128000x256xf32, #tpu.memory_space<hbm>>)
    %dma_wait3A_823 = arith.constant 0 : i32
    %dma_wait3A_824 = arith.constant 0 : i32
    %dma_wait3A_825 = tpu.memref_slice %arg3[%dma_wait3A_823, %dma_wait3A_824] : memref<128000x256xf32, #tpu.memory_space<hbm>> -> memref<128000x256xf32, #tpu.memory_space<hbm>>
    tpu.wait_indirect_dma semaphore(%arg38 : memref<!tpu.dma_semaphore, #tpu.memory_space<semaphore_mem>>) src(%arg28 : memref<40x256xf32, #tpu.memory_space<vmem>>) dst(%dma_wait3A_825 : memref<128000x256xf32, #tpu.memory_space<hbm>>)
    %dma_wait3A_826 = arith.constant 0 : i32
    %dma_wait3A_827 = arith.constant 0 : i32
    %dma_wait3A_828 = tpu.memref_slice %arg3[%dma_wait3A_826, %dma_wait3A_827] : memref<128000x256xf32, #tpu.memory_space<hbm>> -> memref<128000x256xf32, #tpu.memory_space<hbm>>
    tpu.wait_indirect_dma semaphore(%arg38 : memref<!tpu.dma_semaphore, #tpu.memory_space<semaphore_mem>>) src(%arg28 : memref<40x256xf32, #tpu.memory_space<vmem>>) dst(%dma_wait3A_828 : memref<128000x256xf32, #tpu.memory_space<hbm>>)
    %dma_wait3A_829 = arith.constant 0 : i32
    %dma_wait3A_830 = arith.constant 0 : i32
    %dma_wait3A_831 = tpu.memref_slice %arg3[%dma_wait3A_829, %dma_wait3A_830] : memref<128000x256xf32, #tpu.memory_space<hbm>> -> memref<128000x256xf32, #tpu.memory_space<hbm>>
    tpu.wait_indirect_dma semaphore(%arg38 : memref<!tpu.dma_semaphore, #tpu.memory_space<semaphore_mem>>) src(%arg28 : memref<40x256xf32, #tpu.memory_space<vmem>>) dst(%dma_wait3A_831 : memref<128000x256xf32, #tpu.memory_space<hbm>>)
    %dma_wait3A_832 = arith.constant 0 : i32
    %dma_wait3A_833 = arith.constant 0 : i32
    %dma_wait3A_834 = tpu.memref_slice %arg3[%dma_wait3A_832, %dma_wait3A_833] : memref<128000x256xf32, #tpu.memory_space<hbm>> -> memref<128000x256xf32, #tpu.memory_space<hbm>>
    tpu.wait_indirect_dma semaphore(%arg38 : memref<!tpu.dma_semaphore, #tpu.memory_space<semaphore_mem>>) src(%arg28 : memref<40x256xf32, #tpu.memory_space<vmem>>) dst(%dma_wait3A_834 : memref<128000x256xf32, #tpu.memory_space<hbm>>)
    return
  }
}

</mosaic_0001>

<sc_bundles>
// kernel: kernel.3.cloned.1.call-start
scs
__scs_entry_jumppad:
0x0: {  	(pc) =	sbr.rel $0x88, $3  }
0x1: {  	(tag) =	ssettag $0x0;
	lr =	simm.s32 $0x1  }
0x2: {  	[smem:$0x3FA0] =	sst lr;
	_ =	strace $0xD0000000  }
0x3: {  	_ = 	snop  }
0x4: {  	_ = 	snop  }
0x5: {  	_ = 	snop  }
0x6: {  	_ = 	snop  }
0x7: {  	_ = 	snop  }
__scs_overlays_trampoline_lowered:
0x8: {  	[smem:$0x3FAF] =	sst s0  }
0x9: {  	[smem:$0x3FB0] =	sst s1  }
0xa: {  	[smem:$0x3FB1] =	sst s2  }
0xb: {  	[smem:$0x3FB2] =	sst s3  }
0xc: {  	[smem:$0x3FB3] =	sst s4  }
0xd: {  	[smem:$0x3FB4] =	sst s5  }
0xe: {  	[smem:$0x3FB5] =	sst s6  }
0xf: {  	[smem:$0x3FB6] =	sst s7  }
0x10: {  	[smem:$0x3FB7] =	sst s8  }
0x11: {  	[smem:$0x3FB8] =	sst s9;
	s0 =	simm.s32 @!p0 $0x0  }
0x12: {  	s1 =	sld [smem:$0x3F9E];
	s0 =	simm.s32 @p0 $0x1  }
0x13: {  	[smem:$0x3FB9] =	sst s0;
	s0 =	simm.s32 @!p1 $0x0  }
0x14: {  	s2 =	sld [smem:$0x3F9D];
	s0 =	simm.s32 @p1 $0x1  }
0x15: {  	[smem:$0x3FBA] =	sst s0;
	s0 =	simm.s32 @!p2 $0x0  }
0x16: {  	s3 =	sld [smem:$0x3FDB];
	s0 =	simm.s32 @p2 $0x1  }
0x17: {  	s4 =	simm.s32 $0x1BF5;
	[smem:$0x3FBC] =	sst s0  }
0x18: {  	s0 =	sld [smem:$0x3F9F];
	_ =	swait.ge [sflag:s4], $0x0  }
0x19: {  	s7 =	sld [smem:$0x3FA0]  }
0x1a: {  	s8 =	sadd.s32 $0xFFFFE003, lr  }
0x1b: {  	s9 =	sadd.s32 $0xFFFFFEF7, lr;
	s5 =	simm.s32 $0xFFFFFFFF;
	p2 =	slt.u32 s8, $0xFFFFF086  }
0x1c: {  	p1 =	slt.u32 s9, $0xF7A;
	s5 =	simm.s32 @!p2 $0x0  }
0x1d: {  	s5 =	simm.s32 @p1 $0x1;
	p0 =	seq.s32 s7, s2  }
0x1e: {  	s7 =	smul.u32 @!p0 $0xF7A, s2;
	p2 =	seq.s32 @!p0 s5, $0x0  }
0x1f: {  	s9 =	smul.u32 $0xF7A, s1;
	s8 =	simm.s32 @!p0 $0x1BF5;
	p2 =	por !p2, p0  }
0x20: {  	[sflag:s8] =	ssyncset.s32 @!p0 $0xFFFFF086;
	s6 =	sadd.s32 @!p0 s3, s7;
	s7 =	simm.s32 @!p0 $0x108  }
0x21: {  	s3 =	sadd.s32 s3, s9;
	s6 =	sadd.s32 @!p0 $0x88, s6;
	s7 =	simm.s32 @p2 $0x1082  }
0x22: {  	[simem:s7], [sflag:s8] =	dma.local @!p0 [hbm:s6], $0xF7A  }
0x23: {  	s9 =	sor.u32 $0xD0000000, s2;
	s6 =	simm.s32 $0x108;
	_ =	swait.ge @!p0 [sflag:s8], $0x0  }
0x24: {  	s3 =	sadd.s32 $0x88, s3;
	s6 =	simm.s32 @!p1 $0x1082;
	[sflag:s4] =	ssyncset.s32 $0xFFFFF086  }
0x25: {  	[simem:s6], [sflag:s4] =	dma.local [hbm:s3], $0xF7A  }
0x26: {  	[smem:$0x3FA0] =	sst s1;
	(tag) =	ssettag s2;
	_ =	strace s9  }
0x27: {  	s1 =	sld [smem:$0x3FB0]  }
0x28: {  	s2 =	sld [smem:$0x3FB1]  }
0x29: {  	s4 =	sld [smem:$0x3FB3]  }
0x2a: {  	p0 =	seq.s32 s5, $0x0;
	s5 =	sld [smem:$0x3FB4]  }
0x2b: {  	s6 =	sld [smem:$0x3FB5]  }
0x2c: {  	s7 =	sld [smem:$0x3FB6]  }
0x2d: {  	s3 =	simm.s32 $0x108;
	s8 =	sld [smem:$0x3FB7]  }
0x2e: {  	s3 =	simm.s32 @!p0 $0x1082;
	s9 =	sld [smem:$0x3FB8]  }
0x2f: {  	lr =	sadd.s32 s0, s3;
	s0 =	sld [smem:$0x3FAF]  }
0x30: {  	s3 =	sld [smem:$0x3FB2]  }
0x31: {  	[smem:$0x3FBB] =	sst s10  }
0x32: {  	s10 =	sld [smem:$0x3FB9];
	_ =	sdelay $0x3  }
0x33: {  	p0 =	seq.s32 s10, $0x1;
	s10 =	sld [smem:$0x3FBB];
	_ =	sdelay $0x3  }
0x34: {  	[smem:$0x3FBB] =	sst s10  }
0x35: {  	s10 =	sld [smem:$0x3FBA];
	_ =	sdelay $0x3  }
0x36: {  	p1 =	seq.s32 s10, $0x1;
	s10 =	sld [smem:$0x3FBB];
	_ =	sdelay $0x3  }
0x37: {  	[smem:$0x3FBB] =	sst s10  }
0x38: {  	s10 =	sld [smem:$0x3FBC]  }
0x39: {  	_ = 	snop;
	(pc) =	sbr.ind lr, $3  }
0x3a: {  	_ = 	snop  }
0x3b: {  	_ = 	snop  }
0x3c: {  	p2 =	seq.s32 s10, $0x1;
	s10 =	sld [smem:$0x3FBB]  }
0x3d: {  	_ =	shalt  }
0x3e: {  	_ =	shalt  }
0x3f: {  	_ =	shalt  }
0x40: {  	_ =	shalt  }
0x41: {  	_ =	shalt  }
0x42: {  	_ =	shalt  }
0x43: {  	_ =	shalt  }
0x44: {  	_ =	shalt  }
0x45: {  	_ =	shalt  }
0x46: {  	_ =	shalt  }
0x47: {  	_ =	shalt  }
0x48: {  	_ =	shalt  }
0x49: {  	_ =	shalt  }
0x4a: {  	_ =	shalt  }
0x4b: {  	_ =	shalt  }
0x4c: {  	_ =	shalt  }
0x4d: {  	_ =	shalt  }
0x4e: {  	_ =	shalt  }
0x4f: {  	_ =	shalt  }
0x50: {  	_ =	shalt  }
0x51: {  	_ =	shalt  }
0x52: {  	_ =	shalt  }
0x53: {  	_ =	shalt  }
0x54: {  	_ =	shalt  }
0x55: {  	_ =	shalt  }
0x56: {  	_ =	shalt  }
0x57: {  	_ =	shalt  }
0x58: {  	_ =	shalt  }
0x59: {  	_ =	shalt  }
0x5a: {  	_ =	shalt  }
0x5b: {  	_ =	shalt  }
0x5c: {  	_ =	shalt  }
0x5d: {  	_ =	shalt  }
0x5e: {  	_ =	shalt  }
0x5f: {  	_ =	shalt  }
0x60: {  	_ =	shalt  }
0x61: {  	_ =	shalt  }
0x62: {  	_ =	shalt  }
0x63: {  	_ =	shalt  }
0x64: {  	_ =	shalt  }
0x65: {  	_ =	shalt  }
0x66: {  	_ =	shalt  }
0x67: {  	_ =	shalt  }
0x68: {  	_ =	shalt  }
0x69: {  	_ =	shalt  }
0x6a: {  	_ =	shalt  }
0x6b: {  	_ =	shalt  }
0x6c: {  	_ =	shalt  }
0x6d: {  	_ =	shalt  }
0x6e: {  	_ =	shalt  }
0x6f: {  	_ =	shalt  }
0x70: {  	_ =	shalt  }
0x71: {  	_ =	shalt  }
0x72: {  	_ =	shalt  }
0x73: {  	_ =	shalt  }
0x74: {  	_ =	shalt  }
0x75: {  	_ =	shalt  }
0x76: {  	_ =	shalt  }
0x77: {  	_ =	shalt  }
0x78: {  	_ =	shalt  }
0x79: {  	_ =	shalt  }
0x7a: {  	_ =	shalt  }
0x7b: {  	_ =	shalt  }
0x7c: {  	_ =	shalt  }
0x7d: {  	_ =	shalt  }
0x7e: {  	_ =	shalt  }
0x7f: {  	_ =	shalt  }
0x80: {  	_ =	shalt  }
0x81: {  	_ =	shalt  }
0x82: {  	_ =	shalt  }
0x83: {  	_ =	shalt  }
0x84: {  	_ =	shalt  }
0x85: {  	_ =	shalt  }
0x86: {  	_ =	shalt  }
0x87: {  	_ =	shalt  }
.Lfunc_end0:
.L_simem_size_0:
called_computation_lowered:
.L_overlay_start_0:
0x88: {  	s2 =	sld [smem:$0x3FD9]  }
0x89: {  	s3 =	sld [smem:$0x3FFE];
	_ =	sdelay $0x1  }
0x8a: {  	s1 =	srdreg.scid  }
0x8b: {  	s0 =	sand.u32 $0x1, s1  }
0x8c: {  	s18 =	sshll.u32 s0, $0xA;
	s2 =	sadd.s32 s3, s2  }
0x8d: {  	s2 =	sadd.s32 s2, s18  }
0x8e: {  	[smem:$0x3FC7] =	sst s2  }
0x8f: {  	_ = 	snop  }
0x90: {  	s2 =	sld [smem:$0x3FC9]  }
0x91: {  	s19 =	sld [smem:$0x3FD0];
	(tm) =	ssettm $0x1  }
0x92: {  	s4 =	sld [smem:$0x3FFB];
	_ =	sdelay $0x3  }
0x93: {  	_ =	strace s4  }
0x94: {  	s4 =	sld [smem:$0x3FFC];
	_ =	sdelay $0x3  }
0x95: {  	_ =	strace s4  }
0x96: {  	s4 =	sld [smem:$0x3FFD];
	_ =	sdelay $0x3  }
0x97: {  	_ =	strace s4  }
0x98: {  	_ =	strace $0x8FFFFFFF  }
0x99: {  	s20 =	sld [smem:$0x3FDB];
	_ =	sdelay $0x1  }
0x9a: {  	s5 =	simm.s32 $_scs_section_size  }
0x9b: {  	s6 =	simm.s32 $_size__tile_overlayer_lowered;
	s7 =	simm.s32 $_tile_overlayer_lowered  }
0x9c: {  	s23 =	simm.s32 $0x1BFF;
	s22 =	sshll.u32 s7, $0x1;
	s4 =	sadd.s32 s5, s20  }
0x9d: {  	s8 =	simm.s32 $0x0;
	s21 =	sshll.u32 s6, $0x1;
	s6 =	sadd.s32 s22, s4  }
0x9e: {  	[timem:s8], [sflag:s23] =	dma.local [hbm:s6], s21  }
0x9f: {  	_ =	swait.ge [sflag:s23], s21  }
0xa0: {  	s5 =	ssub.s32 $0x0, s21;
	[sflag:s23] =	ssyncset.done $0x0  }
0xa1: {  	[sflag:s23] =	ssyncadd.s32 s5;
	_ =	sdelay $0x1  }
0xa2: {  	s24 =	simm.s32 $0x1B8B  }
0xa3: {  	_ =	swait.ge [sflag:s24], $0x1  }
0xa4: {  	[sflag:s24] =	ssyncset.done $0x0  }
0xa5: {  	s25 =	simm.s32 $0x1B8E;
	[sflag:s24] =	ssyncadd.s32 $0xFFFFFFFF  }
0xa6: {  	s26 =	simm.s32 $execute0_lowered;
	[smem:$0x3FD2] =	sst s25  }
0xa7: {  	s5 =	sshll.u32 s26, $0x1;
	_ =	strace $0x80000046;
	[dreg:$0x1] =	wrdreg $0xFFFFFFFF  }
0xa8: {  	s28 =	simm.s32 $_size_execute0_lowered;
	s4 =	sadd.s32 s4, s5;
	[dreg:$0x0] =	wrdreg $0x0  }
0xa9: {  	s5 =	sshll.u32 s28, $0x1;
	[dreg:$0x2] =	wrdreg s4  }
0xaa: {  	[dreg:$0x3] =	wrdreg s5  }
0xab: {  	[dreg:$0x4] =	wrdreg $0xC0  }
0xac: {  	_ =	task [dreg:s8], $0x5FFFF  }
0xad: {  	[dreg:$0x1] =	wrdreg $0xFFFFFFFF  }
0xae: {  	[dreg:$0x0] =	wrdreg $0x60  }
0xaf: {  	[dreg:$0x2] =	wrdreg s2  }
0xb0: {  	[dreg:$0x3] =	wrdreg s19  }
0xb1: {  	[dreg:$0x4] =	wrdreg $0x9  }
0xb2: {  	_ =	task.clear_ibuf [dreg:s8], $0x5FFFF;
	_ =	strace $0x90000046  }
0xb3: {  	s29 =	simm.s32 $0x9;
	_ =	strace $0x80000048  }
0xb4: {  	_ =	swait.ge [sflag:s29], $0x1  }
0xb5: {  	[sflag:s29] =	ssyncadd.s32 $0xFFFFFFFF  }
0xb6: {  	_ =	strace $0x90000048  }
0xb7: {  	_ =	sfence  }
0xb8: {  	s30 =	sld [smem:$0x0];
	_ =	sdelay $0x2  }
0xb9: {  	s31 =	sshll.u32 s1, $0xD;
	s1 =	sshrl.u32 s1, $0x2  }
0xba: {  	s3 =	sand.u32 $0x4000, s31;
	s1 =	sadd.s32 s1, s30  }
0xbb: {  	s0 =	sor.u32 s3, s0;
	s1 =	sshll.u32 s1, $0x11  }
0xbc: {  	s0 =	sor.u32 s1, s0  }
0xbd: {  	s0 =	sadd.s32 $0x8F2B, s0  }
0xbe: {  	[sflag:s0] =	ssyncadd.remote.s32 $0x1  }
0xbf: {  	_ =	sfence.sel $0xFFFF  }
0xc0: {  	[dreg:$0x0] =	wrdreg $0xFFFFFFFF;
	(pc) =	sbr.abs _section_cstart, $3  }
0xc1: {  	[dreg:$0x1] =	wrdreg $0xFFFFFFFF  }
0xc2: {  	_ =	task.clear_ibuf [dreg:s8], $0x2FFFF;
	_ =	strace $0x9FFFFFFF  }
0xc3: {  	(tm) =	ssettm $0x7FFFFFFF  }
tec
execute0_lowered:
.L_overlay_start_1:
0x0: {  	(tag) =	ssettag $0x1  }
0x1: {  	s0 =	srdreg.scid  }
0x2: {  	s2 =	stileid.u32;
	s0 =	sand.u32 $0x1, s0  }
0x3: {  	s1 =	sor.u32 s0, s2  }
0x4: {  	p1 =	seq.s32 s0, $0x1;
	p0 =	seq.s32 s1, $0x0  }
0x5: {  	p0 =	por !p0, !p1  }
0x6: {  	s1 =	simm.s32 $0x1;
	p0 =	por !p0, !p0  }
0x7: {  	s1 =	simm.s32 @!p0 $0x0  }
0x8: {  	s3 =	smul.u32 $0xFA0, s0;
	s2 =	ssub.s32 s2, s1  }
0x9: {  	s1 =	smul.u32 $0x1F40, s2  }
0xa: {  	v0 =	vlaneseq.u32  }
0xb: {  	v1 =	vmul.u32 $0x4, v0;
	s23 =	sadd.s32 s3, s1  }
0xc: {  	s1 =	sadd.s32 $0x40, s23  }
0xd: {  	vm0 =	vmmov $0xffff;
	v16 =	vand.u32 $0x1, v0;
	s3 =	sadd.s32 $0x60, s23;
	s4 =	sor.u32 $0x1, s23;
	v2 =	vadd.s32 s1, v1  }
0xe: {  	v21 =	vmul.u32 $0x4, v16;
	s17 =	sadd.s32 $0x41, s23;
	s19 =	sor.u32 $0x2, s23;
	s21 =	sor.u32 $0x3, s23;
	v3 =	vadd.s32 s4, v1;
	[tilespmem:$0x1FE60] =	vst v2;
	v2 =	vadd.s32 s3, v1  }
0xf: {  	s18 =	sadd.s32 $0x61, s23;
	s6 =	sadd.s32 $0xA1, s23;
	s9 =	sadd.s32 $0xA2, s23;
	v4 =	vadd.s32 s19, v1;
	v10 =	vadd.s32 s21, v1;
	[tilespmem:$0x1FE70] =	vst v2;
	v2 =	vadd.s32 s17, v1  }
0x10: {  	s11 =	sadd.s32 $0xA3, s23;
	s12 =	sadd.s32 $0x102, s23;
	v19 =	vadd.s32 s6, v1;
	v22 =	vadd.s32 s9, v1;
	[tilespmem:$0x1FE80] =	vst v2;
	v2 =	vadd.s32 s18, v1  }
0x11: {  	s15 =	sadd.s32 $0xDC0, s23;
	v25 =	vadd.s32 s11, v1;
	v5 =	vadd.s32 s12, v1;
	[tilespmem:$0x1FE90] =	vst v2;
	v2 =	vshll.u32 v3, $0x1  }
0x12: {  	s20 =	sadd.s32 $0x42, s23;
	s14 =	sadd.s32 $0x103, s23;
	v31 =	vadd.s32 s15, v1;
	[tilespmem:$0x1FEA0] =	vst v3;
	v3 =	vand.u32 $0x5, v3;
	v2 =	vand.u32 $0xFFFFFFF0, v2  }
0x13: {  	s6 =	sadd.s32 $0xDC1, s23;
	s19 =	sadd.s32 $0xDC2, s23;
	[tilespmem:$0x1FF50] =	vst v5;
	v5 =	vadd.s32 s14, v1;
	v8 =	vor.u32 v3, v2;
	v2 =	vadd.s32 s20, v1  }
0x14: {  	s11 =	sadd.s32 $0xEA0, s23;
	v34 =	vadd.s32 s6, v1;
	v37 =	vadd.s32 s19, v1;
	[tilespmem:$0x1FEB0] =	vst v2;
	v2 =	vshll.u32 v4, $0x1  }
0x15: {  	s24 =	sadd.s32 $0x43, s23;
	v47 =	vadd.s32 s11, v1;
	v3 =	vand.u32 $0x6, v4;
	v2 =	vand.u32 $0xFFFFFFF0, v2  }
0x16: {  	s12 =	sadd.s32 $0xEC0, s23;
	v12 =	vor.u32 v3, v2;
	v2 =	vshll.u32 v10, $0x1;
	v3 =	vadd.s32 s24, v1  }
0x17: {  	s4 =	sadd.s32 $0xE0, s23;
	v48 =	vadd.s32 s12, v1;
	s14 =	sadd.s32 $0xEC1, s23;
	[tilespmem:$0x1FEE0] =	vst v3;
	v3 =	vand.u32 $0x7, v10;
	v2 =	vand.u32 $0xFFFFFFF0, v2  }
0x18: {  	s5 =	sadd.s32 $0x100, s23;
	s19 =	sadd.s32 $0xEA2, s23;
	s12 =	sadd.s32 $0xF02, s23;
	v51 =	vadd.s32 s14, v1;
	v15 =	vor.u32 v3, v2;
	v2 =	vadd.s32 s4, v1  }
0x19: {  	s7 =	sadd.s32 $0xE1, s23;
	s11 =	sadd.s32 $0xF60, s23;
	v54 =	vadd.s32 s19, v1;
	v60 =	vadd.s32 s12, v1;
	s19 =	sadd.s32 $0xF03, s23;
	[tilespmem:$0x1FF00] =	vst v2;
	v2 =	vadd.s32 s5, v1  }
0x1a: {  	s8 =	sadd.s32 $0x101, s23;
	v6 =	vadd.s32 s11, v1;
	v17 =	vadd.s32 s19, v1;
	[tilespmem:$0x1FF10] =	vst v2;
	v2 =	vadd.s32 s7, v1  }
0x1b: {  	v24 =	vshll.u32 v17, $0x1;
	v26 =	vand.u32 $0x7, v17;
	[tilespmem:$0x1FF20] =	vst v2;
	v2 =	vadd.s32 s8, v1  }
0x1c: {  	v16 =	vand.u32 $0xFFFFFFF0, v24;
	v24 =	vadd.s32 s23, v1;
	[tilespmem:$0x1FF30] =	vst v2;
	v2 =	vshll.u32 v19, $0x1  }
0x1d: {  	s10 =	sadd.s32 $0xE2, s23;
	v28 =	vshll.u32 v24, $0x1;
	v3 =	vand.u32 $0x5, v19;
	v2 =	vand.u32 $0xFFFFFFF0, v2  }
0x1e: {  	s22 =	sadd.s32 $0x62, s23;
	[tilespmem:$0x1FEC0] =	vst v4;
	v26 =	vor.u32 v26, v16;
	v23 =	vor.u32 v3, v2;
	v2 =	vadd.s32 s10, v1  }
0x1f: {  	s25 =	sadd.s32 $0x63, s23;
	v4 =	vadd.s32 s22, v1;
	v16 =	vand.u32 $0xFFFFFFF0, v28;
	[tilespmem:$0x1FF40] =	vst v2;
	v2 =	vshll.u32 v22, $0x1  }
0x20: {  	s30 =	simm.s32 $0x2200;
	s31 =	simm.s32 $0x2A00;
	s13 =	sadd.s32 $0xE3, s23;
	[tilespmem:$0x1FED0] =	vst v4;
	v4 =	vadd.s32 s25, v1;
	v3 =	vand.u32 $0x6, v22;
	v2 =	vand.u32 $0xFFFFFFF0, v2  }
0x21: {  	s28 =	simm.s32 $0x6;
	s29 =	simm.s32 $0x6A00;
	[tilespmem:$0x1FF70] =	vst v5;
	s22 =	sadd.s32 $0xE22, s23;
	v27 =	vor.u32 v3, v2;
	v2 =	vshll.u32 v25, $0x1;
	v3 =	vadd.s32 s13, v1  }
0x22: {  	s2 =	sshll.u32 s2, $0x10;
	s26 =	sadd.s32 $0xA0, s23;
	s16 =	sadd.s32 $0xE00, s23;
	v5 =	vadd.s32 s22, v1;
	[tilespmem:$0x1FF60] =	vst v3;
	v3 =	vand.u32 $0x7, v25;
	v2 =	vand.u32 $0xFFFFFFF0, v2  }
0x23: {  	s1 =	rddreg [dreg:$0x0];
	s21 =	sadd.s32 $0xE02, s23;
	v28 =	vor.u32 v21, v16;
	[tilespmem:$0x1FEF0] =	vst v4;
	s5 =	sadd.s32 $0xE20, s23;
	v30 =	vor.u32 v3, v2;
	v2 =	vadd.s32 s16, v1  }
0x24: {  	s9 =	sadd.s32 $0xE23, s23;
	s17 =	sadd.s32 $0xE01, s23;
	s22 =	sadd.s32 $0xEC2, s23;
	v16 =	vshll.u32 v31, $0x1;
	v4 =	vadd.s32 s26, v1;
	[tilespmem:$0x1FF80] =	vst v2;
	v2 =	vadd.s32 s5, v1  }
0x25: {  	s3 =	rddreg [dreg:$0x1];
	s18 =	sadd.s32 $0xE21, s23;
	v56 =	vadd.s32 s22, v1;
	s22 =	sadd.s32 $0xF63, s23;
	v16 =	vand.u32 $0xFFFFFFF0, v16;
	[tilespmem:$0x1FF90] =	vst v2;
	v2 =	vadd.s32 s17, v1  }
0x26: {  	s6 =	simm.s32 $0x7;
	s14 =	simm.s32 $0x5A00;
	s11 =	simm.s32 $0xAA00;
	v20 =	vadd.s32 s22, v1;
	v29 =	vshll.u32 v4, $0x1;
	[tilespmem:$0x1FFA0] =	vst v2;
	v2 =	vadd.s32 s18, v1  }
0x27: {  	s12 =	simm.s32 $0x8;
	s20 =	ssub.s32 $0x2, s0;
	s0 =	smul.u32 $0x7D00, s0;
	v32 =	vor.u32 v21, v16;
	v29 =	vand.u32 $0xFFFFFFF0, v29;
	[tilespmem:$0x1FFB0] =	vst v2;
	v2 =	vshll.u32 v34, $0x1  }
0x28: {  	s25 =	sadd.s32 $0xE03, s23;
	s4 =	simm.s32 $0x0;
	v29 =	vor.u32 v21, v29;
	s8 =	sadd.s32 $0xDC3, s23;
	v3 =	vand.u32 $0x5, v34;
	v2 =	vand.u32 $0xFFFFFFF0, v2  }
0x29: {  	[smem:$0x7FF] =	sst s4;
	v40 =	vadd.s32 s8, v1;
	s10 =	sadd.s32 $0xE60, s23;
	s13 =	sadd.s32 $0xEA1, s23;
	v38 =	vor.u32 v3, v2;
	v2 =	vadd.s32 s21, v1  }
0x2a: {  	s24 =	simm.s32 $0x1;
	s26 =	sor.u32 s0, s2;
	v46 =	vadd.s32 s10, v1;
	v50 =	vadd.s32 s13, v1;
	_ =	strace $0x80000047;
	[tilespmem:$0x1FFC0] =	vst v2;
	v2 =	vshll.u32 v37, $0x1  }
0x2b: {  	s22 =	simm.s32 $0x6200;
	s7 =	sshrl.u32 s20, $0x1;
	s10 =	sand.u32 $0x1FFF7F00, s26;
	[tilespmem:$0x1FFD0] =	vst v5;
	v5 =	vadd.s32 s9, v1;
	v3 =	vand.u32 $0x6, v37;
	v2 =	vand.u32 $0xFFFFFFF0, v2  }
0x2c: {  	s8 =	simm.s32 $0x3A00;
	s15 =	sadd.s32 s1, s10;
	s9 =	sadd.s32 $0xE61, s23;
	v42 =	vor.u32 v3, v2;
	v2 =	vshll.u32 v40, $0x1;
	v3 =	vadd.s32 s25, v1  }
0x2d: {  	s10 =	simm.s32 $0x5200;
	s13 =	sadd.s32 $0xF40, s23;
	s16 =	sadd.s32 $0xE62, s23;
	v49 =	vadd.s32 s9, v1;
	[tilespmem:$0x1FFE0] =	vst v3;
	v3 =	vand.u32 $0x7, v40;
	v2 =	vand.u32 $0xFFFFFFF0, v2  }
0x2e: {  	v33 =	vshll.u32 v46, $0x1;
	s5 =	ssub.s32 s20, s7;
	s7 =	sadd.s32 s1, s26;
	s20 =	sadd.s32 $0xF00, s15;
	v45 =	vor.u32 v3, v2;
	v2 =	vshll.u32 v49, $0x1  }
0x2f: {  	v52 =	vadd.s32 s16, v1;
	s26 =	sadd.s32 $0xEC3, s23;
	s16 =	sadd.s32 $0xF41, s23;
	s1 =	sadd.s32 s2, s1;
	v3 =	vand.u32 $0x5, v49;
	v2 =	vand.u32 $0xFFFFFFF0, v2  }
0x30: {  	v16 =	vand.u32 $0xFFFFFFF0, v33;
	s2 =	simm.s32 $0x4A00;
	s17 =	sadd.s32 $0x500, s15;
	s21 =	sadd.s32 $0xE63, s23;
	v53 =	vor.u32 v3, v2;
	v2 =	vshll.u32 v52, $0x1  }
0x31: {  	s5 =	smax.u32 s5, $0x1;
	s18 =	sadd.s32 $0xA00, s15;
	[dreg:$0x3] =	wrdreg s7;
	v55 =	vadd.s32 s21, v1;
	v3 =	vand.u32 $0x6, v52;
	v2 =	vand.u32 $0xFFFFFFF0, v2  }
0x32: {  	v33 =	vor.u32 v21, v16;
	[dreg:$0x4] =	wrdreg s17;
	s7 =	sadd.s32 $0x1400, s15;
	s15 =	sadd.s32 $0xF01, s23;
	v57 =	vor.u32 v3, v2;
	v2 =	vshll.u32 v55, $0x1  }
0x33: {  	s0 =	sadd.s32 s0, s1;
	s1 =	simm.s32 $0x9;
	[dreg:$0x5] =	wrdreg s18;
	v58 =	vadd.s32 s15, v1;
	v3 =	vand.u32 $0x7, v55;
	v2 =	vand.u32 $0xFFFFFFF0, v2  }
0x34: {  	v9 =	vadd.s32 s16, v1;
	s0 =	sadd.s32 $0x2D00, s0;
	[dreg:$0x6] =	wrdreg s20;
	s17 =	sadd.s32 $0xF61, s23;
	v59 =	vor.u32 v3, v2;
	v2 =	vshll.u32 v58, $0x1  }
0x35: {  	s18 =	sadd.s32 $0xF62, s23;
	s20 =	sadd.s32 $0xF43, s23;
	[dreg:$0x8] =	wrdreg s5;
	[tilespmem:$0x1FFF0] =	vst v5;
	v5 =	vshll.u32 v60, $0x1;
	v3 =	vand.u32 $0x5, v58;
	v2 =	vand.u32 $0xFFFFFFF0, v2  }
0x36: {  	[dreg:$0x9] =	wrdreg s0;
	s0 =	simm.s32 $0xA00;
	s9 =	sadd.s32 $0xF00, s23;
	v61 =	vor.u32 v3, v2;
	v2 =	vand.u32 $0x6, v60;
	v3 =	vand.u32 $0xFFFFFFF0, v5  }
0x37: {  	s5 =	simm.s32 $0x3200;
	[dreg:$0x7] =	wrdreg s7;
	s7 =	simm.s32 $0x8200;
	v11 =	vadd.s32 s17, v1;
	v62 =	vor.u32 v2, v3;
	v3 =	vadd.s32 s9, v1  }
0x38: {  	v14 =	vadd.s32 s18, v1;
	v18 =	vadd.s32 s20, v1;
	s17 =	simm.s32 $0xA;
	s21 =	sadd.s32 $0xF42, s23;
	s25 =	sadd.s32 $0xEA3, s23;
	v35 =	vshll.u32 v3, $0x1  }
0x39: {  	s15 =	simm.s32 $0x3200;
	v13 =	vadd.s32 s21, v1;
	s21 =	simm.s32 $0x8200;
	v63 =	vadd.s32 s25, v1;
	s25 =	simm.s32 $0x1200;
	v35 =	vand.u32 $0xFFFFFFF0, v35  }
0x3a: {  	v44 =	vmovc v4;
	v5 =	vadd.s32 s13, v1;
	s13 =	simm.s32 $0x0;
	v2 =	vadd.s32 s26, v1;
	s26 =	simm.s32 $0x1A00;
	s9 =	simm.s32 $0x4200;
	v35 =	vor.u32 v21, v35  }
.LBB2_1:
0x3b: {  	[dreg:$0xa] =	wrdreg s13  }
0x3c: {  	s18 =	rddreg [dreg:$0x3]  }
0x3d: {  	[tilespmem:s0], [sflag:$0x1] =	stream.linear.gather [hbm4b:s18+s4], $0x2800, $0x38;
	[tilespmem:$0xD200] =	vst v63  }
0x3e: {  	s16 =	rddreg [dreg:$0x4]  }
0x3f: {  	[tilespmem:s5], [sflag:$0x2] =	stream.linear.gather [hbm4b:s16+s4], $0x2800, $0x38;
	[tilespmem:$0xD200] =	vst v63  }
0x40: {  	s19 =	rddreg [dreg:$0x5]  }
0x41: {  	[tilespmem:s14], [sflag:$0x3] =	stream.linear.gather [hbm4b:s19+s4], $0x2800, $0x38;
	[tilespmem:$0xD200] =	vst v63  }
0x42: {  	s20 =	rddreg [dreg:$0x6]  }
0x43: {  	[tilespmem:s7], [sflag:$0x4] =	stream.linear.gather [hbm4b:s20+s4], $0x2800, $0x38;
	[tilespmem:$0xD200] =	vst v63  }
0x44: {  	_ =	swait.ge [sflag:s24], $0x2800  }
0x45: {  	v7 =	vld [tilespmem:$0x1FE60];
	_ =	sdelay $0x2  }
0x46: {  	v36 =	vand.u32 $0x7, v0;
	v16 =	vshrl.u32 v0, $0x3;
	[sflag:s24] =	ssyncset.done $0x0  }
0x47: {  	v4 =	vperm.xlane v28, v36;
	v16 =	vmul.u32 $0x8, v16;
	[sflag:s24] =	ssyncadd.s32 $0xFFFFD800  }
0x48: {  	v39 =	vor.u32 $0x8, v0;
	[tilespmem:$0x10] =	vst v7;
	v7 =	vld [tilespmem:$0x1FE70]  }
0x49: {  	v41 =	vperm.xlane v28, v39;
	v4 =	vadd.s32 v16, v4;
	_ =	sdelay $0x1  }
0x4a: {  	v41 =	vadd.s32 v16, v41  }
0x4b: {  	[tilespmem:$0x0] =	vst v24  }
0x4c: {  	[tilespmem:$0x18] =	vst v7  }
0x4d: {  	[hbm4b:s3+s4] =	stream.indirect_vreg.scatter [tilespmem:s0], [sflag:$0x6], $0x80, v4, vm0, $0xb8;
	[tilespmem:$0xD200] =	vst v63  }
0x4e: {  	_ = 	snop  }
0x4f: {  	[hbm4b:s3+s4] =	stream.indirect_vreg.scatter [tilespmem:s25], [sflag:$0x6], $0x80, v41, vm0, $0xb8;
	[tilespmem:$0xD200] =	vst v63  }
0x50: {  	v4 =	vld [tilespmem:$0x10];
	_ =	sdelay $0x4  }
0x51: {  	v41 =	vshll.u32 v4, $0x1  }
0x52: {  	v4 =	vand.u32 $0x7, v4;
	v41 =	vand.u32 $0xFFFFFFF0, v41  }
0x53: {  	v4 =	vor.u32 v4, v41  }
0x54: {  	v41 =	vperm.xlane v4, v36;
	_ =	sdelay $0x1  }
0x55: {  	v4 =	vperm.xlane v4, v39;
	v41 =	vadd.s32 v16, v41;
	_ =	sdelay $0x1  }
0x56: {  	v4 =	vadd.s32 v16, v4;
	_ =	sdelay $0x2  }
0x57: {  	[hbm4b:s3+s4] =	stream.indirect_vreg.scatter [tilespmem:s26], [sflag:$0x6], $0x80, v41, vm0, $0xb8;
	[tilespmem:$0xD200] =	vst v63  }
0x58: {  	_ = 	snop  }
0x59: {  	[hbm4b:s3+s4] =	stream.indirect_vreg.scatter [tilespmem:s30], [sflag:$0x6], $0x80, v4, vm0, $0xb8;
	[tilespmem:$0xD200] =	vst v63  }
0x5a: {  	v4 =	vld.msk [tilespmem:$0x20], $0xff;
	_ =	sdelay $0x4  }
0x5b: {  	v41 =	vshll.u32 v4, $0x1  }
0x5c: {  	v4 =	vand.u32 $0x7, v4;
	v41 =	vand.u32 $0xFFFFFFF0, v41  }
0x5d: {  	v4 =	vor.u32 v4, v41  }
0x5e: {  	v4 =	vperm.xlane v4, v36;
	_ =	sdelay $0x1  }
0x5f: {  	v4 =	vadd.s32 v16, v4;
	_ =	sdelay $0x1  }
0x60: {  	v7 =	vld [tilespmem:$0x1FE80];
	_ =	sdelay $0x2  }
0x61: {  	[hbm4b:s3+s4] =	stream.indirect_vreg.scatter [tilespmem:s31], [sflag:$0x6], $0x80, v4, vm0, $0xb8;
	v4 =	vld [tilespmem:$0x1FEA0]  }
0x62: {  	v41 =	vperm.xlane v8, v36  }
0x63: {  	[tilespmem:$0x90] =	vst v7;
	v7 =	vld [tilespmem:$0x1FE90]  }
0x64: {  	v43 =	vperm.xlane v8, v39;
	v41 =	vadd.s32 v16, v41;
	_ =	sdelay $0x1  }
0x65: {  	[tilespmem:$0x80] =	vst v4;
	v4 =	vadd.s32 v16, v43;
	_ =	sdelay $0x1  }
0x66: {  	[tilespmem:$0x98] =	vst v7  }
0x67: {  	[hbm4b:s3+s4] =	stream.indirect_vreg.scatter [tilespmem:s0], [sflag:$0x6], $0x80, v41, vm0, $0xb8;
	[tilespmem:$0xD200] =	vst v63  }
0x68: {  	_ = 	snop  }
0x69: {  	[hbm4b:s3+s4] =	stream.indirect_vreg.scatter [tilespmem:s25], [sflag:$0x6], $0x80, v4, vm0, $0xb8;
	[tilespmem:$0xD200] =	vst v63  }
0x6a: {  	v4 =	vld [tilespmem:$0x90];
	_ =	sdelay $0x4  }
0x6b: {  	v41 =	vshll.u32 v4, $0x1  }
0x6c: {  	v4 =	vand.u32 $0x7, v4;
	v41 =	vand.u32 $0xFFFFFFF0, v41  }
0x6d: {  	v4 =	vor.u32 v4, v41  }
0x6e: {  	v41 =	vperm.xlane v4, v36;
	_ =	sdelay $0x1  }
0x6f: {  	v4 =	vperm.xlane v4, v39;
	v41 =	vadd.s32 v16, v41;
	_ =	sdelay $0x1  }
0x70: {  	v4 =	vadd.s32 v16, v4;
	_ =	sdelay $0x2  }
0x71: {  	[hbm4b:s3+s4] =	stream.indirect_vreg.scatter [tilespmem:s26], [sflag:$0x6], $0x80, v41, vm0, $0xb8;
	[tilespmem:$0xD200] =	vst v63  }
0x72: {  	_ = 	snop  }
0x73: {  	[hbm4b:s3+s4] =	stream.indirect_vreg.scatter [tilespmem:s30], [sflag:$0x6], $0x80, v4, vm0, $0xb8;
	[tilespmem:$0xD200] =	vst v63  }
0x74: {  	v4 =	vld.msk [tilespmem:$0xA0], $0xff;
	_ =	sdelay $0x4  }
0x75: {  	v41 =	vshll.u32 v4, $0x1  }
0x76: {  	v4 =	vand.u32 $0x7, v4;
	v41 =	vand.u32 $0xFFFFFFF0, v41  }
0x77: {  	v4 =	vor.u32 v4, v41  }
0x78: {  	v4 =	vperm.xlane v4, v36;
	_ =	sdelay $0x1  }
0x79: {  	v4 =	vadd.s32 v16, v4;
	_ =	sdelay $0x1  }
0x7a: {  	v7 =	vld [tilespmem:$0x1FEB0];
	_ =	sdelay $0x2  }
0x7b: {  	[hbm4b:s3+s4] =	stream.indirect_vreg.scatter [tilespmem:s31], [sflag:$0x6], $0x80, v4, vm0, $0xb8;
	v4 =	vld [tilespmem:$0x1FEC0]  }
0x7c: {  	v41 =	vperm.xlane v12, v36  }
0x7d: {  	[tilespmem:$0x110] =	vst v7;
	v7 =	vld [tilespmem:$0x1FED0]  }
0x7e: {  	v43 =	vperm.xlane v12, v39;
	v41 =	vadd.s32 v16, v41;
	_ =	sdelay $0x1  }
0x7f: {  	[tilespmem:$0x100] =	vst v4;
	v4 =	vadd.s32 v16, v43;
	_ =	sdelay $0x1  }
0x80: {  	[tilespmem:$0x118] =	vst v7  }
0x81: {  	[hbm4b:s3+s4] =	stream.indirect_vreg.scatter [tilespmem:s0], [sflag:$0x6], $0x80, v41, vm0, $0xb8;
	[tilespmem:$0xD200] =	vst v63  }
0x82: {  	_ = 	snop  }
0x83: {  	[hbm4b:s3+s4] =	stream.indirect_vreg.scatter [tilespmem:s25], [sflag:$0x6], $0x80, v4, vm0, $0xb8;
	[tilespmem:$0xD200] =	vst v63  }
0x84: {  	v4 =	vld [tilespmem:$0x110];
	_ =	sdelay $0x4  }
0x85: {  	v41 =	vshll.u32 v4, $0x1  }
0x86: {  	v4 =	vand.u32 $0x7, v4;
	v41 =	vand.u32 $0xFFFFFFF0, v41  }
0x87: {  	v4 =	vor.u32 v4, v41  }
0x88: {  	v41 =	vperm.xlane v4, v36;
	_ =	sdelay $0x1  }
0x89: {  	v4 =	vperm.xlane v4, v39;
	v41 =	vadd.s32 v16, v41;
	_ =	sdelay $0x1  }
0x8a: {  	v4 =	vadd.s32 v16, v4;
	_ =	sdelay $0x2  }
0x8b: {  	[hbm4b:s3+s4] =	stream.indirect_vreg.scatter [tilespmem:s26], [sflag:$0x6], $0x80, v41, vm0, $0xb8;
	[tilespmem:$0xD200] =	vst v63  }
0x8c: {  	_ = 	snop  }
0x8d: {  	[hbm4b:s3+s4] =	stream.indirect_vreg.scatter [tilespmem:s30], [sflag:$0x6], $0x80, v4, vm0, $0xb8;
	[tilespmem:$0xD200] =	vst v63  }
0x8e: {  	v4 =	vld.msk [tilespmem:$0x120], $0xff;
	_ =	sdelay $0x4  }
0x8f: {  	v41 =	vshll.u32 v4, $0x1  }
0x90: {  	v4 =	vand.u32 $0x7, v4;
	v41 =	vand.u32 $0xFFFFFFF0, v41  }
0x91: {  	v4 =	vor.u32 v4, v41  }
0x92: {  	v4 =	vperm.xlane v4, v36;
	_ =	sdelay $0x1  }
0x93: {  	v4 =	vadd.s32 v16, v4  }
0x94: {  	v7 =	vld [tilespmem:$0x1FEE0];
	_ =	sdelay $0x3  }
0x95: {  	v41 =	vperm.xlane v15, v36;
	[hbm4b:s3+s4] =	stream.indirect_vreg.scatter [tilespmem:s31], [sflag:$0x6], $0x80, v4, vm0, $0xb8;
	[tilespmem:$0xD200] =	vst v63  }
0x96: {  	[tilespmem:$0x190] =	vst v7;
	v7 =	vld [tilespmem:$0x1FEF0]  }
0x97: {  	v43 =	vperm.xlane v15, v39;
	v41 =	vadd.s32 v16, v41;
	_ =	sdelay $0x1  }
0x98: {  	v4 =	vadd.s32 v16, v43  }
0x99: {  	[tilespmem:$0x180] =	vst v10  }
0x9a: {  	[tilespmem:$0x198] =	vst v7  }
0x9b: {  	[hbm4b:s3+s4] =	stream.indirect_vreg.scatter [tilespmem:s0], [sflag:$0x6], $0x80, v41, vm0, $0xb8;
	[tilespmem:$0xD200] =	vst v63  }
0x9c: {  	_ = 	snop  }
0x9d: {  	[hbm4b:s3+s4] =	stream.indirect_vreg.scatter [tilespmem:s25], [sflag:$0x6], $0x80, v4, vm0, $0xb8;
	[tilespmem:$0xD200] =	vst v63  }
0x9e: {  	v4 =	vld [tilespmem:$0x190];
	_ =	sdelay $0x4  }
0x9f: {  	v41 =	vshll.u32 v4, $0x1  }
0xa0: {  	v4 =	vand.u32 $0x7, v4;
	v41 =	vand.u32 $0xFFFFFFF0, v41  }
0xa1: {  	v4 =	vor.u32 v4, v41  }
0xa2: {  	v41 =	vperm.xlane v4, v36;
	_ =	sdelay $0x1  }
0xa3: {  	v4 =	vperm.xlane v4, v39;
	v41 =	vadd.s32 v16, v41;
	_ =	sdelay $0x1  }
0xa4: {  	v4 =	vadd.s32 v16, v4;
	_ =	sdelay $0x2  }
0xa5: {  	[hbm4b:s3+s4] =	stream.indirect_vreg.scatter [tilespmem:s26], [sflag:$0x6], $0x80, v41, vm0, $0xb8;
	[tilespmem:$0xD200] =	vst v63  }
0xa6: {  	_ = 	snop  }
0xa7: {  	[hbm4b:s3+s4] =	stream.indirect_vreg.scatter [tilespmem:s30], [sflag:$0x6], $0x80, v4, vm0, $0xb8;
	[tilespmem:$0xD200] =	vst v63  }
0xa8: {  	v4 =	vld.msk [tilespmem:$0x1A0], $0xff;
	_ =	sdelay $0x4  }
0xa9: {  	v41 =	vshll.u32 v4, $0x1  }
0xaa: {  	v4 =	vand.u32 $0x7, v4;
	v41 =	vand.u32 $0xFFFFFFF0, v41  }
0xab: {  	v4 =	vor.u32 v4, v41  }
0xac: {  	v4 =	vperm.xlane v4, v36;
	_ =	sdelay $0x1  }
0xad: {  	v4 =	vadd.s32 v16, v4;
	_ =	sdelay $0x4  }
0xae: {  	[hbm4b:s3+s4] =	stream.indirect_vreg.scatter [tilespmem:s31], [sflag:$0x6], $0x80, v4, vm0, $0xb8;
	[tilespmem:$0xD200] =	vst v63  }
0xaf: {  	s25 =	rddreg [dreg:$0x7];
	s26 =	simm.s32 $0x2  }
0xb0: {  	[tilespmem:s11], [sflag:$0x5] =	stream.linear.gather [hbm4b:s25+s4], $0x2800, $0x38;
	[tilespmem:$0xD200] =	vst v63  }
0xb1: {  	_ =	swait.ge [sflag:s26], $0x2800  }
0xb2: {  	v7 =	vld [tilespmem:$0x1FF00];
	_ =	sdelay $0x2  }
0xb3: {  	[sflag:s26] =	ssyncset.done $0x0  }
0xb4: {  	v4 =	vperm.xlane v29, v36;
	[sflag:s26] =	ssyncadd.s32 $0xFFFFD800  }
0xb5: {  	[tilespmem:$0x210] =	vst v7;
	v7 =	vld [tilespmem:$0x1FF10]  }
0xb6: {  	v41 =	vperm.xlane v29, v39;
	v4 =	vadd.s32 v16, v4;
	_ =	sdelay $0x1  }
0xb7: {  	v41 =	vadd.s32 v16, v41  }
0xb8: {  	[tilespmem:$0x200] =	vst v44  }
0xb9: {  	[tilespmem:$0x218] =	vst v7  }
0xba: {  	[hbm4b:s3+s4] =	stream.indirect_vreg.scatter [tilespmem:s15], [sflag:$0x7], $0x80, v4, vm0, $0xb8;
	[tilespmem:$0xD200] =	vst v63  }
0xbb: {  	_ = 	snop  }
0xbc: {  	[hbm4b:s3+s4] =	stream.indirect_vreg.scatter [tilespmem:s8], [sflag:$0x7], $0x80, v41, vm0, $0xb8;
	[tilespmem:$0xD200] =	vst v63  }
0xbd: {  	v4 =	vld [tilespmem:$0x210];
	_ =	sdelay $0x4  }
0xbe: {  	v41 =	vshll.u32 v4, $0x1  }
0xbf: {  	v4 =	vand.u32 $0x7, v4;
	v41 =	vand.u32 $0xFFFFFFF0, v41  }
0xc0: {  	v4 =	vor.u32 v4, v41  }
0xc1: {  	v41 =	vperm.xlane v4, v36;
	_ =	sdelay $0x1  }
0xc2: {  	v4 =	vperm.xlane v4, v39;
	v41 =	vadd.s32 v16, v41;
	_ =	sdelay $0x1  }
0xc3: {  	v4 =	vadd.s32 v16, v4;
	_ =	sdelay $0x2  }
0xc4: {  	[hbm4b:s3+s4] =	stream.indirect_vreg.scatter [tilespmem:s9], [sflag:$0x7], $0x80, v41, vm0, $0xb8;
	[tilespmem:$0xD200] =	vst v63  }
0xc5: {  	_ = 	snop  }
0xc6: {  	[hbm4b:s3+s4] =	stream.indirect_vreg.scatter [tilespmem:s2], [sflag:$0x7], $0x80, v4, vm0, $0xb8;
	[tilespmem:$0xD200] =	vst v63  }
0xc7: {  	v4 =	vld.msk [tilespmem:$0x220], $0xff;
	_ =	sdelay $0x4  }
0xc8: {  	v41 =	vshll.u32 v4, $0x1  }
0xc9: {  	v4 =	vand.u32 $0x7, v4;
	v41 =	vand.u32 $0xFFFFFFF0, v41  }
0xca: {  	v4 =	vor.u32 v4, v41  }
0xcb: {  	v4 =	vperm.xlane v4, v36;
	_ =	sdelay $0x1  }
0xcc: {  	v4 =	vadd.s32 v16, v4  }
0xcd: {  	v7 =	vld [tilespmem:$0x1FF20];
	_ =	sdelay $0x3  }
0xce: {  	v41 =	vperm.xlane v23, v36;
	[hbm4b:s3+s4] =	stream.indirect_vreg.scatter [tilespmem:s10], [sflag:$0x7], $0x80, v4, vm0, $0xb8;
	[tilespmem:$0xD200] =	vst v63  }
0xcf: {  	[tilespmem:$0x290] =	vst v7;
	v7 =	vld [tilespmem:$0x1FF30]  }
0xd0: {  	v43 =	vperm.xlane v23, v39;
	v41 =	vadd.s32 v16, v41;
	_ =	sdelay $0x1  }
0xd1: {  	v4 =	vadd.s32 v16, v43  }
0xd2: {  	[tilespmem:$0x280] =	vst v19  }
0xd3: {  	[tilespmem:$0x298] =	vst v7  }
0xd4: {  	[hbm4b:s3+s4] =	stream.indirect_vreg.scatter [tilespmem:s15], [sflag:$0x7], $0x80, v41, vm0, $0xb8;
	[tilespmem:$0xD200] =	vst v63  }
0xd5: {  	_ = 	snop  }
0xd6: {  	[hbm4b:s3+s4] =	stream.indirect_vreg.scatter [tilespmem:s8], [sflag:$0x7], $0x80, v4, vm0, $0xb8;
	[tilespmem:$0xD200] =	vst v63  }
0xd7: {  	v4 =	vld [tilespmem:$0x290];
	_ =	sdelay $0x4  }
0xd8: {  	v41 =	vshll.u32 v4, $0x1  }
0xd9: {  	v4 =	vand.u32 $0x7, v4;
	v41 =	vand.u32 $0xFFFFFFF0, v41  }
0xda: {  	v4 =	vor.u32 v4, v41  }
0xdb: {  	v41 =	vperm.xlane v4, v36;
	_ =	sdelay $0x1  }
0xdc: {  	v4 =	vperm.xlane v4, v39;
	v41 =	vadd.s32 v16, v41;
	_ =	sdelay $0x1  }
0xdd: {  	v4 =	vadd.s32 v16, v4;
	_ =	sdelay $0x2  }
0xde: {  	[hbm4b:s3+s4] =	stream.indirect_vreg.scatter [tilespmem:s9], [sflag:$0x7], $0x80, v41, vm0, $0xb8;
	[tilespmem:$0xD200] =	vst v63  }
0xdf: {  	_ = 	snop  }
0xe0: {  	[hbm4b:s3+s4] =	stream.indirect_vreg.scatter [tilespmem:s2], [sflag:$0x7], $0x80, v4, vm0, $0xb8;
	[tilespmem:$0xD200] =	vst v63  }
0xe1: {  	v4 =	vld.msk [tilespmem:$0x2A0], $0xff;
	_ =	sdelay $0x4  }
0xe2: {  	v41 =	vshll.u32 v4, $0x1  }
0xe3: {  	v4 =	vand.u32 $0x7, v4;
	v41 =	vand.u32 $0xFFFFFFF0, v41  }
0xe4: {  	v4 =	vor.u32 v4, v41  }
0xe5: {  	v4 =	vperm.xlane v4, v36;
	_ =	sdelay $0x1  }
0xe6: {  	v4 =	vadd.s32 v16, v4  }
0xe7: {  	v7 =	vld [tilespmem:$0x1FF40];
	_ =	sdelay $0x3  }
0xe8: {  	v41 =	vperm.xlane v27, v36;
	[hbm4b:s3+s4] =	stream.indirect_vreg.scatter [tilespmem:s10], [sflag:$0x7], $0x80, v4, vm0, $0xb8;
	[tilespmem:$0xD200] =	vst v63  }
0xe9: {  	[tilespmem:$0x310] =	vst v7;
	v7 =	vld [tilespmem:$0x1FF50]  }
0xea: {  	v43 =	vperm.xlane v27, v39;
	v41 =	vadd.s32 v16, v41;
	_ =	sdelay $0x1  }
0xeb: {  	v4 =	vadd.s32 v16, v43  }
0xec: {  	[tilespmem:$0x300] =	vst v22  }
0xed: {  	[tilespmem:$0x318] =	vst v7  }
0xee: {  	[hbm4b:s3+s4] =	stream.indirect_vreg.scatter [tilespmem:s15], [sflag:$0x7], $0x80, v41, vm0, $0xb8;
	[tilespmem:$0xD200] =	vst v63  }
0xef: {  	_ = 	snop  }
0xf0: {  	[hbm4b:s3+s4] =	stream.indirect_vreg.scatter [tilespmem:s8], [sflag:$0x7], $0x80, v4, vm0, $0xb8;
	[tilespmem:$0xD200] =	vst v63  }
0xf1: {  	v4 =	vld [tilespmem:$0x310];
	_ =	sdelay $0x4  }
0xf2: {  	v41 =	vshll.u32 v4, $0x1  }
0xf3: {  	v4 =	vand.u32 $0x7, v4;
	v41 =	vand.u32 $0xFFFFFFF0, v41  }
0xf4: {  	v4 =	vor.u32 v4, v41  }
0xf5: {  	v41 =	vperm.xlane v4, v36;
	_ =	sdelay $0x1  }
0xf6: {  	v4 =	vperm.xlane v4, v39;
	v41 =	vadd.s32 v16, v41;
	_ =	sdelay $0x1  }
0xf7: {  	v4 =	vadd.s32 v16, v4;
	_ =	sdelay $0x2  }
0xf8: {  	[hbm4b:s3+s4] =	stream.indirect_vreg.scatter [tilespmem:s9], [sflag:$0x7], $0x80, v41, vm0, $0xb8;
	[tilespmem:$0xD200] =	vst v63  }
0xf9: {  	_ = 	snop  }
0xfa: {  	[hbm4b:s3+s4] =	stream.indirect_vreg.scatter [tilespmem:s2], [sflag:$0x7], $0x80, v4, vm0, $0xb8;
	[tilespmem:$0xD200] =	vst v63  }
0xfb: {  	v4 =	vld.msk [tilespmem:$0x320], $0xff;
	_ =	sdelay $0x4  }
0xfc: {  	v41 =	vshll.u32 v4, $0x1  }
0xfd: {  	v4 =	vand.u32 $0x7, v4;
	v41 =	vand.u32 $0xFFFFFFF0, v41  }
0xfe: {  	v4 =	vor.u32 v4, v41  }
0xff: {  	v4 =	vperm.xlane v4, v36;
	_ =	sdelay $0x1  }
0x100: {  	v4 =	vadd.s32 v16, v4  }
0x101: {  	v7 =	vld [tilespmem:$0x1FF60];
	_ =	sdelay $0x3  }
0x102: {  	v41 =	vperm.xlane v30, v36;
	[hbm4b:s3+s4] =	stream.indirect_vreg.scatter [tilespmem:s10], [sflag:$0x7], $0x80, v4, vm0, $0xb8;
	[tilespmem:$0xD200] =	vst v63  }
0x103: {  	[tilespmem:$0x390] =	vst v7;
	v7 =	vld [tilespmem:$0x1FF70]  }
0x104: {  	v43 =	vperm.xlane v30, v39;
	v41 =	vadd.s32 v16, v41;
	_ =	sdelay $0x1  }
0x105: {  	v4 =	vadd.s32 v16, v43  }
0x106: {  	[tilespmem:$0x380] =	vst v25  }
0x107: {  	[tilespmem:$0x398] =	vst v7  }
0x108: {  	[hbm4b:s3+s4] =	stream.indirect_vreg.scatter [tilespmem:s15], [sflag:$0x7], $0x80, v41, vm0, $0xb8;
	[tilespmem:$0xD200] =	vst v63  }
0x109: {  	_ = 	snop  }
0x10a: {  	[hbm4b:s3+s4] =	stream.indirect_vreg.scatter [tilespmem:s8], [sflag:$0x7], $0x80, v4, vm0, $0xb8;
	[tilespmem:$0xD200] =	vst v63  }
0x10b: {  	v4 =	vld [tilespmem:$0x390];
	_ =	sdelay $0x4  }
0x10c: {  	v41 =	vshll.u32 v4, $0x1  }
0x10d: {  	v4 =	vand.u32 $0x7, v4;
	v41 =	vand.u32 $0xFFFFFFF0, v41  }
0x10e: {  	v4 =	vor.u32 v4, v41  }
0x10f: {  	v41 =	vperm.xlane v4, v36;
	_ =	sdelay $0x1  }
0x110: {  	v4 =	vperm.xlane v4, v39;
	v41 =	vadd.s32 v16, v41;
	_ =	sdelay $0x1  }
0x111: {  	v4 =	vadd.s32 v16, v4;
	_ =	sdelay $0x2  }
0x112: {  	[hbm4b:s3+s4] =	stream.indirect_vreg.scatter [tilespmem:s9], [sflag:$0x7], $0x80, v41, vm0, $0xb8;
	[tilespmem:$0xD200] =	vst v63  }
0x113: {  	_ = 	snop  }
0x114: {  	[hbm4b:s3+s4] =	stream.indirect_vreg.scatter [tilespmem:s2], [sflag:$0x7], $0x80, v4, vm0, $0xb8;
	[tilespmem:$0xD200] =	vst v63  }
0x115: {  	v4 =	vld.msk [tilespmem:$0x3A0], $0xff;
	_ =	sdelay $0x4  }
0x116: {  	v41 =	vshll.u32 v4, $0x1  }
0x117: {  	v4 =	vand.u32 $0x7, v4;
	v41 =	vand.u32 $0xFFFFFFF0, v41  }
0x118: {  	v4 =	vor.u32 v4, v41  }
0x119: {  	v4 =	vperm.xlane v4, v36;
	_ =	sdelay $0x1  }
0x11a: {  	v4 =	vadd.s32 v16, v4;
	_ =	sdelay $0x1  }
0x11b: {  	s14 =	simm.s32 $0xA00;
	s19 =	simm.s32 $0x0;
	s7 =	simm.s32 $0x7200  }
0x11c: {  	s30 =	simm.s32 $0x1A00;
	s31 =	simm.s32 $0x2200;
	s11 =	simm.s32 $0x5200  }
0x11d: {  	s18 =	rddreg [dreg:$0x9];
	s26 =	simm.s32 $0x1200;
	s8 =	simm.s32 $0x3A00  }
0x11e: {  	[hbm4b:s3+s4] =	stream.indirect_vreg.scatter [tilespmem:s10], [sflag:$0x7], $0x80, v4, vm0, $0xb8;
	[tilespmem:$0xD200] =	vst v63  }
0x11f: {  	s9 =	simm.s32 $0x4200;
	s2 =	simm.s32 $0x2A00;
	s10 =	simm.s32 $0x4A00  }
.LBB2_2:
0x120: {  	_ =	swait.ge [sflag:s28], $0x2800  }
0x121: {  	[sflag:s28] =	ssyncset.done $0x0  }
0x122: {  	[sflag:s28] =	ssyncadd.s32 $0xFFFFD800  }
0x123: {  	_ =	swait.ge [sflag:s28], $0x2800  }
0x124: {  	[sflag:s28] =	ssyncset.done $0x0  }
0x125: {  	[sflag:s28] =	ssyncadd.s32 $0xFFFFD800  }
0x126: {  	s20 =	sadd.s32 s19, s23;
	_ =	swait.ge [sflag:s28], $0x2800  }
0x127: {  	s5 =	sadd.s32 $0x140, s20;
	[sflag:s28] =	ssyncset.done $0x0  }
0x128: {  	v4 =	vadd.s32 s5, v1;
	[sflag:s28] =	ssyncadd.s32 $0xFFFFD800  }
0x129: {  	v41 =	vshll.u32 v4, $0x1;
	_ =	swait.ge [sflag:s28], $0x2800  }
0x12a: {  	v41 =	vand.u32 $0xFFFFFFF0, v41;
	[sflag:s28] =	ssyncset.done $0x0  }
0x12b: {  	s13 =	sadd.s32 $0xFFFFEC00, s18;
	s0 =	simm.s32 $0x3;
	v41 =	vor.u32 v21, v41;
	[sflag:s28] =	ssyncadd.s32 $0xFFFFD800  }
0x12c: {  	v43 =	vperm.xlane v41, v36;
	[tilespmem:s14], [sflag:$0x1] =	stream.linear.gather [hbm4b:s13+s4], $0x2800, $0x38;
	[tilespmem:$0xD200] =	vst v63  }
0x12d: {  	_ =	swait.ge [sflag:s0], $0x2800  }
0x12e: {  	v41 =	vperm.xlane v41, v39;
	v43 =	vadd.s32 v16, v43;
	[sflag:s0] =	ssyncset.done $0x0  }
0x12f: {  	s16 =	sadd.s32 $0x180, s20;
	[sflag:s0] =	ssyncadd.s32 $0xFFFFD800  }
0x130: {  	s25 =	sadd.s32 $0x1A0, s20;
	v41 =	vadd.s32 v16, v41;
	[tilespmem:$0x400] =	vst v4;
	v4 =	vadd.s32 s16, v1  }
0x131: {  	[tilespmem:$0x410] =	vst v4;
	v4 =	vadd.s32 s25, v1  }
0x132: {  	s16 =	simm.s32 $0x5A00;
	[tilespmem:$0x418] =	vst v4  }
0x133: {  	[hbm4b:s3+s4] =	stream.indirect_vreg.scatter [tilespmem:s16], [sflag:$0x8], $0x80, v43, vm0, $0xb8;
	[tilespmem:$0xD200] =	vst v63  }
0x134: {  	_ = 	snop  }
0x135: {  	[hbm4b:s3+s4] =	stream.indirect_vreg.scatter [tilespmem:s22], [sflag:$0x8], $0x80, v41, vm0, $0xb8;
	[tilespmem:$0xD200] =	vst v63  }
0x136: {  	v4 =	vld [tilespmem:$0x410];
	_ =	sdelay $0x4  }
0x137: {  	v41 =	vshll.u32 v4, $0x1  }
0x138: {  	v4 =	vand.u32 $0x7, v4;
	v41 =	vand.u32 $0xFFFFFFF0, v41  }
0x139: {  	v4 =	vor.u32 v4, v41  }
0x13a: {  	v41 =	vperm.xlane v4, v36;
	_ =	sdelay $0x1  }
0x13b: {  	v4 =	vperm.xlane v4, v39;
	v41 =	vadd.s32 v16, v41;
	_ =	sdelay $0x1  }
0x13c: {  	v4 =	vadd.s32 v16, v4;
	_ =	sdelay $0x2  }
0x13d: {  	[hbm4b:s3+s4] =	stream.indirect_vreg.scatter [tilespmem:s29], [sflag:$0x8], $0x80, v41, vm0, $0xb8;
	[tilespmem:$0xD200] =	vst v63  }
0x13e: {  	_ = 	snop  }
0x13f: {  	[hbm4b:s3+s4] =	stream.indirect_vreg.scatter [tilespmem:s7], [sflag:$0x8], $0x80, v4, vm0, $0xb8;
	[tilespmem:$0xD200] =	vst v63  }
0x140: {  	v4 =	vld.msk [tilespmem:$0x420], $0xff;
	_ =	sdelay $0x4  }
0x141: {  	v41 =	vshll.u32 v4, $0x1  }
0x142: {  	v4 =	vand.u32 $0x7, v4;
	v41 =	vand.u32 $0xFFFFFFF0, v41  }
0x143: {  	v4 =	vor.u32 v4, v41  }
0x144: {  	s0 =	sadd.s32 $0x141, s20;
	v4 =	vperm.xlane v4, v36  }
0x145: {  	v41 =	vadd.s32 s0, v1  }
0x146: {  	v43 =	vshll.u32 v41, $0x1;
	v4 =	vadd.s32 v16, v4  }
0x147: {  	v7 =	vand.u32 $0x7, v41;
	v43 =	vand.u32 $0xFFFFFFF0, v43  }
0x148: {  	v7 =	vor.u32 v7, v43  }
0x149: {  	v43 =	vperm.xlane v7, v36  }
0x14a: {  	s0 =	simm.s32 $0x7A00  }
0x14b: {  	v7 =	vperm.xlane v7, v39;
	[hbm4b:s3+s4] =	stream.indirect_vreg.scatter [tilespmem:s0], [sflag:$0x8], $0x80, v4, vm0, $0xb8;
	v4 =	vadd.s32 v16, v43;
	[tilespmem:$0xD200] =	vst v63  }
0x14c: {  	s5 =	sadd.s32 $0x181, s20  }
0x14d: {  	s13 =	sadd.s32 $0x1A1, s20;
	v7 =	vadd.s32 v16, v7;
	[tilespmem:$0x480] =	vst v41;
	v41 =	vadd.s32 s5, v1  }
0x14e: {  	[tilespmem:$0x490] =	vst v41;
	v41 =	vadd.s32 s13, v1  }
0x14f: {  	[tilespmem:$0x498] =	vst v41  }
0x150: {  	[hbm4b:s3+s4] =	stream.indirect_vreg.scatter [tilespmem:s16], [sflag:$0x8], $0x80, v4, vm0, $0xb8;
	[tilespmem:$0xD200] =	vst v63  }
0x151: {  	_ = 	snop  }
0x152: {  	[hbm4b:s3+s4] =	stream.indirect_vreg.scatter [tilespmem:s22], [sflag:$0x8], $0x80, v7, vm0, $0xb8;
	[tilespmem:$0xD200] =	vst v63  }
0x153: {  	v4 =	vld [tilespmem:$0x490];
	_ =	sdelay $0x4  }
0x154: {  	v7 =	vshll.u32 v4, $0x1  }
0x155: {  	v4 =	vand.u32 $0x7, v4;
	v7 =	vand.u32 $0xFFFFFFF0, v7  }
0x156: {  	v4 =	vor.u32 v4, v7  }
0x157: {  	v7 =	vperm.xlane v4, v36;
	_ =	sdelay $0x1  }
0x158: {  	v4 =	vperm.xlane v4, v39;
	v7 =	vadd.s32 v16, v7;
	_ =	sdelay $0x1  }
0x159: {  	v4 =	vadd.s32 v16, v4;
	_ =	sdelay $0x2  }
0x15a: {  	[hbm4b:s3+s4] =	stream.indirect_vreg.scatter [tilespmem:s29], [sflag:$0x8], $0x80, v7, vm0, $0xb8;
	[tilespmem:$0xD200] =	vst v63  }
0x15b: {  	_ = 	snop  }
0x15c: {  	[hbm4b:s3+s4] =	stream.indirect_vreg.scatter [tilespmem:s7], [sflag:$0x8], $0x80, v4, vm0, $0xb8;
	[tilespmem:$0xD200] =	vst v63  }
0x15d: {  	v4 =	vld.msk [tilespmem:$0x4A0], $0xff;
	_ =	sdelay $0x4  }
0x15e: {  	v7 =	vshll.u32 v4, $0x1  }
0x15f: {  	v4 =	vand.u32 $0x7, v4;
	v7 =	vand.u32 $0xFFFFFFF0, v7  }
0x160: {  	v4 =	vor.u32 v4, v7  }
0x161: {  	s25 =	sadd.s32 $0x142, s20;
	v4 =	vperm.xlane v4, v36  }
0x162: {  	v7 =	vadd.s32 s25, v1  }
0x163: {  	v41 =	vshll.u32 v7, $0x1;
	v4 =	vadd.s32 v16, v4  }
0x164: {  	v43 =	vand.u32 $0x7, v7;
	v41 =	vand.u32 $0xFFFFFFF0, v41  }
0x165: {  	v41 =	vor.u32 v43, v41  }
0x166: {  	v43 =	vperm.xlane v41, v36;
	_ =	sdelay $0x1  }
0x167: {  	v41 =	vperm.xlane v41, v39;
	[hbm4b:s3+s4] =	stream.indirect_vreg.scatter [tilespmem:s0], [sflag:$0x8], $0x80, v4, vm0, $0xb8;
	v4 =	vadd.s32 v16, v43;
	[tilespmem:$0xD200] =	vst v63  }
0x168: {  	s5 =	sadd.s32 $0x182, s20  }
0x169: {  	s13 =	sadd.s32 $0x1A2, s20;
	v41 =	vadd.s32 v16, v41;
	[tilespmem:$0x500] =	vst v7;
	v7 =	vadd.s32 s5, v1  }
0x16a: {  	[tilespmem:$0x510] =	vst v7;
	v7 =	vadd.s32 s13, v1  }
0x16b: {  	[tilespmem:$0x518] =	vst v7  }
0x16c: {  	[hbm4b:s3+s4] =	stream.indirect_vreg.scatter [tilespmem:s16], [sflag:$0x8], $0x80, v4, vm0, $0xb8;
	[tilespmem:$0xD200] =	vst v63  }
0x16d: {  	_ = 	snop  }
0x16e: {  	[hbm4b:s3+s4] =	stream.indirect_vreg.scatter [tilespmem:s22], [sflag:$0x8], $0x80, v41, vm0, $0xb8;
	[tilespmem:$0xD200] =	vst v63  }
0x16f: {  	v4 =	vld [tilespmem:$0x510];
	_ =	sdelay $0x4  }
0x170: {  	v7 =	vshll.u32 v4, $0x1  }
0x171: {  	v4 =	vand.u32 $0x7, v4;
	v7 =	vand.u32 $0xFFFFFFF0, v7  }
0x172: {  	v4 =	vor.u32 v4, v7  }
0x173: {  	v7 =	vperm.xlane v4, v36;
	_ =	sdelay $0x1  }
0x174: {  	v4 =	vperm.xlane v4, v39;
	v7 =	vadd.s32 v16, v7;
	_ =	sdelay $0x1  }
0x175: {  	v4 =	vadd.s32 v16, v4;
	_ =	sdelay $0x2  }
0x176: {  	[hbm4b:s3+s4] =	stream.indirect_vreg.scatter [tilespmem:s29], [sflag:$0x8], $0x80, v7, vm0, $0xb8;
	[tilespmem:$0xD200] =	vst v63  }
0x177: {  	_ = 	snop  }
0x178: {  	[hbm4b:s3+s4] =	stream.indirect_vreg.scatter [tilespmem:s7], [sflag:$0x8], $0x80, v4, vm0, $0xb8;
	[tilespmem:$0xD200] =	vst v63  }
0x179: {  	v4 =	vld.msk [tilespmem:$0x520], $0xff;
	_ =	sdelay $0x4  }
0x17a: {  	v7 =	vshll.u32 v4, $0x1  }
0x17b: {  	v4 =	vand.u32 $0x7, v4;
	v7 =	vand.u32 $0xFFFFFFF0, v7  }
0x17c: {  	v4 =	vor.u32 v4, v7  }
0x17d: {  	s25 =	sadd.s32 $0x143, s20;
	v4 =	vperm.xlane v4, v36  }
0x17e: {  	v7 =	vadd.s32 s25, v1  }
0x17f: {  	v41 =	vshll.u32 v7, $0x1;
	v4 =	vadd.s32 v16, v4  }
0x180: {  	v43 =	vand.u32 $0x7, v7;
	v41 =	vand.u32 $0xFFFFFFF0, v41  }
0x181: {  	v41 =	vor.u32 v43, v41  }
0x182: {  	v43 =	vperm.xlane v41, v36;
	_ =	sdelay $0x1  }
0x183: {  	v41 =	vperm.xlane v41, v39;
	[hbm4b:s3+s4] =	stream.indirect_vreg.scatter [tilespmem:s0], [sflag:$0x8], $0x80, v4, vm0, $0xb8;
	v4 =	vadd.s32 v16, v43;
	[tilespmem:$0xD200] =	vst v63  }
0x184: {  	s5 =	sadd.s32 $0x183, s20  }
0x185: {  	s13 =	sadd.s32 $0x1A3, s20;
	v41 =	vadd.s32 v16, v41;
	[tilespmem:$0x580] =	vst v7;
	v7 =	vadd.s32 s5, v1  }
0x186: {  	[tilespmem:$0x590] =	vst v7;
	v7 =	vadd.s32 s13, v1  }
0x187: {  	[tilespmem:$0x598] =	vst v7  }
0x188: {  	[hbm4b:s3+s4] =	stream.indirect_vreg.scatter [tilespmem:s16], [sflag:$0x8], $0x80, v4, vm0, $0xb8;
	[tilespmem:$0xD200] =	vst v63  }
0x189: {  	_ = 	snop  }
0x18a: {  	[hbm4b:s3+s4] =	stream.indirect_vreg.scatter [tilespmem:s22], [sflag:$0x8], $0x80, v41, vm0, $0xb8;
	[tilespmem:$0xD200] =	vst v63  }
0x18b: {  	v4 =	vld [tilespmem:$0x590];
	_ =	sdelay $0x4  }
0x18c: {  	v7 =	vshll.u32 v4, $0x1  }
0x18d: {  	v4 =	vand.u32 $0x7, v4;
	v7 =	vand.u32 $0xFFFFFFF0, v7  }
0x18e: {  	v4 =	vor.u32 v4, v7  }
0x18f: {  	v7 =	vperm.xlane v4, v36;
	_ =	sdelay $0x1  }
0x190: {  	v4 =	vperm.xlane v4, v39;
	v7 =	vadd.s32 v16, v7;
	_ =	sdelay $0x1  }
0x191: {  	v4 =	vadd.s32 v16, v4;
	_ =	sdelay $0x2  }
0x192: {  	[hbm4b:s3+s4] =	stream.indirect_vreg.scatter [tilespmem:s29], [sflag:$0x8], $0x80, v7, vm0, $0xb8;
	[tilespmem:$0xD200] =	vst v63  }
0x193: {  	_ = 	snop  }
0x194: {  	[hbm4b:s3+s4] =	stream.indirect_vreg.scatter [tilespmem:s7], [sflag:$0x8], $0x80, v4, vm0, $0xb8;
	[tilespmem:$0xD200] =	vst v63  }
0x195: {  	v4 =	vld.msk [tilespmem:$0x5A0], $0xff;
	_ =	sdelay $0x4  }
0x196: {  	v7 =	vshll.u32 v4, $0x1  }
0x197: {  	v4 =	vand.u32 $0x7, v4;
	v7 =	vand.u32 $0xFFFFFFF0, v7  }
0x198: {  	v4 =	vor.u32 v4, v7  }
0x199: {  	v4 =	vperm.xlane v4, v36;
	_ =	sdelay $0x1  }
0x19a: {  	v4 =	vadd.s32 v16, v4;
	_ =	sdelay $0x4  }
0x19b: {  	[hbm4b:s3+s4] =	stream.indirect_vreg.scatter [tilespmem:s0], [sflag:$0x8], $0x80, v4, vm0, $0xb8;
	[tilespmem:$0xD200] =	vst v63  }
0x19c: {  	_ =	swait.ge [sflag:s6], $0x2800  }
0x19d: {  	[sflag:s6] =	ssyncset.done $0x0  }
0x19e: {  	[sflag:s6] =	ssyncadd.s32 $0xFFFFD800  }
0x19f: {  	_ =	swait.ge [sflag:s6], $0x2800  }
0x1a0: {  	[sflag:s6] =	ssyncset.done $0x0  }
0x1a1: {  	[sflag:s6] =	ssyncadd.s32 $0xFFFFD800  }
0x1a2: {  	_ =	swait.ge [sflag:s6], $0x2800  }
0x1a3: {  	s25 =	sadd.s32 $0x1E0, s20;
	[sflag:s6] =	ssyncset.done $0x0  }
0x1a4: {  	v4 =	vadd.s32 s25, v1;
	[sflag:s6] =	ssyncadd.s32 $0xFFFFD800  }
0x1a5: {  	v7 =	vshll.u32 v4, $0x1;
	_ =	swait.ge [sflag:s6], $0x2800  }
0x1a6: {  	v7 =	vand.u32 $0xFFFFFFF0, v7;
	[sflag:s6] =	ssyncset.done $0x0  }
0x1a7: {  	s5 =	simm.s32 $0x4;
	s0 =	sadd.s32 $0xFFFFF100, s18;
	v7 =	vor.u32 v21, v7;
	[sflag:s6] =	ssyncadd.s32 $0xFFFFD800  }
0x1a8: {  	v41 =	vperm.xlane v7, v36;
	[tilespmem:s15], [sflag:$0x2] =	stream.linear.gather [hbm4b:s0+s4], $0x2800, $0x38;
	[tilespmem:$0xD200] =	vst v63  }
0x1a9: {  	_ =	swait.ge [sflag:s5], $0x2800  }
0x1aa: {  	v7 =	vperm.xlane v7, v39;
	v41 =	vadd.s32 v16, v41;
	[sflag:s5] =	ssyncset.done $0x0  }
0x1ab: {  	s13 =	sadd.s32 $0x220, s20;
	[sflag:s5] =	ssyncadd.s32 $0xFFFFD800  }
0x1ac: {  	s25 =	sadd.s32 $0x240, s20;
	v7 =	vadd.s32 v16, v7;
	[tilespmem:$0x600] =	vst v4;
	v4 =	vadd.s32 s13, v1  }
0x1ad: {  	[tilespmem:$0x610] =	vst v4;
	v4 =	vadd.s32 s25, v1  }
0x1ae: {  	[tilespmem:$0x618] =	vst v4  }
0x1af: {  	[hbm4b:s3+s4] =	stream.indirect_vreg.scatter [tilespmem:s21], [sflag:$0x9], $0x80, v41, vm0, $0xb8;
	[tilespmem:$0xD200] =	vst v63  }
0x1b0: {  	s25 =	simm.s32 $0x8A00  }
0x1b1: {  	[hbm4b:s3+s4] =	stream.indirect_vreg.scatter [tilespmem:s25], [sflag:$0x9], $0x80, v7, vm0, $0xb8;
	[tilespmem:$0xD200] =	vst v63  }
0x1b2: {  	v4 =	vld [tilespmem:$0x610];
	_ =	sdelay $0x4  }
0x1b3: {  	v7 =	vshll.u32 v4, $0x1  }
0x1b4: {  	v4 =	vand.u32 $0x7, v4;
	v7 =	vand.u32 $0xFFFFFFF0, v7  }
0x1b5: {  	v4 =	vor.u32 v4, v7  }
0x1b6: {  	v7 =	vperm.xlane v4, v36;
	_ =	sdelay $0x1  }
0x1b7: {  	v4 =	vperm.xlane v4, v39;
	v7 =	vadd.s32 v16, v7;
	_ =	sdelay $0x1  }
0x1b8: {  	v4 =	vadd.s32 v16, v4;
	_ =	sdelay $0x1  }
0x1b9: {  	s13 =	simm.s32 $0x9200  }
0x1ba: {  	[hbm4b:s3+s4] =	stream.indirect_vreg.scatter [tilespmem:s13], [sflag:$0x9], $0x80, v7, vm0, $0xb8;
	[tilespmem:$0xD200] =	vst v63  }
0x1bb: {  	s5 =	simm.s32 $0x9A00  }
0x1bc: {  	[hbm4b:s3+s4] =	stream.indirect_vreg.scatter [tilespmem:s5], [sflag:$0x9], $0x80, v4, vm0, $0xb8;
	[tilespmem:$0xD200] =	vst v63  }
0x1bd: {  	v4 =	vld.msk [tilespmem:$0x620], $0xff;
	_ =	sdelay $0x4  }
0x1be: {  	v7 =	vshll.u32 v4, $0x1  }
0x1bf: {  	v4 =	vand.u32 $0x7, v4;
	v7 =	vand.u32 $0xFFFFFFF0, v7  }
0x1c0: {  	v4 =	vor.u32 v4, v7  }
0x1c1: {  	s0 =	sadd.s32 $0x1E1, s20;
	v4 =	vperm.xlane v4, v36  }
0x1c2: {  	v7 =	vadd.s32 s0, v1  }
0x1c3: {  	v41 =	vshll.u32 v7, $0x1;
	v4 =	vadd.s32 v16, v4  }
0x1c4: {  	v43 =	vand.u32 $0x7, v7;
	v41 =	vand.u32 $0xFFFFFFF0, v41  }
0x1c5: {  	v41 =	vor.u32 v43, v41  }
0x1c6: {  	v43 =	vperm.xlane v41, v36  }
0x1c7: {  	s0 =	simm.s32 $0xA200  }
0x1c8: {  	v41 =	vperm.xlane v41, v39;
	[hbm4b:s3+s4] =	stream.indirect_vreg.scatter [tilespmem:s0], [sflag:$0x9], $0x80, v4, vm0, $0xb8;
	v4 =	vadd.s32 v16, v43;
	[tilespmem:$0xD200] =	vst v63  }
0x1c9: {  	s24 =	smov.u32 s23;
	s23 =	sadd.s32 $0x221, s20  }
0x1ca: {  	v41 =	vadd.s32 v16, v41;
	[tilespmem:$0x680] =	vst v7;
	v7 =	vadd.s32 s23, v1;
	s23 =	sadd.s32 $0x241, s20  }
0x1cb: {  	[tilespmem:$0x690] =	vst v7;
	v7 =	vadd.s32 s23, v1  }
0x1cc: {  	[tilespmem:$0x698] =	vst v7  }
0x1cd: {  	[hbm4b:s3+s4] =	stream.indirect_vreg.scatter [tilespmem:s21], [sflag:$0x9], $0x80, v4, vm0, $0xb8;
	[tilespmem:$0xD200] =	vst v63  }
0x1ce: {  	_ = 	snop  }
0x1cf: {  	[hbm4b:s3+s4] =	stream.indirect_vreg.scatter [tilespmem:s25], [sflag:$0x9], $0x80, v41, vm0, $0xb8;
	[tilespmem:$0xD200] =	vst v63  }
0x1d0: {  	v4 =	vld [tilespmem:$0x690];
	_ =	sdelay $0x4  }
0x1d1: {  	v7 =	vshll.u32 v4, $0x1  }
0x1d2: {  	v4 =	vand.u32 $0x7, v4;
	v7 =	vand.u32 $0xFFFFFFF0, v7  }
0x1d3: {  	v4 =	vor.u32 v4, v7  }
0x1d4: {  	v7 =	vperm.xlane v4, v36;
	_ =	sdelay $0x1  }
0x1d5: {  	v4 =	vperm.xlane v4, v39;
	v7 =	vadd.s32 v16, v7;
	_ =	sdelay $0x1  }
0x1d6: {  	v4 =	vadd.s32 v16, v4;
	_ =	sdelay $0x2  }
0x1d7: {  	[hbm4b:s3+s4] =	stream.indirect_vreg.scatter [tilespmem:s13], [sflag:$0x9], $0x80, v7, vm0, $0xb8;
	[tilespmem:$0xD200] =	vst v63  }
0x1d8: {  	_ = 	snop  }
0x1d9: {  	[hbm4b:s3+s4] =	stream.indirect_vreg.scatter [tilespmem:s5], [sflag:$0x9], $0x80, v4, vm0, $0xb8;
	[tilespmem:$0xD200] =	vst v63  }
0x1da: {  	v4 =	vld.msk [tilespmem:$0x6A0], $0xff;
	_ =	sdelay $0x4  }
0x1db: {  	v7 =	vshll.u32 v4, $0x1  }
0x1dc: {  	v4 =	vand.u32 $0x7, v4;
	v7 =	vand.u32 $0xFFFFFFF0, v7  }
0x1dd: {  	v4 =	vor.u32 v4, v7  }
0x1de: {  	s23 =	sadd.s32 $0x1E2, s20;
	v4 =	vperm.xlane v4, v36  }
0x1df: {  	v7 =	vadd.s32 s23, v1  }
0x1e0: {  	v41 =	vshll.u32 v7, $0x1;
	v4 =	vadd.s32 v16, v4  }
0x1e1: {  	v43 =	vand.u32 $0x7, v7;
	v41 =	vand.u32 $0xFFFFFFF0, v41  }
0x1e2: {  	v41 =	vor.u32 v43, v41  }
0x1e3: {  	v43 =	vperm.xlane v41, v36;
	_ =	sdelay $0x1  }
0x1e4: {  	v41 =	vperm.xlane v41, v39;
	[hbm4b:s3+s4] =	stream.indirect_vreg.scatter [tilespmem:s0], [sflag:$0x9], $0x80, v4, vm0, $0xb8;
	v4 =	vadd.s32 v16, v43;
	[tilespmem:$0xD200] =	vst v63  }
0x1e5: {  	s23 =	sadd.s32 $0x222, s20  }
0x1e6: {  	v41 =	vadd.s32 v16, v41;
	[tilespmem:$0x700] =	vst v7;
	v7 =	vadd.s32 s23, v1;
	s23 =	sadd.s32 $0x242, s20  }
0x1e7: {  	[tilespmem:$0x710] =	vst v7;
	v7 =	vadd.s32 s23, v1  }
0x1e8: {  	[tilespmem:$0x718] =	vst v7  }
0x1e9: {  	[hbm4b:s3+s4] =	stream.indirect_vreg.scatter [tilespmem:s21], [sflag:$0x9], $0x80, v4, vm0, $0xb8;
	[tilespmem:$0xD200] =	vst v63  }
0x1ea: {  	_ = 	snop  }
0x1eb: {  	[hbm4b:s3+s4] =	stream.indirect_vreg.scatter [tilespmem:s25], [sflag:$0x9], $0x80, v41, vm0, $0xb8;
	[tilespmem:$0xD200] =	vst v63  }
0x1ec: {  	v4 =	vld [tilespmem:$0x710];
	_ =	sdelay $0x4  }
0x1ed: {  	v7 =	vshll.u32 v4, $0x1  }
0x1ee: {  	v4 =	vand.u32 $0x7, v4;
	v7 =	vand.u32 $0xFFFFFFF0, v7  }
0x1ef: {  	v4 =	vor.u32 v4, v7  }
0x1f0: {  	v7 =	vperm.xlane v4, v36;
	_ =	sdelay $0x1  }
0x1f1: {  	v4 =	vperm.xlane v4, v39;
	v7 =	vadd.s32 v16, v7;
	_ =	sdelay $0x1  }
0x1f2: {  	v4 =	vadd.s32 v16, v4;
	_ =	sdelay $0x2  }
0x1f3: {  	[hbm4b:s3+s4] =	stream.indirect_vreg.scatter [tilespmem:s13], [sflag:$0x9], $0x80, v7, vm0, $0xb8;
	[tilespmem:$0xD200] =	vst v63  }
0x1f4: {  	_ = 	snop  }
0x1f5: {  	[hbm4b:s3+s4] =	stream.indirect_vreg.scatter [tilespmem:s5], [sflag:$0x9], $0x80, v4, vm0, $0xb8;
	[tilespmem:$0xD200] =	vst v63  }
0x1f6: {  	v4 =	vld.msk [tilespmem:$0x720], $0xff;
	_ =	sdelay $0x4  }
0x1f7: {  	v7 =	vshll.u32 v4, $0x1  }
0x1f8: {  	v4 =	vand.u32 $0x7, v4;
	v7 =	vand.u32 $0xFFFFFFF0, v7  }
0x1f9: {  	v4 =	vor.u32 v4, v7  }
0x1fa: {  	s23 =	sadd.s32 $0x1E3, s20;
	v4 =	vperm.xlane v4, v36  }
0x1fb: {  	v7 =	vadd.s32 s23, v1  }
0x1fc: {  	v41 =	vshll.u32 v7, $0x1;
	v4 =	vadd.s32 v16, v4  }
0x1fd: {  	v43 =	vand.u32 $0x7, v7;
	v41 =	vand.u32 $0xFFFFFFF0, v41  }
0x1fe: {  	v41 =	vor.u32 v43, v41  }
0x1ff: {  	v43 =	vperm.xlane v41, v36;
	_ =	sdelay $0x1  }
0x200: {  	v41 =	vperm.xlane v41, v39;
	[hbm4b:s3+s4] =	stream.indirect_vreg.scatter [tilespmem:s0], [sflag:$0x9], $0x80, v4, vm0, $0xb8;
	v4 =	vadd.s32 v16, v43;
	[tilespmem:$0xD200] =	vst v63  }
0x201: {  	s23 =	sadd.s32 $0x223, s20  }
0x202: {  	v41 =	vadd.s32 v16, v41;
	[tilespmem:$0x780] =	vst v7;
	v7 =	vadd.s32 s23, v1;
	s23 =	sadd.s32 $0x243, s20  }
0x203: {  	[tilespmem:$0x790] =	vst v7;
	v7 =	vadd.s32 s23, v1  }
0x204: {  	[tilespmem:$0x798] =	vst v7  }
0x205: {  	[hbm4b:s3+s4] =	stream.indirect_vreg.scatter [tilespmem:s21], [sflag:$0x9], $0x80, v4, vm0, $0xb8;
	[tilespmem:$0xD200] =	vst v63  }
0x206: {  	_ = 	snop  }
0x207: {  	[hbm4b:s3+s4] =	stream.indirect_vreg.scatter [tilespmem:s25], [sflag:$0x9], $0x80, v41, vm0, $0xb8;
	[tilespmem:$0xD200] =	vst v63  }
0x208: {  	v4 =	vld [tilespmem:$0x790];
	_ =	sdelay $0x4  }
0x209: {  	v7 =	vshll.u32 v4, $0x1  }
0x20a: {  	v4 =	vand.u32 $0x7, v4;
	v7 =	vand.u32 $0xFFFFFFF0, v7  }
0x20b: {  	v4 =	vor.u32 v4, v7  }
0x20c: {  	v7 =	vperm.xlane v4, v36;
	_ =	sdelay $0x1  }
0x20d: {  	v4 =	vperm.xlane v4, v39;
	v7 =	vadd.s32 v16, v7;
	_ =	sdelay $0x1  }
0x20e: {  	v4 =	vadd.s32 v16, v4;
	_ =	sdelay $0x2  }
0x20f: {  	[hbm4b:s3+s4] =	stream.indirect_vreg.scatter [tilespmem:s13], [sflag:$0x9], $0x80, v7, vm0, $0xb8;
	[tilespmem:$0xD200] =	vst v63  }
0x210: {  	_ = 	snop  }
0x211: {  	[hbm4b:s3+s4] =	stream.indirect_vreg.scatter [tilespmem:s5], [sflag:$0x9], $0x80, v4, vm0, $0xb8;
	[tilespmem:$0xD200] =	vst v63  }
0x212: {  	v4 =	vld.msk [tilespmem:$0x7A0], $0xff;
	_ =	sdelay $0x4  }
0x213: {  	v7 =	vshll.u32 v4, $0x1  }
0x214: {  	v4 =	vand.u32 $0x7, v4;
	v7 =	vand.u32 $0xFFFFFFF0, v7  }
0x215: {  	v4 =	vor.u32 v4, v7  }
0x216: {  	v4 =	vperm.xlane v4, v36;
	_ =	sdelay $0x1  }
0x217: {  	v4 =	vadd.s32 v16, v4;
	_ =	sdelay $0x4  }
0x218: {  	[hbm4b:s3+s4] =	stream.indirect_vreg.scatter [tilespmem:s0], [sflag:$0x9], $0x80, v4, vm0, $0xb8;
	[tilespmem:$0xD200] =	vst v63  }
0x219: {  	_ =	swait.ge [sflag:s12], $0x2800  }
0x21a: {  	[sflag:s12] =	ssyncset.done $0x0  }
0x21b: {  	[sflag:s12] =	ssyncadd.s32 $0xFFFFD800  }
0x21c: {  	_ =	swait.ge [sflag:s12], $0x2800  }
0x21d: {  	[sflag:s12] =	ssyncset.done $0x0  }
0x21e: {  	[sflag:s12] =	ssyncadd.s32 $0xFFFFD800  }
0x21f: {  	_ =	swait.ge [sflag:s12], $0x2800  }
0x220: {  	s5 =	sadd.s32 $0x280, s20;
	[sflag:s12] =	ssyncset.done $0x0  }
0x221: {  	v4 =	vadd.s32 s5, v1;
	[sflag:s12] =	ssyncadd.s32 $0xFFFFD800  }
0x222: {  	v7 =	vshll.u32 v4, $0x1;
	_ =	swait.ge [sflag:s12], $0x2800  }
0x223: {  	v7 =	vand.u32 $0xFFFFFFF0, v7;
	[sflag:s12] =	ssyncset.done $0x0  }
0x224: {  	s25 =	simm.s32 $0x5;
	s13 =	sadd.s32 $0xFFFFF600, s18;
	v7 =	vor.u32 v21, v7;
	[sflag:s12] =	ssyncadd.s32 $0xFFFFD800  }
0x225: {  	v41 =	vperm.xlane v7, v36;
	[tilespmem:s16], [sflag:$0x3] =	stream.linear.gather [hbm4b:s13+s4], $0x2800, $0x38;
	[tilespmem:$0xD200] =	vst v63  }
0x226: {  	_ =	swait.ge [sflag:s25], $0x2800  }
0x227: {  	v7 =	vperm.xlane v7, v39;
	v41 =	vadd.s32 v16, v41;
	[sflag:s25] =	ssyncset.done $0x0  }
0x228: {  	s0 =	sadd.s32 $0x2C0, s20;
	[sflag:s25] =	ssyncadd.s32 $0xFFFFD800  }
0x229: {  	s5 =	sadd.s32 $0x2E0, s20;
	v7 =	vadd.s32 v16, v7;
	[tilespmem:$0x800] =	vst v4;
	v4 =	vadd.s32 s0, v1  }
0x22a: {  	[tilespmem:$0x810] =	vst v4;
	v4 =	vadd.s32 s5, v1  }
0x22b: {  	s16 =	simm.s32 $0xAA00;
	[tilespmem:$0x818] =	vst v4  }
0x22c: {  	[hbm4b:s3+s4] =	stream.indirect_vreg.scatter [tilespmem:s16], [sflag:$0xA], $0x80, v41, vm0, $0xb8;
	[tilespmem:$0xD200] =	vst v63  }
0x22d: {  	s5 =	simm.s32 $0xB200  }
0x22e: {  	[hbm4b:s3+s4] =	stream.indirect_vreg.scatter [tilespmem:s5], [sflag:$0xA], $0x80, v7, vm0, $0xb8;
	[tilespmem:$0xD200] =	vst v63  }
0x22f: {  	v4 =	vld [tilespmem:$0x810];
	_ =	sdelay $0x4  }
0x230: {  	v7 =	vshll.u32 v4, $0x1  }
0x231: {  	v4 =	vand.u32 $0x7, v4;
	v7 =	vand.u32 $0xFFFFFFF0, v7  }
0x232: {  	v4 =	vor.u32 v4, v7  }
0x233: {  	v7 =	vperm.xlane v4, v36;
	_ =	sdelay $0x1  }
0x234: {  	v4 =	vperm.xlane v4, v39;
	v7 =	vadd.s32 v16, v7;
	_ =	sdelay $0x1  }
0x235: {  	v4 =	vadd.s32 v16, v4;
	_ =	sdelay $0x1  }
0x236: {  	s25 =	simm.s32 $0xBA00  }
0x237: {  	[hbm4b:s3+s4] =	stream.indirect_vreg.scatter [tilespmem:s25], [sflag:$0xA], $0x80, v7, vm0, $0xb8;
	[tilespmem:$0xD200] =	vst v63  }
0x238: {  	s0 =	simm.s32 $0xC200  }
0x239: {  	[hbm4b:s3+s4] =	stream.indirect_vreg.scatter [tilespmem:s0], [sflag:$0xA], $0x80, v4, vm0, $0xb8;
	[tilespmem:$0xD200] =	vst v63  }
0x23a: {  	v4 =	vld.msk [tilespmem:$0x820], $0xff;
	_ =	sdelay $0x4  }
0x23b: {  	v7 =	vshll.u32 v4, $0x1  }
0x23c: {  	v4 =	vand.u32 $0x7, v4;
	v7 =	vand.u32 $0xFFFFFFF0, v7  }
0x23d: {  	v4 =	vor.u32 v4, v7  }
0x23e: {  	s13 =	sadd.s32 $0x281, s20;
	v4 =	vperm.xlane v4, v36  }
0x23f: {  	v7 =	vadd.s32 s13, v1  }
0x240: {  	v41 =	vshll.u32 v7, $0x1;
	v4 =	vadd.s32 v16, v4  }
0x241: {  	v43 =	vand.u32 $0x7, v7;
	v41 =	vand.u32 $0xFFFFFFF0, v41  }
0x242: {  	v41 =	vor.u32 v43, v41  }
0x243: {  	v43 =	vperm.xlane v41, v36  }
0x244: {  	s13 =	simm.s32 $0xCA00  }
0x245: {  	v41 =	vperm.xlane v41, v39;
	[hbm4b:s3+s4] =	stream.indirect_vreg.scatter [tilespmem:s13], [sflag:$0xA], $0x80, v4, vm0, $0xb8;
	v4 =	vadd.s32 v16, v43;
	[tilespmem:$0xD200] =	vst v63  }
0x246: {  	s23 =	sadd.s32 $0x2C1, s20  }
0x247: {  	v41 =	vadd.s32 v16, v41;
	[tilespmem:$0x880] =	vst v7;
	v7 =	vadd.s32 s23, v1;
	s23 =	sadd.s32 $0x2E1, s20  }
0x248: {  	[tilespmem:$0x890] =	vst v7;
	v7 =	vadd.s32 s23, v1  }
0x249: {  	[tilespmem:$0x898] =	vst v7  }
0x24a: {  	[hbm4b:s3+s4] =	stream.indirect_vreg.scatter [tilespmem:s16], [sflag:$0xA], $0x80, v4, vm0, $0xb8;
	[tilespmem:$0xD200] =	vst v63  }
0x24b: {  	_ = 	snop  }
0x24c: {  	[hbm4b:s3+s4] =	stream.indirect_vreg.scatter [tilespmem:s5], [sflag:$0xA], $0x80, v41, vm0, $0xb8;
	[tilespmem:$0xD200] =	vst v63  }
0x24d: {  	v4 =	vld [tilespmem:$0x890];
	_ =	sdelay $0x4  }
0x24e: {  	v7 =	vshll.u32 v4, $0x1  }
0x24f: {  	v4 =	vand.u32 $0x7, v4;
	v7 =	vand.u32 $0xFFFFFFF0, v7  }
0x250: {  	v4 =	vor.u32 v4, v7  }
0x251: {  	v7 =	vperm.xlane v4, v36;
	_ =	sdelay $0x1  }
0x252: {  	v4 =	vperm.xlane v4, v39;
	v7 =	vadd.s32 v16, v7;
	_ =	sdelay $0x1  }
0x253: {  	v4 =	vadd.s32 v16, v4;
	_ =	sdelay $0x2  }
0x254: {  	[hbm4b:s3+s4] =	stream.indirect_vreg.scatter [tilespmem:s25], [sflag:$0xA], $0x80, v7, vm0, $0xb8;
	[tilespmem:$0xD200] =	vst v63  }
0x255: {  	_ = 	snop  }
0x256: {  	[hbm4b:s3+s4] =	stream.indirect_vreg.scatter [tilespmem:s0], [sflag:$0xA], $0x80, v4, vm0, $0xb8;
	[tilespmem:$0xD200] =	vst v63  }
0x257: {  	v4 =	vld.msk [tilespmem:$0x8A0], $0xff;
	_ =	sdelay $0x4  }
0x258: {  	v7 =	vshll.u32 v4, $0x1  }
0x259: {  	v4 =	vand.u32 $0x7, v4;
	v7 =	vand.u32 $0xFFFFFFF0, v7  }
0x25a: {  	v4 =	vor.u32 v4, v7  }
0x25b: {  	s23 =	sadd.s32 $0x282, s20;
	v4 =	vperm.xlane v4, v36  }
0x25c: {  	v7 =	vadd.s32 s23, v1  }
0x25d: {  	v41 =	vshll.u32 v7, $0x1;
	v4 =	vadd.s32 v16, v4  }
0x25e: {  	v43 =	vand.u32 $0x7, v7;
	v41 =	vand.u32 $0xFFFFFFF0, v41  }
0x25f: {  	v41 =	vor.u32 v43, v41  }
0x260: {  	v43 =	vperm.xlane v41, v36;
	_ =	sdelay $0x1  }
0x261: {  	v41 =	vperm.xlane v41, v39;
	[hbm4b:s3+s4] =	stream.indirect_vreg.scatter [tilespmem:s13], [sflag:$0xA], $0x80, v4, vm0, $0xb8;
	v4 =	vadd.s32 v16, v43;
	[tilespmem:$0xD200] =	vst v63  }
0x262: {  	s23 =	sadd.s32 $0x2C2, s20  }
0x263: {  	v41 =	vadd.s32 v16, v41;
	[tilespmem:$0x900] =	vst v7;
	v7 =	vadd.s32 s23, v1;
	s23 =	sadd.s32 $0x2E2, s20  }
0x264: {  	[tilespmem:$0x910] =	vst v7;
	v7 =	vadd.s32 s23, v1  }
0x265: {  	[tilespmem:$0x918] =	vst v7  }
0x266: {  	[hbm4b:s3+s4] =	stream.indirect_vreg.scatter [tilespmem:s16], [sflag:$0xA], $0x80, v4, vm0, $0xb8;
	[tilespmem:$0xD200] =	vst v63  }
0x267: {  	_ = 	snop  }
0x268: {  	[hbm4b:s3+s4] =	stream.indirect_vreg.scatter [tilespmem:s5], [sflag:$0xA], $0x80, v41, vm0, $0xb8;
	[tilespmem:$0xD200] =	vst v63  }
0x269: {  	v4 =	vld [tilespmem:$0x910];
	_ =	sdelay $0x4  }
0x26a: {  	v7 =	vshll.u32 v4, $0x1  }
0x26b: {  	v4 =	vand.u32 $0x7, v4;
	v7 =	vand.u32 $0xFFFFFFF0, v7  }
0x26c: {  	v4 =	vor.u32 v4, v7  }
0x26d: {  	v7 =	vperm.xlane v4, v36;
	_ =	sdelay $0x1  }
0x26e: {  	v4 =	vperm.xlane v4, v39;
	v7 =	vadd.s32 v16, v7;
	_ =	sdelay $0x1  }
0x26f: {  	v4 =	vadd.s32 v16, v4;
	_ =	sdelay $0x2  }
0x270: {  	[hbm4b:s3+s4] =	stream.indirect_vreg.scatter [tilespmem:s25], [sflag:$0xA], $0x80, v7, vm0, $0xb8;
	[tilespmem:$0xD200] =	vst v63  }
0x271: {  	_ = 	snop  }
0x272: {  	[hbm4b:s3+s4] =	stream.indirect_vreg.scatter [tilespmem:s0], [sflag:$0xA], $0x80, v4, vm0, $0xb8;
	[tilespmem:$0xD200] =	vst v63  }
0x273: {  	v4 =	vld.msk [tilespmem:$0x920], $0xff;
	_ =	sdelay $0x4  }
0x274: {  	v7 =	vshll.u32 v4, $0x1  }
0x275: {  	v4 =	vand.u32 $0x7, v4;
	v7 =	vand.u32 $0xFFFFFFF0, v7  }
0x276: {  	v4 =	vor.u32 v4, v7  }
0x277: {  	s23 =	sadd.s32 $0x283, s20;
	v4 =	vperm.xlane v4, v36  }
0x278: {  	v7 =	vadd.s32 s23, v1  }
0x279: {  	v41 =	vshll.u32 v7, $0x1;
	v4 =	vadd.s32 v16, v4  }
0x27a: {  	v43 =	vand.u32 $0x7, v7;
	v41 =	vand.u32 $0xFFFFFFF0, v41  }
0x27b: {  	v41 =	vor.u32 v43, v41  }
0x27c: {  	v43 =	vperm.xlane v41, v36;
	_ =	sdelay $0x1  }
0x27d: {  	v41 =	vperm.xlane v41, v39;
	[hbm4b:s3+s4] =	stream.indirect_vreg.scatter [tilespmem:s13], [sflag:$0xA], $0x80, v4, vm0, $0xb8;
	v4 =	vadd.s32 v16, v43;
	[tilespmem:$0xD200] =	vst v63  }
0x27e: {  	s23 =	sadd.s32 $0x2C3, s20  }
0x27f: {  	v41 =	vadd.s32 v16, v41;
	[tilespmem:$0x980] =	vst v7;
	v7 =	vadd.s32 s23, v1;
	s23 =	sadd.s32 $0x2E3, s20  }
0x280: {  	[tilespmem:$0x990] =	vst v7;
	v7 =	vadd.s32 s23, v1  }
0x281: {  	[tilespmem:$0x998] =	vst v7  }
0x282: {  	[hbm4b:s3+s4] =	stream.indirect_vreg.scatter [tilespmem:s16], [sflag:$0xA], $0x80, v4, vm0, $0xb8;
	[tilespmem:$0xD200] =	vst v63  }
0x283: {  	_ = 	snop  }
0x284: {  	[hbm4b:s3+s4] =	stream.indirect_vreg.scatter [tilespmem:s5], [sflag:$0xA], $0x80, v41, vm0, $0xb8;
	[tilespmem:$0xD200] =	vst v63  }
0x285: {  	v4 =	vld [tilespmem:$0x990];
	_ =	sdelay $0x4  }
0x286: {  	v7 =	vshll.u32 v4, $0x1  }
0x287: {  	v4 =	vand.u32 $0x7, v4;
	v7 =	vand.u32 $0xFFFFFFF0, v7  }
0x288: {  	v4 =	vor.u32 v4, v7  }
0x289: {  	v7 =	vperm.xlane v4, v36;
	_ =	sdelay $0x1  }
0x28a: {  	v4 =	vperm.xlane v4, v39;
	v7 =	vadd.s32 v16, v7;
	_ =	sdelay $0x1  }
0x28b: {  	v4 =	vadd.s32 v16, v4;
	_ =	sdelay $0x2  }
0x28c: {  	[hbm4b:s3+s4] =	stream.indirect_vreg.scatter [tilespmem:s25], [sflag:$0xA], $0x80, v7, vm0, $0xb8;
	[tilespmem:$0xD200] =	vst v63  }
0x28d: {  	_ = 	snop  }
0x28e: {  	[hbm4b:s3+s4] =	stream.indirect_vreg.scatter [tilespmem:s0], [sflag:$0xA], $0x80, v4, vm0, $0xb8;
	[tilespmem:$0xD200] =	vst v63  }
0x28f: {  	v4 =	vld.msk [tilespmem:$0x9A0], $0xff;
	_ =	sdelay $0x4  }
0x290: {  	v7 =	vshll.u32 v4, $0x1  }
0x291: {  	v4 =	vand.u32 $0x7, v4;
	v7 =	vand.u32 $0xFFFFFFF0, v7  }
0x292: {  	v4 =	vor.u32 v4, v7  }
0x293: {  	v4 =	vperm.xlane v4, v36;
	_ =	sdelay $0x1  }
0x294: {  	v4 =	vadd.s32 v16, v4;
	_ =	sdelay $0x4  }
0x295: {  	[hbm4b:s3+s4] =	stream.indirect_vreg.scatter [tilespmem:s13], [sflag:$0xA], $0x80, v4, vm0, $0xb8;
	[tilespmem:$0xD200] =	vst v63  }
0x296: {  	_ =	swait.ge [sflag:s1], $0x2800  }
0x297: {  	[sflag:s1] =	ssyncset.done $0x0  }
0x298: {  	[sflag:s1] =	ssyncadd.s32 $0xFFFFD800  }
0x299: {  	_ =	swait.ge [sflag:s1], $0x2800  }
0x29a: {  	[sflag:s1] =	ssyncset.done $0x0  }
0x29b: {  	[sflag:s1] =	ssyncadd.s32 $0xFFFFD800  }
0x29c: {  	_ =	swait.ge [sflag:s1], $0x2800  }
0x29d: {  	s5 =	sadd.s32 $0x320, s20;
	[sflag:s1] =	ssyncset.done $0x0  }
0x29e: {  	v4 =	vadd.s32 s5, v1;
	[sflag:s1] =	ssyncadd.s32 $0xFFFFD800  }
0x29f: {  	v7 =	vshll.u32 v4, $0x1;
	_ =	swait.ge [sflag:s1], $0x2800  }
0x2a0: {  	v7 =	vand.u32 $0xFFFFFFF0, v7;
	[sflag:s1] =	ssyncset.done $0x0  }
0x2a1: {  	s23 =	simm.s32 $0x1;
	s13 =	sadd.s32 $0xFFFFFB00, s18;
	v7 =	vor.u32 v21, v7;
	[sflag:s1] =	ssyncadd.s32 $0xFFFFD800  }
0x2a2: {  	v41 =	vperm.xlane v7, v36;
	[tilespmem:s21], [sflag:$0x4] =	stream.linear.gather [hbm4b:s13+s4], $0x2800, $0x38;
	[tilespmem:$0xD200] =	vst v63  }
0x2a3: {  	_ =	swait.ge [sflag:s23], $0x2800  }
0x2a4: {  	v7 =	vperm.xlane v7, v39;
	v41 =	vadd.s32 v16, v41;
	[sflag:s23] =	ssyncset.done $0x0  }
0x2a5: {  	s25 =	sadd.s32 $0x360, s20;
	[sflag:s23] =	ssyncadd.s32 $0xFFFFD800  }
0x2a6: {  	s0 =	sadd.s32 $0x380, s20;
	v7 =	vadd.s32 v16, v7;
	[tilespmem:$0x0] =	vst v4;
	v4 =	vadd.s32 s25, v1  }
0x2a7: {  	[tilespmem:$0x10] =	vst v4;
	v4 =	vadd.s32 s0, v1  }
0x2a8: {  	[tilespmem:$0x18] =	vst v4  }
0x2a9: {  	[hbm4b:s3+s4] =	stream.indirect_vreg.scatter [tilespmem:s14], [sflag:$0x6], $0x80, v41, vm0, $0xb8;
	[tilespmem:$0xD200] =	vst v63  }
0x2aa: {  	_ = 	snop  }
0x2ab: {  	[hbm4b:s3+s4] =	stream.indirect_vreg.scatter [tilespmem:s26], [sflag:$0x6], $0x80, v7, vm0, $0xb8;
	[tilespmem:$0xD200] =	vst v63  }
0x2ac: {  	v4 =	vld [tilespmem:$0x10];
	_ =	sdelay $0x4  }
0x2ad: {  	v7 =	vshll.u32 v4, $0x1  }
0x2ae: {  	v4 =	vand.u32 $0x7, v4;
	v7 =	vand.u32 $0xFFFFFFF0, v7  }
0x2af: {  	v4 =	vor.u32 v4, v7  }
0x2b0: {  	v7 =	vperm.xlane v4, v36;
	_ =	sdelay $0x1  }
0x2b1: {  	v4 =	vperm.xlane v4, v39;
	v7 =	vadd.s32 v16, v7;
	_ =	sdelay $0x1  }
0x2b2: {  	v4 =	vadd.s32 v16, v4;
	_ =	sdelay $0x2  }
0x2b3: {  	[hbm4b:s3+s4] =	stream.indirect_vreg.scatter [tilespmem:s30], [sflag:$0x6], $0x80, v7, vm0, $0xb8;
	[tilespmem:$0xD200] =	vst v63  }
0x2b4: {  	_ = 	snop  }
0x2b5: {  	[hbm4b:s3+s4] =	stream.indirect_vreg.scatter [tilespmem:s31], [sflag:$0x6], $0x80, v4, vm0, $0xb8;
	[tilespmem:$0xD200] =	vst v63  }
0x2b6: {  	v4 =	vld.msk [tilespmem:$0x20], $0xff;
	_ =	sdelay $0x4  }
0x2b7: {  	v7 =	vshll.u32 v4, $0x1  }
0x2b8: {  	v4 =	vand.u32 $0x7, v4;
	v7 =	vand.u32 $0xFFFFFFF0, v7  }
0x2b9: {  	v4 =	vor.u32 v4, v7  }
0x2ba: {  	s5 =	sadd.s32 $0x321, s20;
	v4 =	vperm.xlane v4, v36  }
0x2bb: {  	v7 =	vadd.s32 s5, v1  }
0x2bc: {  	v41 =	vshll.u32 v7, $0x1;
	v4 =	vadd.s32 v16, v4  }
0x2bd: {  	v43 =	vand.u32 $0x7, v7;
	v41 =	vand.u32 $0xFFFFFFF0, v41  }
0x2be: {  	v41 =	vor.u32 v43, v41  }
0x2bf: {  	v43 =	vperm.xlane v41, v36;
	_ =	sdelay $0x1  }
0x2c0: {  	v41 =	vperm.xlane v41, v39;
	[hbm4b:s3+s4] =	stream.indirect_vreg.scatter [tilespmem:s2], [sflag:$0x6], $0x80, v4, vm0, $0xb8;
	v4 =	vadd.s32 v16, v43;
	[tilespmem:$0xD200] =	vst v63  }
0x2c1: {  	s13 =	sadd.s32 $0x361, s20  }
0x2c2: {  	s25 =	sadd.s32 $0x381, s20;
	v41 =	vadd.s32 v16, v41;
	[tilespmem:$0x80] =	vst v7;
	v7 =	vadd.s32 s13, v1  }
0x2c3: {  	[tilespmem:$0x90] =	vst v7;
	v7 =	vadd.s32 s25, v1  }
0x2c4: {  	[tilespmem:$0x98] =	vst v7  }
0x2c5: {  	[hbm4b:s3+s4] =	stream.indirect_vreg.scatter [tilespmem:s14], [sflag:$0x6], $0x80, v4, vm0, $0xb8;
	[tilespmem:$0xD200] =	vst v63  }
0x2c6: {  	_ = 	snop  }
0x2c7: {  	[hbm4b:s3+s4] =	stream.indirect_vreg.scatter [tilespmem:s26], [sflag:$0x6], $0x80, v41, vm0, $0xb8;
	[tilespmem:$0xD200] =	vst v63  }
0x2c8: {  	v4 =	vld [tilespmem:$0x90];
	_ =	sdelay $0x4  }
0x2c9: {  	v7 =	vshll.u32 v4, $0x1  }
0x2ca: {  	v4 =	vand.u32 $0x7, v4;
	v7 =	vand.u32 $0xFFFFFFF0, v7  }
0x2cb: {  	v4 =	vor.u32 v4, v7  }
0x2cc: {  	v7 =	vperm.xlane v4, v36;
	_ =	sdelay $0x1  }
0x2cd: {  	v4 =	vperm.xlane v4, v39;
	v7 =	vadd.s32 v16, v7;
	_ =	sdelay $0x1  }
0x2ce: {  	v4 =	vadd.s32 v16, v4;
	_ =	sdelay $0x2  }
0x2cf: {  	[hbm4b:s3+s4] =	stream.indirect_vreg.scatter [tilespmem:s30], [sflag:$0x6], $0x80, v7, vm0, $0xb8;
	[tilespmem:$0xD200] =	vst v63  }
0x2d0: {  	_ = 	snop  }
0x2d1: {  	[hbm4b:s3+s4] =	stream.indirect_vreg.scatter [tilespmem:s31], [sflag:$0x6], $0x80, v4, vm0, $0xb8;
	[tilespmem:$0xD200] =	vst v63  }
0x2d2: {  	v4 =	vld.msk [tilespmem:$0xA0], $0xff;
	_ =	sdelay $0x4  }
0x2d3: {  	v7 =	vshll.u32 v4, $0x1  }
0x2d4: {  	v4 =	vand.u32 $0x7, v4;
	v7 =	vand.u32 $0xFFFFFFF0, v7  }
0x2d5: {  	v4 =	vor.u32 v4, v7  }
0x2d6: {  	s0 =	sadd.s32 $0x322, s20;
	v4 =	vperm.xlane v4, v36  }
0x2d7: {  	v7 =	vadd.s32 s0, v1  }
0x2d8: {  	v41 =	vshll.u32 v7, $0x1;
	v4 =	vadd.s32 v16, v4  }
0x2d9: {  	v43 =	vand.u32 $0x7, v7;
	v41 =	vand.u32 $0xFFFFFFF0, v41  }
0x2da: {  	v41 =	vor.u32 v43, v41  }
0x2db: {  	v43 =	vperm.xlane v41, v36;
	_ =	sdelay $0x1  }
0x2dc: {  	v41 =	vperm.xlane v41, v39;
	[hbm4b:s3+s4] =	stream.indirect_vreg.scatter [tilespmem:s2], [sflag:$0x6], $0x80, v4, vm0, $0xb8;
	v4 =	vadd.s32 v16, v43;
	[tilespmem:$0xD200] =	vst v63  }
0x2dd: {  	s5 =	sadd.s32 $0x362, s20  }
0x2de: {  	s13 =	sadd.s32 $0x382, s20;
	v41 =	vadd.s32 v16, v41;
	[tilespmem:$0x100] =	vst v7;
	v7 =	vadd.s32 s5, v1  }
0x2df: {  	[tilespmem:$0x110] =	vst v7;
	v7 =	vadd.s32 s13, v1  }
0x2e0: {  	[tilespmem:$0x118] =	vst v7  }
0x2e1: {  	[hbm4b:s3+s4] =	stream.indirect_vreg.scatter [tilespmem:s14], [sflag:$0x6], $0x80, v4, vm0, $0xb8;
	[tilespmem:$0xD200] =	vst v63  }
0x2e2: {  	_ = 	snop  }
0x2e3: {  	[hbm4b:s3+s4] =	stream.indirect_vreg.scatter [tilespmem:s26], [sflag:$0x6], $0x80, v41, vm0, $0xb8;
	[tilespmem:$0xD200] =	vst v63  }
0x2e4: {  	v4 =	vld [tilespmem:$0x110];
	_ =	sdelay $0x4  }
0x2e5: {  	v7 =	vshll.u32 v4, $0x1  }
0x2e6: {  	v4 =	vand.u32 $0x7, v4;
	v7 =	vand.u32 $0xFFFFFFF0, v7  }
0x2e7: {  	v4 =	vor.u32 v4, v7  }
0x2e8: {  	v7 =	vperm.xlane v4, v36;
	_ =	sdelay $0x1  }
0x2e9: {  	v4 =	vperm.xlane v4, v39;
	v7 =	vadd.s32 v16, v7;
	_ =	sdelay $0x1  }
0x2ea: {  	v4 =	vadd.s32 v16, v4;
	_ =	sdelay $0x2  }
0x2eb: {  	[hbm4b:s3+s4] =	stream.indirect_vreg.scatter [tilespmem:s30], [sflag:$0x6], $0x80, v7, vm0, $0xb8;
	[tilespmem:$0xD200] =	vst v63  }
0x2ec: {  	_ = 	snop  }
0x2ed: {  	[hbm4b:s3+s4] =	stream.indirect_vreg.scatter [tilespmem:s31], [sflag:$0x6], $0x80, v4, vm0, $0xb8;
	[tilespmem:$0xD200] =	vst v63  }
0x2ee: {  	v4 =	vld.msk [tilespmem:$0x120], $0xff;
	_ =	sdelay $0x4  }
0x2ef: {  	v7 =	vshll.u32 v4, $0x1  }
0x2f0: {  	v4 =	vand.u32 $0x7, v4;
	v7 =	vand.u32 $0xFFFFFFF0, v7  }
0x2f1: {  	v4 =	vor.u32 v4, v7  }
0x2f2: {  	s25 =	sadd.s32 $0x323, s20;
	v4 =	vperm.xlane v4, v36  }
0x2f3: {  	v7 =	vadd.s32 s25, v1  }
0x2f4: {  	v41 =	vshll.u32 v7, $0x1;
	v4 =	vadd.s32 v16, v4  }
0x2f5: {  	v43 =	vand.u32 $0x7, v7;
	v41 =	vand.u32 $0xFFFFFFF0, v41  }
0x2f6: {  	v41 =	vor.u32 v43, v41  }
0x2f7: {  	v43 =	vperm.xlane v41, v36;
	_ =	sdelay $0x1  }
0x2f8: {  	v41 =	vperm.xlane v41, v39;
	[hbm4b:s3+s4] =	stream.indirect_vreg.scatter [tilespmem:s2], [sflag:$0x6], $0x80, v4, vm0, $0xb8;
	v4 =	vadd.s32 v16, v43;
	[tilespmem:$0xD200] =	vst v63  }
0x2f9: {  	s0 =	sadd.s32 $0x363, s20  }
0x2fa: {  	s5 =	sadd.s32 $0x383, s20;
	v41 =	vadd.s32 v16, v41;
	[tilespmem:$0x180] =	vst v7;
	v7 =	vadd.s32 s0, v1  }
0x2fb: {  	[tilespmem:$0x190] =	vst v7;
	v7 =	vadd.s32 s5, v1  }
0x2fc: {  	[tilespmem:$0x198] =	vst v7  }
0x2fd: {  	[hbm4b:s3+s4] =	stream.indirect_vreg.scatter [tilespmem:s14], [sflag:$0x6], $0x80, v4, vm0, $0xb8;
	[tilespmem:$0xD200] =	vst v63  }
0x2fe: {  	_ = 	snop  }
0x2ff: {  	[hbm4b:s3+s4] =	stream.indirect_vreg.scatter [tilespmem:s26], [sflag:$0x6], $0x80, v41, vm0, $0xb8;
	[tilespmem:$0xD200] =	vst v63  }
0x300: {  	v4 =	vld [tilespmem:$0x190];
	_ =	sdelay $0x4  }
0x301: {  	v7 =	vshll.u32 v4, $0x1  }
0x302: {  	v4 =	vand.u32 $0x7, v4;
	v7 =	vand.u32 $0xFFFFFFF0, v7  }
0x303: {  	v4 =	vor.u32 v4, v7  }
0x304: {  	v7 =	vperm.xlane v4, v36;
	_ =	sdelay $0x1  }
0x305: {  	v4 =	vperm.xlane v4, v39;
	v7 =	vadd.s32 v16, v7;
	_ =	sdelay $0x1  }
0x306: {  	v4 =	vadd.s32 v16, v4;
	_ =	sdelay $0x2  }
0x307: {  	[hbm4b:s3+s4] =	stream.indirect_vreg.scatter [tilespmem:s30], [sflag:$0x6], $0x80, v7, vm0, $0xb8;
	[tilespmem:$0xD200] =	vst v63  }
0x308: {  	_ = 	snop  }
0x309: {  	[hbm4b:s3+s4] =	stream.indirect_vreg.scatter [tilespmem:s31], [sflag:$0x6], $0x80, v4, vm0, $0xb8;
	[tilespmem:$0xD200] =	vst v63  }
0x30a: {  	v4 =	vld.msk [tilespmem:$0x1A0], $0xff;
	_ =	sdelay $0x4  }
0x30b: {  	v7 =	vshll.u32 v4, $0x1  }
0x30c: {  	v4 =	vand.u32 $0x7, v4;
	v7 =	vand.u32 $0xFFFFFFF0, v7  }
0x30d: {  	v4 =	vor.u32 v4, v7  }
0x30e: {  	v4 =	vperm.xlane v4, v36;
	_ =	sdelay $0x1  }
0x30f: {  	v4 =	vadd.s32 v16, v4;
	_ =	sdelay $0x4  }
0x310: {  	[hbm4b:s3+s4] =	stream.indirect_vreg.scatter [tilespmem:s2], [sflag:$0x6], $0x80, v4, vm0, $0xb8;
	[tilespmem:$0xD200] =	vst v63  }
0x311: {  	_ =	swait.ge [sflag:s17], $0x2800  }
0x312: {  	[sflag:s17] =	ssyncset.done $0x0  }
0x313: {  	[sflag:s17] =	ssyncadd.s32 $0xFFFFD800  }
0x314: {  	_ =	swait.ge [sflag:s17], $0x2800  }
0x315: {  	[sflag:s17] =	ssyncset.done $0x0  }
0x316: {  	[sflag:s17] =	ssyncadd.s32 $0xFFFFD800  }
0x317: {  	_ =	swait.ge [sflag:s17], $0x2800  }
0x318: {  	s13 =	sadd.s32 $0x3C0, s20;
	[sflag:s17] =	ssyncset.done $0x0  }
0x319: {  	v4 =	vadd.s32 s13, v1;
	[sflag:s17] =	ssyncadd.s32 $0xFFFFD800  }
0x31a: {  	v7 =	vshll.u32 v4, $0x1;
	_ =	swait.ge [sflag:s17], $0x2800  }
0x31b: {  	v7 =	vand.u32 $0xFFFFFFF0, v7;
	[sflag:s17] =	ssyncset.done $0x0  }
0x31c: {  	s25 =	simm.s32 $0x2;
	v7 =	vor.u32 v21, v7;
	[sflag:s17] =	ssyncadd.s32 $0xFFFFD800  }
0x31d: {  	v41 =	vperm.xlane v7, v36;
	[tilespmem:s16], [sflag:$0x5] =	stream.linear.gather [hbm4b:s18+s4], $0x2800, $0x38;
	[tilespmem:$0xD200] =	vst v63  }
0x31e: {  	_ =	swait.ge [sflag:s25], $0x2800  }
0x31f: {  	v7 =	vperm.xlane v7, v39;
	v41 =	vadd.s32 v16, v41;
	[sflag:s25] =	ssyncset.done $0x0  }
0x320: {  	s0 =	sadd.s32 $0x400, s20;
	[sflag:s25] =	ssyncadd.s32 $0xFFFFD800  }
0x321: {  	s5 =	sadd.s32 $0x420, s20;
	v7 =	vadd.s32 v16, v7;
	[tilespmem:$0x200] =	vst v4;
	v4 =	vadd.s32 s0, v1  }
0x322: {  	[tilespmem:$0x210] =	vst v4;
	v4 =	vadd.s32 s5, v1  }
0x323: {  	[tilespmem:$0x218] =	vst v4  }
0x324: {  	[hbm4b:s3+s4] =	stream.indirect_vreg.scatter [tilespmem:s15], [sflag:$0x7], $0x80, v41, vm0, $0xb8;
	[tilespmem:$0xD200] =	vst v63  }
0x325: {  	_ = 	snop  }
0x326: {  	[hbm4b:s3+s4] =	stream.indirect_vreg.scatter [tilespmem:s8], [sflag:$0x7], $0x80, v7, vm0, $0xb8;
	[tilespmem:$0xD200] =	vst v63  }
0x327: {  	v4 =	vld [tilespmem:$0x210];
	_ =	sdelay $0x4  }
0x328: {  	v7 =	vshll.u32 v4, $0x1  }
0x329: {  	v4 =	vand.u32 $0x7, v4;
	v7 =	vand.u32 $0xFFFFFFF0, v7  }
0x32a: {  	v4 =	vor.u32 v4, v7  }
0x32b: {  	v7 =	vperm.xlane v4, v36;
	_ =	sdelay $0x1  }
0x32c: {  	v4 =	vperm.xlane v4, v39;
	v7 =	vadd.s32 v16, v7;
	_ =	sdelay $0x1  }
0x32d: {  	v4 =	vadd.s32 v16, v4;
	_ =	sdelay $0x2  }
0x32e: {  	[hbm4b:s3+s4] =	stream.indirect_vreg.scatter [tilespmem:s9], [sflag:$0x7], $0x80, v7, vm0, $0xb8;
	[tilespmem:$0xD200] =	vst v63  }
0x32f: {  	_ = 	snop  }
0x330: {  	[hbm4b:s3+s4] =	stream.indirect_vreg.scatter [tilespmem:s10], [sflag:$0x7], $0x80, v4, vm0, $0xb8;
	[tilespmem:$0xD200] =	vst v63  }
0x331: {  	v4 =	vld.msk [tilespmem:$0x220], $0xff;
	_ =	sdelay $0x4  }
0x332: {  	v7 =	vshll.u32 v4, $0x1  }
0x333: {  	v4 =	vand.u32 $0x7, v4;
	v7 =	vand.u32 $0xFFFFFFF0, v7  }
0x334: {  	v4 =	vor.u32 v4, v7  }
0x335: {  	s13 =	sadd.s32 $0x3C1, s20;
	v4 =	vperm.xlane v4, v36  }
0x336: {  	v7 =	vadd.s32 s13, v1  }
0x337: {  	v41 =	vshll.u32 v7, $0x1;
	v4 =	vadd.s32 v16, v4  }
0x338: {  	v43 =	vand.u32 $0x7, v7;
	v41 =	vand.u32 $0xFFFFFFF0, v41  }
0x339: {  	v41 =	vor.u32 v43, v41  }
0x33a: {  	v43 =	vperm.xlane v41, v36;
	_ =	sdelay $0x1  }
0x33b: {  	v41 =	vperm.xlane v41, v39;
	[hbm4b:s3+s4] =	stream.indirect_vreg.scatter [tilespmem:s11], [sflag:$0x7], $0x80, v4, vm0, $0xb8;
	v4 =	vadd.s32 v16, v43;
	[tilespmem:$0xD200] =	vst v63  }
0x33c: {  	s16 =	sadd.s32 $0x401, s20  }
0x33d: {  	s25 =	sadd.s32 $0x421, s20;
	v41 =	vadd.s32 v16, v41;
	[tilespmem:$0x280] =	vst v7;
	v7 =	vadd.s32 s16, v1  }
0x33e: {  	[tilespmem:$0x290] =	vst v7;
	v7 =	vadd.s32 s25, v1  }
0x33f: {  	[tilespmem:$0x298] =	vst v7  }
0x340: {  	[hbm4b:s3+s4] =	stream.indirect_vreg.scatter [tilespmem:s15], [sflag:$0x7], $0x80, v4, vm0, $0xb8;
	[tilespmem:$0xD200] =	vst v63  }
0x341: {  	_ = 	snop  }
0x342: {  	[hbm4b:s3+s4] =	stream.indirect_vreg.scatter [tilespmem:s8], [sflag:$0x7], $0x80, v41, vm0, $0xb8;
	[tilespmem:$0xD200] =	vst v63  }
0x343: {  	v4 =	vld [tilespmem:$0x290];
	_ =	sdelay $0x4  }
0x344: {  	v7 =	vshll.u32 v4, $0x1  }
0x345: {  	v4 =	vand.u32 $0x7, v4;
	v7 =	vand.u32 $0xFFFFFFF0, v7  }
0x346: {  	v4 =	vor.u32 v4, v7  }
0x347: {  	v7 =	vperm.xlane v4, v36;
	_ =	sdelay $0x1  }
0x348: {  	v4 =	vperm.xlane v4, v39;
	v7 =	vadd.s32 v16, v7;
	_ =	sdelay $0x1  }
0x349: {  	v4 =	vadd.s32 v16, v4;
	_ =	sdelay $0x2  }
0x34a: {  	[hbm4b:s3+s4] =	stream.indirect_vreg.scatter [tilespmem:s9], [sflag:$0x7], $0x80, v7, vm0, $0xb8;
	[tilespmem:$0xD200] =	vst v63  }
0x34b: {  	_ = 	snop  }
0x34c: {  	[hbm4b:s3+s4] =	stream.indirect_vreg.scatter [tilespmem:s10], [sflag:$0x7], $0x80, v4, vm0, $0xb8;
	[tilespmem:$0xD200] =	vst v63  }
0x34d: {  	v4 =	vld.msk [tilespmem:$0x2A0], $0xff;
	_ =	sdelay $0x4  }
0x34e: {  	v7 =	vshll.u32 v4, $0x1  }
0x34f: {  	v4 =	vand.u32 $0x7, v4;
	v7 =	vand.u32 $0xFFFFFFF0, v7  }
0x350: {  	v4 =	vor.u32 v4, v7  }
0x351: {  	s0 =	sadd.s32 $0x3C2, s20;
	v4 =	vperm.xlane v4, v36  }
0x352: {  	v7 =	vadd.s32 s0, v1  }
0x353: {  	v41 =	vshll.u32 v7, $0x1;
	v4 =	vadd.s32 v16, v4  }
0x354: {  	v43 =	vand.u32 $0x7, v7;
	v41 =	vand.u32 $0xFFFFFFF0, v41  }
0x355: {  	v41 =	vor.u32 v43, v41  }
0x356: {  	v43 =	vperm.xlane v41, v36;
	_ =	sdelay $0x1  }
0x357: {  	v41 =	vperm.xlane v41, v39;
	[hbm4b:s3+s4] =	stream.indirect_vreg.scatter [tilespmem:s11], [sflag:$0x7], $0x80, v4, vm0, $0xb8;
	v4 =	vadd.s32 v16, v43;
	[tilespmem:$0xD200] =	vst v63  }
0x358: {  	s5 =	sadd.s32 $0x402, s20  }
0x359: {  	s13 =	sadd.s32 $0x422, s20;
	v41 =	vadd.s32 v16, v41;
	[tilespmem:$0x300] =	vst v7;
	v7 =	vadd.s32 s5, v1  }
0x35a: {  	[tilespmem:$0x310] =	vst v7;
	v7 =	vadd.s32 s13, v1  }
0x35b: {  	[tilespmem:$0x318] =	vst v7  }
0x35c: {  	[hbm4b:s3+s4] =	stream.indirect_vreg.scatter [tilespmem:s15], [sflag:$0x7], $0x80, v4, vm0, $0xb8;
	[tilespmem:$0xD200] =	vst v63  }
0x35d: {  	_ = 	snop  }
0x35e: {  	[hbm4b:s3+s4] =	stream.indirect_vreg.scatter [tilespmem:s8], [sflag:$0x7], $0x80, v41, vm0, $0xb8;
	[tilespmem:$0xD200] =	vst v63  }
0x35f: {  	v4 =	vld [tilespmem:$0x310];
	_ =	sdelay $0x4  }
0x360: {  	v7 =	vshll.u32 v4, $0x1  }
0x361: {  	v4 =	vand.u32 $0x7, v4;
	v7 =	vand.u32 $0xFFFFFFF0, v7  }
0x362: {  	v4 =	vor.u32 v4, v7  }
0x363: {  	v7 =	vperm.xlane v4, v36;
	_ =	sdelay $0x1  }
0x364: {  	v4 =	vperm.xlane v4, v39;
	v7 =	vadd.s32 v16, v7;
	_ =	sdelay $0x1  }
0x365: {  	v4 =	vadd.s32 v16, v4;
	_ =	sdelay $0x2  }
0x366: {  	[hbm4b:s3+s4] =	stream.indirect_vreg.scatter [tilespmem:s9], [sflag:$0x7], $0x80, v7, vm0, $0xb8;
	[tilespmem:$0xD200] =	vst v63  }
0x367: {  	_ = 	snop  }
0x368: {  	[hbm4b:s3+s4] =	stream.indirect_vreg.scatter [tilespmem:s10], [sflag:$0x7], $0x80, v4, vm0, $0xb8;
	[tilespmem:$0xD200] =	vst v63  }
0x369: {  	v4 =	vld.msk [tilespmem:$0x320], $0xff;
	_ =	sdelay $0x4  }
0x36a: {  	v7 =	vshll.u32 v4, $0x1  }
0x36b: {  	v4 =	vand.u32 $0x7, v4;
	v7 =	vand.u32 $0xFFFFFFF0, v7  }
0x36c: {  	v4 =	vor.u32 v4, v7  }
0x36d: {  	s16 =	sadd.s32 $0x3C3, s20;
	v4 =	vperm.xlane v4, v36  }
0x36e: {  	v7 =	vadd.s32 s16, v1  }
0x36f: {  	v41 =	vshll.u32 v7, $0x1;
	v4 =	vadd.s32 v16, v4  }
0x370: {  	v43 =	vand.u32 $0x7, v7;
	v41 =	vand.u32 $0xFFFFFFF0, v41  }
0x371: {  	v41 =	vor.u32 v43, v41  }
0x372: {  	v43 =	vperm.xlane v41, v36;
	_ =	sdelay $0x1  }
0x373: {  	v41 =	vperm.xlane v41, v39;
	[hbm4b:s3+s4] =	stream.indirect_vreg.scatter [tilespmem:s11], [sflag:$0x7], $0x80, v4, vm0, $0xb8;
	v4 =	vadd.s32 v16, v43;
	[tilespmem:$0xD200] =	vst v63  }
0x374: {  	s25 =	sadd.s32 $0x403, s20  }
0x375: {  	s20 =	sadd.s32 $0x423, s20;
	v43 =	vadd.s32 s25, v1;
	[tilespmem:$0x380] =	vst v7;
	v7 =	vadd.s32 v16, v41  }
0x376: {  	v41 =	vadd.s32 s20, v1;
	[tilespmem:$0x390] =	vst v43  }
0x377: {  	[tilespmem:$0x398] =	vst v41  }
0x378: {  	[hbm4b:s3+s4] =	stream.indirect_vreg.scatter [tilespmem:s15], [sflag:$0x7], $0x80, v4, vm0, $0xb8;
	[tilespmem:$0xD200] =	vst v63  }
0x379: {  	_ = 	snop  }
0x37a: {  	[hbm4b:s3+s4] =	stream.indirect_vreg.scatter [tilespmem:s8], [sflag:$0x7], $0x80, v7, vm0, $0xb8;
	[tilespmem:$0xD200] =	vst v63  }
0x37b: {  	v4 =	vld [tilespmem:$0x390];
	_ =	sdelay $0x4  }
0x37c: {  	v7 =	vshll.u32 v4, $0x1  }
0x37d: {  	v4 =	vand.u32 $0x7, v4;
	v7 =	vand.u32 $0xFFFFFFF0, v7  }
0x37e: {  	v4 =	vor.u32 v4, v7  }
0x37f: {  	v7 =	vperm.xlane v4, v36;
	_ =	sdelay $0x1  }
0x380: {  	v4 =	vperm.xlane v4, v39;
	v7 =	vadd.s32 v16, v7;
	_ =	sdelay $0x1  }
0x381: {  	v4 =	vadd.s32 v16, v4;
	_ =	sdelay $0x2  }
0x382: {  	[hbm4b:s3+s4] =	stream.indirect_vreg.scatter [tilespmem:s9], [sflag:$0x7], $0x80, v7, vm0, $0xb8;
	[tilespmem:$0xD200] =	vst v63  }
0x383: {  	_ = 	snop  }
0x384: {  	[hbm4b:s3+s4] =	stream.indirect_vreg.scatter [tilespmem:s10], [sflag:$0x7], $0x80, v4, vm0, $0xb8;
	[tilespmem:$0xD200] =	vst v63  }
0x385: {  	v4 =	vld.msk [tilespmem:$0x3A0], $0xff;
	_ =	sdelay $0x4  }
0x386: {  	v7 =	vshll.u32 v4, $0x1  }
0x387: {  	v4 =	vand.u32 $0x7, v4;
	v7 =	vand.u32 $0xFFFFFFF0, v7  }
0x388: {  	v4 =	vor.u32 v4, v7  }
0x389: {  	v4 =	vperm.xlane v4, v36;
	_ =	sdelay $0x1  }
0x38a: {  	p0 =	sne.s32 s19, $0x960;
	v4 =	vadd.s32 v16, v4  }
.Ltmp0:
0x38b: {  	_ = 	snop;
	(pc) =	sbr.rel @p0 .LBB2_2-.Ltmp0, $3  }
0x38c: {  	_ =	sdelay $0x1  }
0x38d: {  	s19 =	sadd.s32 $0x320, s19;
	s23 =	smov.u32 s24;
	s18 =	sadd.s32 $0x1900, s18  }
0x38e: {  	[hbm4b:s3+s4] =	stream.indirect_vreg.scatter [tilespmem:s11], [sflag:$0x7], $0x80, v4, vm0, $0xb8;
	[tilespmem:$0xD200] =	vst v63  }
0x38f: {  	s0 =	simm.s32 $0x3  }
0x390: {  	_ =	swait.ge [sflag:s0], $0x2800  }
0x391: {  	v41 =	vld [tilespmem:$0x1FF80];
	_ =	sdelay $0x2  }
0x392: {  	[sflag:s0] =	ssyncset.done $0x0  }
0x393: {  	v4 =	vperm.xlane v32, v36;
	[sflag:s0] =	ssyncadd.s32 $0xFFFFD800  }
0x394: {  	[tilespmem:$0x410] =	vst v41;
	v41 =	vld [tilespmem:$0x1FF90]  }
0x395: {  	v7 =	vperm.xlane v32, v39;
	v4 =	vadd.s32 v16, v4;
	_ =	sdelay $0x1  }
0x396: {  	v7 =	vadd.s32 v16, v7  }
0x397: {  	[tilespmem:$0x400] =	vst v31  }
0x398: {  	s2 =	simm.s32 $0x5A00;
	[tilespmem:$0x418] =	vst v41  }
0x399: {  	[hbm4b:s3+s4] =	stream.indirect_vreg.scatter [tilespmem:s2], [sflag:$0x8], $0x80, v4, vm0, $0xb8;
	[tilespmem:$0xD200] =	vst v63  }
0x39a: {  	_ = 	snop  }
0x39b: {  	[hbm4b:s3+s4] =	stream.indirect_vreg.scatter [tilespmem:s22], [sflag:$0x8], $0x80, v7, vm0, $0xb8;
	[tilespmem:$0xD200] =	vst v63  }
0x39c: {  	v4 =	vld [tilespmem:$0x410];
	_ =	sdelay $0x4  }
0x39d: {  	v7 =	vshll.u32 v4, $0x1  }
0x39e: {  	v4 =	vand.u32 $0x7, v4;
	v7 =	vand.u32 $0xFFFFFFF0, v7  }
0x39f: {  	v4 =	vor.u32 v4, v7  }
0x3a0: {  	v7 =	vperm.xlane v4, v36;
	_ =	sdelay $0x1  }
0x3a1: {  	v4 =	vperm.xlane v4, v39;
	v7 =	vadd.s32 v16, v7;
	_ =	sdelay $0x1  }
0x3a2: {  	v4 =	vadd.s32 v16, v4;
	_ =	sdelay $0x2  }
0x3a3: {  	[hbm4b:s3+s4] =	stream.indirect_vreg.scatter [tilespmem:s29], [sflag:$0x8], $0x80, v7, vm0, $0xb8;
	[tilespmem:$0xD200] =	vst v63  }
0x3a4: {  	_ = 	snop  }
0x3a5: {  	[hbm4b:s3+s4] =	stream.indirect_vreg.scatter [tilespmem:s7], [sflag:$0x8], $0x80, v4, vm0, $0xb8;
	[tilespmem:$0xD200] =	vst v63  }
0x3a6: {  	v4 =	vld.msk [tilespmem:$0x420], $0xff;
	_ =	sdelay $0x4  }
0x3a7: {  	v7 =	vshll.u32 v4, $0x1  }
0x3a8: {  	v4 =	vand.u32 $0x7, v4;
	v7 =	vand.u32 $0xFFFFFFF0, v7  }
0x3a9: {  	v4 =	vor.u32 v4, v7  }
0x3aa: {  	v4 =	vperm.xlane v4, v36;
	_ =	sdelay $0x1  }
0x3ab: {  	v4 =	vadd.s32 v16, v4;
	_ =	sdelay $0x2  }
0x3ac: {  	v41 =	vperm.xlane v38, v39  }
0x3ad: {  	s10 =	simm.s32 $0x7A00  }
0x3ae: {  	[hbm4b:s3+s4] =	stream.indirect_vreg.scatter [tilespmem:s10], [sflag:$0x8], $0x80, v4, vm0, $0xb8;
	v4 =	vadd.s32 v16, v41;
	v41 =	vld [tilespmem:$0x1FFA0]  }
0x3af: {  	_ =	sdelay $0x2  }
0x3b0: {  	v7 =	vperm.xlane v38, v36  }
0x3b1: {  	[tilespmem:$0x490] =	vst v41;
	v41 =	vld [tilespmem:$0x1FFB0]  }
0x3b2: {  	v7 =	vadd.s32 v16, v7;
	_ =	sdelay $0x2  }
0x3b3: {  	[tilespmem:$0x480] =	vst v34  }
0x3b4: {  	[tilespmem:$0x498] =	vst v41  }
0x3b5: {  	[hbm4b:s3+s4] =	stream.indirect_vreg.scatter [tilespmem:s2], [sflag:$0x8], $0x80, v7, vm0, $0xb8;
	[tilespmem:$0xD200] =	vst v63  }
0x3b6: {  	_ = 	snop  }
0x3b7: {  	[hbm4b:s3+s4] =	stream.indirect_vreg.scatter [tilespmem:s22], [sflag:$0x8], $0x80, v4, vm0, $0xb8;
	[tilespmem:$0xD200] =	vst v63  }
0x3b8: {  	v4 =	vld [tilespmem:$0x490];
	_ =	sdelay $0x4  }
0x3b9: {  	v7 =	vshll.u32 v4, $0x1  }
0x3ba: {  	v4 =	vand.u32 $0x7, v4;
	v7 =	vand.u32 $0xFFFFFFF0, v7  }
0x3bb: {  	v4 =	vor.u32 v4, v7  }
0x3bc: {  	v7 =	vperm.xlane v4, v36;
	_ =	sdelay $0x1  }
0x3bd: {  	v4 =	vperm.xlane v4, v39;
	v7 =	vadd.s32 v16, v7;
	_ =	sdelay $0x1  }
0x3be: {  	v4 =	vadd.s32 v16, v4;
	_ =	sdelay $0x2  }
0x3bf: {  	[hbm4b:s3+s4] =	stream.indirect_vreg.scatter [tilespmem:s29], [sflag:$0x8], $0x80, v7, vm0, $0xb8;
	[tilespmem:$0xD200] =	vst v63  }
0x3c0: {  	_ = 	snop  }
0x3c1: {  	[hbm4b:s3+s4] =	stream.indirect_vreg.scatter [tilespmem:s7], [sflag:$0x8], $0x80, v4, vm0, $0xb8;
	[tilespmem:$0xD200] =	vst v63  }
0x3c2: {  	v4 =	vld.msk [tilespmem:$0x4A0], $0xff;
	_ =	sdelay $0x4  }
0x3c3: {  	v7 =	vshll.u32 v4, $0x1  }
0x3c4: {  	v4 =	vand.u32 $0x7, v4;
	v7 =	vand.u32 $0xFFFFFFF0, v7  }
0x3c5: {  	v4 =	vor.u32 v4, v7  }
0x3c6: {  	v4 =	vperm.xlane v4, v36;
	_ =	sdelay $0x1  }
0x3c7: {  	v4 =	vadd.s32 v16, v4;
	_ =	sdelay $0x2  }
0x3c8: {  	v41 =	vperm.xlane v42, v39;
	_ =	sdelay $0x1  }
0x3c9: {  	[hbm4b:s3+s4] =	stream.indirect_vreg.scatter [tilespmem:s10], [sflag:$0x8], $0x80, v4, vm0, $0xb8;
	v4 =	vadd.s32 v16, v41;
	v41 =	vld [tilespmem:$0x1FFC0]  }
0x3ca: {  	_ =	sdelay $0x2  }
0x3cb: {  	v7 =	vperm.xlane v42, v36  }
0x3cc: {  	[tilespmem:$0x510] =	vst v41;
	v41 =	vld [tilespmem:$0x1FFD0]  }
0x3cd: {  	v7 =	vadd.s32 v16, v7;
	_ =	sdelay $0x2  }
0x3ce: {  	[tilespmem:$0x500] =	vst v37  }
0x3cf: {  	[tilespmem:$0x518] =	vst v41  }
0x3d0: {  	[hbm4b:s3+s4] =	stream.indirect_vreg.scatter [tilespmem:s2], [sflag:$0x8], $0x80, v7, vm0, $0xb8;
	[tilespmem:$0xD200] =	vst v63  }
0x3d1: {  	_ = 	snop  }
0x3d2: {  	[hbm4b:s3+s4] =	stream.indirect_vreg.scatter [tilespmem:s22], [sflag:$0x8], $0x80, v4, vm0, $0xb8;
	[tilespmem:$0xD200] =	vst v63  }
0x3d3: {  	v4 =	vld [tilespmem:$0x510];
	_ =	sdelay $0x4  }
0x3d4: {  	v7 =	vshll.u32 v4, $0x1  }
0x3d5: {  	v4 =	vand.u32 $0x7, v4;
	v7 =	vand.u32 $0xFFFFFFF0, v7  }
0x3d6: {  	v4 =	vor.u32 v4, v7  }
0x3d7: {  	v7 =	vperm.xlane v4, v36;
	_ =	sdelay $0x1  }
0x3d8: {  	v4 =	vperm.xlane v4, v39;
	v7 =	vadd.s32 v16, v7;
	_ =	sdelay $0x1  }
0x3d9: {  	v4 =	vadd.s32 v16, v4;
	_ =	sdelay $0x2  }
0x3da: {  	[hbm4b:s3+s4] =	stream.indirect_vreg.scatter [tilespmem:s29], [sflag:$0x8], $0x80, v7, vm0, $0xb8;
	[tilespmem:$0xD200] =	vst v63  }
0x3db: {  	_ = 	snop  }
0x3dc: {  	[hbm4b:s3+s4] =	stream.indirect_vreg.scatter [tilespmem:s7], [sflag:$0x8], $0x80, v4, vm0, $0xb8;
	[tilespmem:$0xD200] =	vst v63  }
0x3dd: {  	v4 =	vld.msk [tilespmem:$0x520], $0xff;
	_ =	sdelay $0x4  }
0x3de: {  	v7 =	vshll.u32 v4, $0x1  }
0x3df: {  	v4 =	vand.u32 $0x7, v4;
	v7 =	vand.u32 $0xFFFFFFF0, v7  }
0x3e0: {  	v4 =	vor.u32 v4, v7  }
0x3e1: {  	v4 =	vperm.xlane v4, v36;
	_ =	sdelay $0x1  }
0x3e2: {  	v4 =	vadd.s32 v16, v4;
	_ =	sdelay $0x2  }
0x3e3: {  	v41 =	vperm.xlane v45, v39;
	_ =	sdelay $0x1  }
0x3e4: {  	[hbm4b:s3+s4] =	stream.indirect_vreg.scatter [tilespmem:s10], [sflag:$0x8], $0x80, v4, vm0, $0xb8;
	v4 =	vadd.s32 v16, v41;
	v41 =	vld [tilespmem:$0x1FFE0]  }
0x3e5: {  	_ =	sdelay $0x2  }
0x3e6: {  	v7 =	vperm.xlane v45, v36  }
0x3e7: {  	[tilespmem:$0x590] =	vst v41;
	v41 =	vld [tilespmem:$0x1FFF0]  }
0x3e8: {  	v7 =	vadd.s32 v16, v7;
	_ =	sdelay $0x2  }
0x3e9: {  	[tilespmem:$0x580] =	vst v40  }
0x3ea: {  	[tilespmem:$0x598] =	vst v41  }
0x3eb: {  	[hbm4b:s3+s4] =	stream.indirect_vreg.scatter [tilespmem:s2], [sflag:$0x8], $0x80, v7, vm0, $0xb8;
	[tilespmem:$0xD200] =	vst v63  }
0x3ec: {  	_ = 	snop  }
0x3ed: {  	[hbm4b:s3+s4] =	stream.indirect_vreg.scatter [tilespmem:s22], [sflag:$0x8], $0x80, v4, vm0, $0xb8;
	[tilespmem:$0xD200] =	vst v63  }
0x3ee: {  	v4 =	vld [tilespmem:$0x590];
	_ =	sdelay $0x4  }
0x3ef: {  	v7 =	vshll.u32 v4, $0x1  }
0x3f0: {  	v4 =	vand.u32 $0x7, v4;
	v7 =	vand.u32 $0xFFFFFFF0, v7  }
0x3f1: {  	v4 =	vor.u32 v4, v7  }
0x3f2: {  	v7 =	vperm.xlane v4, v36;
	_ =	sdelay $0x1  }
0x3f3: {  	v4 =	vperm.xlane v4, v39;
	v7 =	vadd.s32 v16, v7;
	_ =	sdelay $0x1  }
0x3f4: {  	v4 =	vadd.s32 v16, v4;
	_ =	sdelay $0x2  }
0x3f5: {  	[hbm4b:s3+s4] =	stream.indirect_vreg.scatter [tilespmem:s29], [sflag:$0x8], $0x80, v7, vm0, $0xb8;
	[tilespmem:$0xD200] =	vst v63  }
0x3f6: {  	_ = 	snop  }
0x3f7: {  	[hbm4b:s3+s4] =	stream.indirect_vreg.scatter [tilespmem:s7], [sflag:$0x8], $0x80, v4, vm0, $0xb8;
	[tilespmem:$0xD200] =	vst v63  }
0x3f8: {  	v4 =	vld.msk [tilespmem:$0x5A0], $0xff;
	_ =	sdelay $0x4  }
0x3f9: {  	v7 =	vshll.u32 v4, $0x1  }
0x3fa: {  	v4 =	vand.u32 $0x7, v4;
	v7 =	vand.u32 $0xFFFFFFF0, v7  }
0x3fb: {  	v4 =	vor.u32 v4, v7  }
0x3fc: {  	v4 =	vperm.xlane v4, v36;
	_ =	sdelay $0x1  }
0x3fd: {  	v4 =	vadd.s32 v16, v4;
	_ =	sdelay $0x3  }
0x3fe: {  	s11 =	simm.s32 $0x4  }
0x3ff: {  	[hbm4b:s3+s4] =	stream.indirect_vreg.scatter [tilespmem:s10], [sflag:$0x8], $0x80, v4, vm0, $0xb8;
	v4 =	vperm.xlane v33, v36;
	[tilespmem:$0xD200] =	vst v63  }
0x400: {  	_ =	swait.ge [sflag:s11], $0x2800  }
0x401: {  	v7 =	vperm.xlane v33, v39;
	[sflag:s11] =	ssyncset.done $0x0;
	v4 =	vadd.s32 v16, v4  }
0x402: {  	[sflag:s11] =	ssyncadd.s32 $0xFFFFD800  }
0x403: {  	v7 =	vadd.s32 v16, v7;
	[tilespmem:$0x600] =	vst v46  }
0x404: {  	[tilespmem:$0x610] =	vst v47  }
0x405: {  	s13 =	simm.s32 $0x8200;
	[tilespmem:$0x618] =	vst v48  }
0x406: {  	[hbm4b:s3+s4] =	stream.indirect_vreg.scatter [tilespmem:s13], [sflag:$0x9], $0x80, v4, vm0, $0xb8;
	[tilespmem:$0xD200] =	vst v63  }
0x407: {  	s9 =	simm.s32 $0x8A00  }
0x408: {  	[hbm4b:s3+s4] =	stream.indirect_vreg.scatter [tilespmem:s9], [sflag:$0x9], $0x80, v7, vm0, $0xb8;
	[tilespmem:$0xD200] =	vst v63  }
0x409: {  	v4 =	vld [tilespmem:$0x610];
	_ =	sdelay $0x4  }
0x40a: {  	v7 =	vshll.u32 v4, $0x1  }
0x40b: {  	v4 =	vand.u32 $0x7, v4;
	v7 =	vand.u32 $0xFFFFFFF0, v7  }
0x40c: {  	v4 =	vor.u32 v4, v7  }
0x40d: {  	v7 =	vperm.xlane v4, v36;
	_ =	sdelay $0x1  }
0x40e: {  	v4 =	vperm.xlane v4, v39;
	v7 =	vadd.s32 v16, v7;
	_ =	sdelay $0x1  }
0x40f: {  	v4 =	vadd.s32 v16, v4;
	_ =	sdelay $0x1  }
0x410: {  	s8 =	simm.s32 $0x9200  }
0x411: {  	[hbm4b:s3+s4] =	stream.indirect_vreg.scatter [tilespmem:s8], [sflag:$0x9], $0x80, v7, vm0, $0xb8;
	[tilespmem:$0xD200] =	vst v63  }
0x412: {  	s5 =	simm.s32 $0x9A00  }
0x413: {  	[hbm4b:s3+s4] =	stream.indirect_vreg.scatter [tilespmem:s5], [sflag:$0x9], $0x80, v4, vm0, $0xb8;
	[tilespmem:$0xD200] =	vst v63  }
0x414: {  	v4 =	vld.msk [tilespmem:$0x620], $0xff;
	_ =	sdelay $0x4  }
0x415: {  	v7 =	vshll.u32 v4, $0x1  }
0x416: {  	v4 =	vand.u32 $0x7, v4;
	v7 =	vand.u32 $0xFFFFFFF0, v7  }
0x417: {  	v4 =	vor.u32 v4, v7  }
0x418: {  	v4 =	vperm.xlane v4, v36;
	_ =	sdelay $0x1  }
0x419: {  	v4 =	vadd.s32 v16, v4;
	_ =	sdelay $0x1  }
0x41a: {  	v7 =	vperm.xlane v53, v36;
	_ =	sdelay $0x1  }
0x41b: {  	s16 =	simm.s32 $0xA200;
	v41 =	vperm.xlane v53, v39;
	v7 =	vadd.s32 v16, v7  }
0x41c: {  	[hbm4b:s3+s4] =	stream.indirect_vreg.scatter [tilespmem:s16], [sflag:$0x9], $0x80, v4, vm0, $0xb8;
	[tilespmem:$0xD200] =	vst v63  }
0x41d: {  	v4 =	vadd.s32 v16, v41;
	[tilespmem:$0x680] =	vst v49  }
0x41e: {  	[tilespmem:$0x690] =	vst v50  }
0x41f: {  	[tilespmem:$0x698] =	vst v51  }
0x420: {  	[hbm4b:s3+s4] =	stream.indirect_vreg.scatter [tilespmem:s13], [sflag:$0x9], $0x80, v7, vm0, $0xb8;
	[tilespmem:$0xD200] =	vst v63  }
0x421: {  	_ = 	snop  }
0x422: {  	[hbm4b:s3+s4] =	stream.indirect_vreg.scatter [tilespmem:s9], [sflag:$0x9], $0x80, v4, vm0, $0xb8;
	[tilespmem:$0xD200] =	vst v63  }
0x423: {  	v4 =	vld [tilespmem:$0x690];
	_ =	sdelay $0x4  }
0x424: {  	v7 =	vshll.u32 v4, $0x1  }
0x425: {  	v4 =	vand.u32 $0x7, v4;
	v7 =	vand.u32 $0xFFFFFFF0, v7  }
0x426: {  	v4 =	vor.u32 v4, v7  }
0x427: {  	v7 =	vperm.xlane v4, v36;
	_ =	sdelay $0x1  }
0x428: {  	v4 =	vperm.xlane v4, v39;
	v7 =	vadd.s32 v16, v7;
	_ =	sdelay $0x1  }
0x429: {  	v4 =	vadd.s32 v16, v4;
	_ =	sdelay $0x2  }
0x42a: {  	[hbm4b:s3+s4] =	stream.indirect_vreg.scatter [tilespmem:s8], [sflag:$0x9], $0x80, v7, vm0, $0xb8;
	[tilespmem:$0xD200] =	vst v63  }
0x42b: {  	_ = 	snop  }
0x42c: {  	[hbm4b:s3+s4] =	stream.indirect_vreg.scatter [tilespmem:s5], [sflag:$0x9], $0x80, v4, vm0, $0xb8;
	[tilespmem:$0xD200] =	vst v63  }
0x42d: {  	v4 =	vld.msk [tilespmem:$0x6A0], $0xff;
	_ =	sdelay $0x4  }
0x42e: {  	v7 =	vshll.u32 v4, $0x1  }
0x42f: {  	v4 =	vand.u32 $0x7, v4;
	v7 =	vand.u32 $0xFFFFFFF0, v7  }
0x430: {  	v4 =	vor.u32 v4, v7  }
0x431: {  	v4 =	vperm.xlane v4, v36;
	_ =	sdelay $0x1  }
0x432: {  	v4 =	vadd.s32 v16, v4;
	_ =	sdelay $0x1  }
0x433: {  	v7 =	vperm.xlane v57, v36;
	_ =	sdelay $0x1  }
0x434: {  	v41 =	vperm.xlane v57, v39;
	v7 =	vadd.s32 v16, v7  }
0x435: {  	[hbm4b:s3+s4] =	stream.indirect_vreg.scatter [tilespmem:s16], [sflag:$0x9], $0x80, v4, vm0, $0xb8;
	[tilespmem:$0xD200] =	vst v63  }
0x436: {  	v4 =	vadd.s32 v16, v41;
	[tilespmem:$0x700] =	vst v52  }
0x437: {  	[tilespmem:$0x710] =	vst v54  }
0x438: {  	[tilespmem:$0x718] =	vst v56  }
0x439: {  	[hbm4b:s3+s4] =	stream.indirect_vreg.scatter [tilespmem:s13], [sflag:$0x9], $0x80, v7, vm0, $0xb8;
	[tilespmem:$0xD200] =	vst v63  }
0x43a: {  	_ = 	snop  }
0x43b: {  	[hbm4b:s3+s4] =	stream.indirect_vreg.scatter [tilespmem:s9], [sflag:$0x9], $0x80, v4, vm0, $0xb8;
	[tilespmem:$0xD200] =	vst v63  }
0x43c: {  	v4 =	vld [tilespmem:$0x710];
	_ =	sdelay $0x4  }
0x43d: {  	v7 =	vshll.u32 v4, $0x1  }
0x43e: {  	v4 =	vand.u32 $0x7, v4;
	v7 =	vand.u32 $0xFFFFFFF0, v7  }
0x43f: {  	v4 =	vor.u32 v4, v7  }
0x440: {  	v7 =	vperm.xlane v4, v36;
	_ =	sdelay $0x1  }
0x441: {  	v4 =	vperm.xlane v4, v39;
	v7 =	vadd.s32 v16, v7;
	_ =	sdelay $0x1  }
0x442: {  	v4 =	vadd.s32 v16, v4;
	_ =	sdelay $0x2  }
0x443: {  	[hbm4b:s3+s4] =	stream.indirect_vreg.scatter [tilespmem:s8], [sflag:$0x9], $0x80, v7, vm0, $0xb8;
	[tilespmem:$0xD200] =	vst v63  }
0x444: {  	_ = 	snop  }
0x445: {  	[hbm4b:s3+s4] =	stream.indirect_vreg.scatter [tilespmem:s5], [sflag:$0x9], $0x80, v4, vm0, $0xb8;
	[tilespmem:$0xD200] =	vst v63  }
0x446: {  	v4 =	vld.msk [tilespmem:$0x720], $0xff;
	_ =	sdelay $0x4  }
0x447: {  	v7 =	vshll.u32 v4, $0x1  }
0x448: {  	v4 =	vand.u32 $0x7, v4;
	v7 =	vand.u32 $0xFFFFFFF0, v7  }
0x449: {  	v4 =	vor.u32 v4, v7  }
0x44a: {  	v4 =	vperm.xlane v4, v36;
	_ =	sdelay $0x1  }
0x44b: {  	v4 =	vadd.s32 v16, v4;
	_ =	sdelay $0x1  }
0x44c: {  	v7 =	vperm.xlane v59, v36;
	_ =	sdelay $0x1  }
0x44d: {  	v41 =	vperm.xlane v59, v39;
	v7 =	vadd.s32 v16, v7  }
0x44e: {  	[hbm4b:s3+s4] =	stream.indirect_vreg.scatter [tilespmem:s16], [sflag:$0x9], $0x80, v4, vm0, $0xb8;
	[tilespmem:$0xD200] =	vst v63  }
0x44f: {  	v4 =	vadd.s32 v16, v41;
	[tilespmem:$0x780] =	vst v55  }
0x450: {  	[tilespmem:$0x790] =	vst v63  }
0x451: {  	[tilespmem:$0x798] =	vst v2  }
0x452: {  	[hbm4b:s3+s4] =	stream.indirect_vreg.scatter [tilespmem:s13], [sflag:$0x9], $0x80, v7, vm0, $0xb8;
	[tilespmem:$0xD200] =	vst v63  }
0x453: {  	_ = 	snop  }
0x454: {  	[hbm4b:s3+s4] =	stream.indirect_vreg.scatter [tilespmem:s9], [sflag:$0x9], $0x80, v4, vm0, $0xb8;
	[tilespmem:$0xD200] =	vst v63  }
0x455: {  	v4 =	vld [tilespmem:$0x790];
	_ =	sdelay $0x4  }
0x456: {  	v7 =	vshll.u32 v4, $0x1  }
0x457: {  	v4 =	vand.u32 $0x7, v4;
	v7 =	vand.u32 $0xFFFFFFF0, v7  }
0x458: {  	v4 =	vor.u32 v4, v7  }
0x459: {  	v7 =	vperm.xlane v4, v36;
	_ =	sdelay $0x1  }
0x45a: {  	v4 =	vperm.xlane v4, v39;
	v7 =	vadd.s32 v16, v7;
	_ =	sdelay $0x1  }
0x45b: {  	v4 =	vadd.s32 v16, v4;
	_ =	sdelay $0x2  }
0x45c: {  	[hbm4b:s3+s4] =	stream.indirect_vreg.scatter [tilespmem:s8], [sflag:$0x9], $0x80, v7, vm0, $0xb8;
	[tilespmem:$0xD200] =	vst v63  }
0x45d: {  	_ = 	snop  }
0x45e: {  	[hbm4b:s3+s4] =	stream.indirect_vreg.scatter [tilespmem:s5], [sflag:$0x9], $0x80, v4, vm0, $0xb8;
	[tilespmem:$0xD200] =	vst v63  }
0x45f: {  	v4 =	vld.msk [tilespmem:$0x7A0], $0xff;
	_ =	sdelay $0x4  }
0x460: {  	v7 =	vshll.u32 v4, $0x1  }
0x461: {  	v4 =	vand.u32 $0x7, v4;
	v7 =	vand.u32 $0xFFFFFFF0, v7  }
0x462: {  	v4 =	vor.u32 v4, v7  }
0x463: {  	v4 =	vperm.xlane v4, v36;
	_ =	sdelay $0x1  }
0x464: {  	v4 =	vadd.s32 v16, v4;
	_ =	sdelay $0x3  }
0x465: {  	s18 =	simm.s32 $0x5  }
0x466: {  	[hbm4b:s3+s4] =	stream.indirect_vreg.scatter [tilespmem:s16], [sflag:$0x9], $0x80, v4, vm0, $0xb8;
	v4 =	vperm.xlane v35, v36;
	[tilespmem:$0xD200] =	vst v63  }
0x467: {  	_ =	swait.ge [sflag:s18], $0x2800  }
0x468: {  	v7 =	vperm.xlane v35, v39;
	[sflag:s18] =	ssyncset.done $0x0;
	v4 =	vadd.s32 v16, v4  }
0x469: {  	[sflag:s18] =	ssyncadd.s32 $0xFFFFD800  }
0x46a: {  	v7 =	vadd.s32 v16, v7;
	[tilespmem:$0x800] =	vst v3  }
0x46b: {  	[tilespmem:$0x810] =	vst v5  }
0x46c: {  	s19 =	simm.s32 $0xAA00;
	[tilespmem:$0x818] =	vst v6  }
0x46d: {  	[hbm4b:s3+s4] =	stream.indirect_vreg.scatter [tilespmem:s19], [sflag:$0xA], $0x80, v4, vm0, $0xb8;
	[tilespmem:$0xD200] =	vst v63  }
0x46e: {  	s20 =	simm.s32 $0xB200  }
0x46f: {  	[hbm4b:s3+s4] =	stream.indirect_vreg.scatter [tilespmem:s20], [sflag:$0xA], $0x80, v7, vm0, $0xb8;
	[tilespmem:$0xD200] =	vst v63  }
0x470: {  	v4 =	vld [tilespmem:$0x810];
	_ =	sdelay $0x4  }
0x471: {  	v7 =	vshll.u32 v4, $0x1  }
0x472: {  	v4 =	vand.u32 $0x7, v4;
	v7 =	vand.u32 $0xFFFFFFF0, v7  }
0x473: {  	v4 =	vor.u32 v4, v7  }
0x474: {  	v7 =	vperm.xlane v4, v36;
	_ =	sdelay $0x1  }
0x475: {  	v4 =	vperm.xlane v4, v39;
	v7 =	vadd.s32 v16, v7;
	_ =	sdelay $0x1  }
0x476: {  	v4 =	vadd.s32 v16, v4;
	_ =	sdelay $0x1  }
0x477: {  	s24 =	simm.s32 $0xBA00  }
0x478: {  	[hbm4b:s3+s4] =	stream.indirect_vreg.scatter [tilespmem:s24], [sflag:$0xA], $0x80, v7, vm0, $0xb8;
	[tilespmem:$0xD200] =	vst v63  }
0x479: {  	s25 =	simm.s32 $0xC200  }
0x47a: {  	[hbm4b:s3+s4] =	stream.indirect_vreg.scatter [tilespmem:s25], [sflag:$0xA], $0x80, v4, vm0, $0xb8;
	[tilespmem:$0xD200] =	vst v63  }
0x47b: {  	v4 =	vld.msk [tilespmem:$0x820], $0xff;
	_ =	sdelay $0x4  }
0x47c: {  	v7 =	vshll.u32 v4, $0x1  }
0x47d: {  	v4 =	vand.u32 $0x7, v4;
	v7 =	vand.u32 $0xFFFFFFF0, v7  }
0x47e: {  	v4 =	vor.u32 v4, v7  }
0x47f: {  	v4 =	vperm.xlane v4, v36;
	_ =	sdelay $0x1  }
0x480: {  	v4 =	vadd.s32 v16, v4;
	_ =	sdelay $0x1  }
0x481: {  	v7 =	vperm.xlane v61, v36;
	_ =	sdelay $0x1  }
0x482: {  	s26 =	simm.s32 $0xCA00;
	v41 =	vperm.xlane v61, v39;
	v7 =	vadd.s32 v16, v7  }
0x483: {  	[hbm4b:s3+s4] =	stream.indirect_vreg.scatter [tilespmem:s26], [sflag:$0xA], $0x80, v4, vm0, $0xb8;
	[tilespmem:$0xD200] =	vst v63  }
0x484: {  	v4 =	vadd.s32 v16, v41;
	[tilespmem:$0x880] =	vst v58  }
0x485: {  	[tilespmem:$0x890] =	vst v9  }
0x486: {  	[tilespmem:$0x898] =	vst v11  }
0x487: {  	[hbm4b:s3+s4] =	stream.indirect_vreg.scatter [tilespmem:s19], [sflag:$0xA], $0x80, v7, vm0, $0xb8;
	[tilespmem:$0xD200] =	vst v63  }
0x488: {  	_ = 	snop  }
0x489: {  	[hbm4b:s3+s4] =	stream.indirect_vreg.scatter [tilespmem:s20], [sflag:$0xA], $0x80, v4, vm0, $0xb8;
	[tilespmem:$0xD200] =	vst v63  }
0x48a: {  	v4 =	vld [tilespmem:$0x890];
	_ =	sdelay $0x4  }
0x48b: {  	v7 =	vshll.u32 v4, $0x1  }
0x48c: {  	v4 =	vand.u32 $0x7, v4;
	v7 =	vand.u32 $0xFFFFFFF0, v7  }
0x48d: {  	v4 =	vor.u32 v4, v7  }
0x48e: {  	v7 =	vperm.xlane v4, v36;
	_ =	sdelay $0x1  }
0x48f: {  	v4 =	vperm.xlane v4, v39;
	v7 =	vadd.s32 v16, v7;
	_ =	sdelay $0x1  }
0x490: {  	v4 =	vadd.s32 v16, v4;
	_ =	sdelay $0x2  }
0x491: {  	[hbm4b:s3+s4] =	stream.indirect_vreg.scatter [tilespmem:s24], [sflag:$0xA], $0x80, v7, vm0, $0xb8;
	[tilespmem:$0xD200] =	vst v63  }
0x492: {  	_ = 	snop  }
0x493: {  	[hbm4b:s3+s4] =	stream.indirect_vreg.scatter [tilespmem:s25], [sflag:$0xA], $0x80, v4, vm0, $0xb8;
	[tilespmem:$0xD200] =	vst v63  }
0x494: {  	v4 =	vld.msk [tilespmem:$0x8A0], $0xff;
	_ =	sdelay $0x4  }
0x495: {  	v7 =	vshll.u32 v4, $0x1  }
0x496: {  	v4 =	vand.u32 $0x7, v4;
	v7 =	vand.u32 $0xFFFFFFF0, v7  }
0x497: {  	v4 =	vor.u32 v4, v7  }
0x498: {  	v4 =	vperm.xlane v4, v36;
	_ =	sdelay $0x1  }
0x499: {  	v4 =	vadd.s32 v16, v4;
	_ =	sdelay $0x1  }
0x49a: {  	v7 =	vperm.xlane v62, v36;
	_ =	sdelay $0x1  }
0x49b: {  	v41 =	vperm.xlane v62, v39;
	v7 =	vadd.s32 v16, v7  }
0x49c: {  	[hbm4b:s3+s4] =	stream.indirect_vreg.scatter [tilespmem:s26], [sflag:$0xA], $0x80, v4, vm0, $0xb8;
	[tilespmem:$0xD200] =	vst v63  }
0x49d: {  	v4 =	vadd.s32 v16, v41;
	[tilespmem:$0x900] =	vst v60  }
0x49e: {  	[tilespmem:$0x910] =	vst v13  }
0x49f: {  	[tilespmem:$0x918] =	vst v14  }
0x4a0: {  	[hbm4b:s3+s4] =	stream.indirect_vreg.scatter [tilespmem:s19], [sflag:$0xA], $0x80, v7, vm0, $0xb8;
	[tilespmem:$0xD200] =	vst v63  }
0x4a1: {  	_ = 	snop  }
0x4a2: {  	[hbm4b:s3+s4] =	stream.indirect_vreg.scatter [tilespmem:s20], [sflag:$0xA], $0x80, v4, vm0, $0xb8;
	[tilespmem:$0xD200] =	vst v63  }
0x4a3: {  	v4 =	vld [tilespmem:$0x910];
	_ =	sdelay $0x4  }
0x4a4: {  	v7 =	vshll.u32 v4, $0x1  }
0x4a5: {  	v4 =	vand.u32 $0x7, v4;
	v7 =	vand.u32 $0xFFFFFFF0, v7  }
0x4a6: {  	v4 =	vor.u32 v4, v7  }
0x4a7: {  	v7 =	vperm.xlane v4, v36;
	_ =	sdelay $0x1  }
0x4a8: {  	v4 =	vperm.xlane v4, v39;
	v7 =	vadd.s32 v16, v7;
	_ =	sdelay $0x1  }
0x4a9: {  	v4 =	vadd.s32 v16, v4;
	_ =	sdelay $0x2  }
0x4aa: {  	[hbm4b:s3+s4] =	stream.indirect_vreg.scatter [tilespmem:s24], [sflag:$0xA], $0x80, v7, vm0, $0xb8;
	[tilespmem:$0xD200] =	vst v63  }
0x4ab: {  	_ = 	snop  }
0x4ac: {  	[hbm4b:s3+s4] =	stream.indirect_vreg.scatter [tilespmem:s25], [sflag:$0xA], $0x80, v4, vm0, $0xb8;
	[tilespmem:$0xD200] =	vst v63  }
0x4ad: {  	v4 =	vld.msk [tilespmem:$0x920], $0xff;
	_ =	sdelay $0x4  }
0x4ae: {  	v7 =	vshll.u32 v4, $0x1  }
0x4af: {  	v4 =	vand.u32 $0x7, v4;
	v7 =	vand.u32 $0xFFFFFFF0, v7  }
0x4b0: {  	v4 =	vor.u32 v4, v7  }
0x4b1: {  	v4 =	vperm.xlane v4, v36;
	_ =	sdelay $0x1  }
0x4b2: {  	v4 =	vadd.s32 v16, v4;
	_ =	sdelay $0x1  }
0x4b3: {  	v7 =	vperm.xlane v26, v36;
	_ =	sdelay $0x1  }
0x4b4: {  	v41 =	vperm.xlane v26, v39;
	v7 =	vadd.s32 v16, v7  }
0x4b5: {  	[hbm4b:s3+s4] =	stream.indirect_vreg.scatter [tilespmem:s26], [sflag:$0xA], $0x80, v4, vm0, $0xb8;
	[tilespmem:$0xD200] =	vst v63  }
0x4b6: {  	v4 =	vadd.s32 v16, v41;
	[tilespmem:$0x980] =	vst v17  }
0x4b7: {  	[tilespmem:$0x990] =	vst v18  }
0x4b8: {  	[tilespmem:$0x998] =	vst v20  }
0x4b9: {  	[hbm4b:s3+s4] =	stream.indirect_vreg.scatter [tilespmem:s19], [sflag:$0xA], $0x80, v7, vm0, $0xb8;
	[tilespmem:$0xD200] =	vst v63  }
0x4ba: {  	_ = 	snop  }
0x4bb: {  	[hbm4b:s3+s4] =	stream.indirect_vreg.scatter [tilespmem:s20], [sflag:$0xA], $0x80, v4, vm0, $0xb8;
	[tilespmem:$0xD200] =	vst v63  }
0x4bc: {  	v4 =	vld [tilespmem:$0x990];
	_ =	sdelay $0x4  }
0x4bd: {  	v7 =	vshll.u32 v4, $0x1  }
0x4be: {  	v4 =	vand.u32 $0x7, v4;
	v7 =	vand.u32 $0xFFFFFFF0, v7  }
0x4bf: {  	v4 =	vor.u32 v4, v7  }
0x4c0: {  	v7 =	vperm.xlane v4, v36;
	_ =	sdelay $0x1  }
0x4c1: {  	v4 =	vperm.xlane v4, v39;
	v7 =	vadd.s32 v16, v7;
	_ =	sdelay $0x1  }
0x4c2: {  	v4 =	vadd.s32 v16, v4;
	_ =	sdelay $0x2  }
0x4c3: {  	[hbm4b:s3+s4] =	stream.indirect_vreg.scatter [tilespmem:s24], [sflag:$0xA], $0x80, v7, vm0, $0xb8;
	[tilespmem:$0xD200] =	vst v63  }
0x4c4: {  	_ = 	snop  }
0x4c5: {  	[hbm4b:s3+s4] =	stream.indirect_vreg.scatter [tilespmem:s25], [sflag:$0xA], $0x80, v4, vm0, $0xb8;
	[tilespmem:$0xD200] =	vst v63  }
0x4c6: {  	v4 =	vld.msk [tilespmem:$0x9A0], $0xff;
	_ =	sdelay $0x4  }
0x4c7: {  	v7 =	vshll.u32 v4, $0x1  }
0x4c8: {  	v4 =	vand.u32 $0x7, v4;
	v7 =	vand.u32 $0xFFFFFFF0, v7  }
0x4c9: {  	v4 =	vor.u32 v4, v7  }
0x4ca: {  	v4 =	vperm.xlane v4, v36;
	_ =	sdelay $0x1  }
0x4cb: {  	v4 =	vadd.s32 v16, v4;
	_ =	sdelay $0x4  }
0x4cc: {  	[hbm4b:s3+s4] =	stream.indirect_vreg.scatter [tilespmem:s26], [sflag:$0xA], $0x80, v4, vm0, $0xb8;
	[tilespmem:$0xD200] =	vst v63  }
0x4cd: {  	_ =	swait.ge [sflag:s28], $0x2800  }
0x4ce: {  	[sflag:s28] =	ssyncset.done $0x0  }
0x4cf: {  	[sflag:s28] =	ssyncadd.s32 $0xFFFFD800  }
0x4d0: {  	_ =	swait.ge [sflag:s28], $0x2800  }
0x4d1: {  	[sflag:s28] =	ssyncset.done $0x0  }
0x4d2: {  	[sflag:s28] =	ssyncadd.s32 $0xFFFFD800  }
0x4d3: {  	_ =	swait.ge [sflag:s28], $0x2800  }
0x4d4: {  	[sflag:s28] =	ssyncset.done $0x0  }
0x4d5: {  	[sflag:s28] =	ssyncadd.s32 $0xFFFFD800  }
0x4d6: {  	_ =	swait.ge [sflag:s28], $0x2800  }
0x4d7: {  	[sflag:s28] =	ssyncset.done $0x0  }
0x4d8: {  	[sflag:s28] =	ssyncadd.s32 $0xFFFFD800  }
0x4d9: {  	_ =	swait.ge [sflag:s6], $0x2800  }
0x4da: {  	[sflag:s6] =	ssyncset.done $0x0  }
0x4db: {  	[sflag:s6] =	ssyncadd.s32 $0xFFFFD800  }
0x4dc: {  	_ =	swait.ge [sflag:s6], $0x2800  }
0x4dd: {  	[sflag:s6] =	ssyncset.done $0x0  }
0x4de: {  	[sflag:s6] =	ssyncadd.s32 $0xFFFFD800  }
0x4df: {  	_ =	swait.ge [sflag:s6], $0x2800  }
0x4e0: {  	[sflag:s6] =	ssyncset.done $0x0  }
0x4e1: {  	[sflag:s6] =	ssyncadd.s32 $0xFFFFD800  }
0x4e2: {  	_ =	swait.ge [sflag:s6], $0x2800  }
0x4e3: {  	[sflag:s6] =	ssyncset.done $0x0  }
0x4e4: {  	[sflag:s6] =	ssyncadd.s32 $0xFFFFD800  }
0x4e5: {  	_ =	swait.ge [sflag:s12], $0x2800  }
0x4e6: {  	[sflag:s12] =	ssyncset.done $0x0  }
0x4e7: {  	[sflag:s12] =	ssyncadd.s32 $0xFFFFD800  }
0x4e8: {  	_ =	swait.ge [sflag:s12], $0x2800  }
0x4e9: {  	[sflag:s12] =	ssyncset.done $0x0  }
0x4ea: {  	[sflag:s12] =	ssyncadd.s32 $0xFFFFD800  }
0x4eb: {  	_ =	swait.ge [sflag:s12], $0x2800  }
0x4ec: {  	[sflag:s12] =	ssyncset.done $0x0  }
0x4ed: {  	[sflag:s12] =	ssyncadd.s32 $0xFFFFD800  }
0x4ee: {  	_ =	swait.ge [sflag:s12], $0x2800  }
0x4ef: {  	[sflag:s12] =	ssyncset.done $0x0  }
0x4f0: {  	[sflag:s12] =	ssyncadd.s32 $0xFFFFD800  }
0x4f1: {  	_ =	swait.ge [sflag:s1], $0x2800  }
0x4f2: {  	[sflag:s1] =	ssyncset.done $0x0  }
0x4f3: {  	[sflag:s1] =	ssyncadd.s32 $0xFFFFD800  }
0x4f4: {  	_ =	swait.ge [sflag:s1], $0x2800  }
0x4f5: {  	[sflag:s1] =	ssyncset.done $0x0  }
0x4f6: {  	[sflag:s1] =	ssyncadd.s32 $0xFFFFD800  }
0x4f7: {  	_ =	swait.ge [sflag:s1], $0x2800  }
0x4f8: {  	[sflag:s1] =	ssyncset.done $0x0  }
0x4f9: {  	[sflag:s1] =	ssyncadd.s32 $0xFFFFD800  }
0x4fa: {  	_ =	swait.ge [sflag:s1], $0x2800  }
0x4fb: {  	[sflag:s1] =	ssyncset.done $0x0  }
0x4fc: {  	[sflag:s1] =	ssyncadd.s32 $0xFFFFD800  }
0x4fd: {  	_ =	swait.ge [sflag:s17], $0x2800  }
0x4fe: {  	[sflag:s17] =	ssyncset.done $0x0  }
0x4ff: {  	[sflag:s17] =	ssyncadd.s32 $0xFFFFD800  }
0x500: {  	_ =	swait.ge [sflag:s17], $0x2800  }
0x501: {  	[sflag:s17] =	ssyncset.done $0x0  }
0x502: {  	[sflag:s17] =	ssyncadd.s32 $0xFFFFD800  }
0x503: {  	_ =	swait.ge [sflag:s17], $0x2800  }
0x504: {  	[sflag:s17] =	ssyncset.done $0x0  }
0x505: {  	[sflag:s17] =	ssyncadd.s32 $0xFFFFD800  }
0x506: {  	_ =	swait.ge [sflag:s17], $0x2800  }
0x507: {  	s13 =	rddreg [dreg:$0xa]  }
0x508: {  	s18 =	rddreg [dreg:$0x8];
	s13 =	sadd.s32 $0x1, s13  }
0x509: {  	s14 =	simm.s32 $0x5A00;
	s30 =	simm.s32 $0x2200;
	p0 =	sne.s32 s13, s18  }
.Ltmp1:
0x50a: {  	s31 =	simm.s32 $0x2A00;
	s0 =	simm.s32 $0xA00;
	(pc) =	sbr.rel @p0 .LBB2_1-.Ltmp1, $4  }
0x50b: {  	s2 =	simm.s32 $0x4A00;
	s7 =	simm.s32 $0x8200;
	s10 =	simm.s32 $0x5200  }
0x50c: {  	s11 =	simm.s32 $0xAA00;
	s9 =	simm.s32 $0x4200;
	s8 =	simm.s32 $0x3A00  }
0x50d: {  	s5 =	simm.s32 $0x3200;
	s24 =	simm.s32 $0x1;
	[sflag:s17] =	ssyncset.done $0x0  }
0x50e: {  	s25 =	simm.s32 $0x1200;
	s26 =	simm.s32 $0x1A00;
	[sflag:s17] =	ssyncadd.s32 $0xFFFFD800  }
0x50f: {  	_ =	sfence.sel $0x180000  }
0x510: {  	[bflag:$0x0] =	sbarrier.arrive $0xFFFF  }
0x511: {  	_ =	strace $0x90000047  }
0x512: {  	s0 =	stileid.u32;
	[bflag:$0x2] =	sbarrier.arrive $0xFFFF  }
0x513: {  	p0 =	sne.s32 s0, $0x0;
	s0 =	rddreg [dreg:$0x2]  }
0x514: {  	s0 =	sadd.s32 @!p0 $0x100000, s0  }
0x515: {  	[sflag:s0] =	ssyncadd.tile.s32 @!p0 $0x1;
	_ =	shalt  }
.Lfunc_end2:
_tile_overlayer_lowered:
.L_overlay_start_2:
0x516: {  	(tag) =	ssettag $0x2  }
0x517: {  	s0 =	rddreg [dreg:$0x0];
	s2 =	stileid.u32  }
0x518: {  	s1 =	rddreg [dreg:$0x1];
	p0 =	sne.s32 s2, $0x0  }
0x519: {  	s3 =	rddreg [dreg:$0x2];
	[bflag:$0x3] =	sbarrier.arrive $0xFFFF;
	s2 =	simm.s32 @!p0 $0x1C0B  }
0x51a: {  	[timem:s3], [sflag:s2] =	dma.local @!p0 [hbm:s0], s1  }
0x51b: {  	s0 =	simm.s32 @!p0 $0xB  }
0x51c: {  	_ =	swait.ge @!p0 [sflag:s0], s1  }
0x51d: {  	s1 =	ssub.s32 @!p0 $0x0, s1;
	[sflag:s0] =	ssyncset.done @!p0 $0x0  }
0x51e: {  	[sflag:s0] =	ssyncadd.s32 @!p0 s1  }
0x51f: {  	[bflag:$0x3] =	sbarrier.arrive $0xFFFF  }
0x520: {  	_ =	shalt  }

</sc_bundles>
